<compile_context>
chip_gen: v7x
topology: tpu7x:2x2x1
jax: 0.10.2.dev20260603
libtpu: 0.0.44.dev20260713+nightly
codegen_flags: <defaults>
</compile_context>

<pallas_src>
import functools

import numpy as np

import jax
import jax.numpy as jnp
from jax import lax
from jax.experimental import pallas as pl
from jax.experimental.pallas import tpu as pltpu
from jax.experimental.pallas import tpu_sc as plsc

_B = 4096
_L = 50
_NW = 32
_ROWS_W = _B // _NW
_QROWS = _ROWS_W // 4
_OCTS = _QROWS // 8
_CHUNKS = (8 * _L) // 16

_BASES = (0, 22, 26, 30)
_SCALED = (True, False, False, True)


def _consts():
    jj = np.arange(8 * _L)
    srcr = (jj // _L).astype(np.int32)
    srcl = (jj % _L).astype(np.int32)
    dstc = (2 * (jj % _L)).astype(np.int32)
    return jnp.asarray(srcr), jnp.asarray(srcl), jnp.asarray(dstc)


_mesh = plsc.VectorSubcoreMesh(core_axis_name="c", subcore_axis_name="s")


@functools.partial(
    pl.kernel,
    out_type=jax.ShapeDtypeStruct((_B, _L * 8), jnp.float32),
    name="lambda_signature_lookup",
    mesh=_mesh,
    compiler_params=pltpu.CompilerParams(needs_layout_passes=False),
    scratch_types=[
        [pltpu.VMEM((_L, _ROWS_W), jnp.float32) for _ in range(4)],
        [pltpu.VMEM((_QROWS, _L * 8), jnp.float32) for _ in range(2)],
        pltpu.VMEM((64,), jnp.float32),
        pltpu.VMEM((3 * 8 * _L,), jnp.int32),
        pltpu.SemaphoreType.DMA,
        [pltpu.SemaphoreType.DMA for _ in range(2)],
    ],
)
def _sc_lookup(sigsT_hbm, tab_hbm, idx_hbm, out_hbm,
               in_bufs, out_bufs, tab_v, idx_v, in_sem, out_sems):
    wid = lax.axis_index("s") * 2 + lax.axis_index("c")
    base_row = wid * _ROWS_W

    def in_copy(f):
        return pltpu.make_async_copy(
            sigsT_hbm.at[f, :, pl.ds(base_row, _ROWS_W)], in_bufs[f], in_sem)

    for f in range(4):
        in_copy(f).start()
    pltpu.sync_copy(tab_hbm, tab_v)
    pltpu.sync_copy(idx_hbm, idx_v)

    def out_copy(q):
        rows = pl.ds(base_row + q * _QROWS, _QROWS)
        return pltpu.make_async_copy(out_bufs[q % 2], out_hbm.at[rows],
                                     out_sems[q % 2])

    for f in range(4):
        in_copy(f).wait()

    for q in range(4):
        if q >= 2:
            out_copy(q - 2).wait()

        out_v = out_bufs[q % 2]
        for f in range(4):
            sv = in_bufs[f]

            def k_body(k, _, sv=sv, base=_BASES[f], scaled=_SCALED[f],
                       fcol=f * 100, out_v=out_v, qoff=q * _QROWS):
                k16 = k * 16
                sr = idx_v[pl.ds(k16, 16)]
                sl = idx_v[pl.ds(400 + k16, 16)]
                c0 = idx_v[pl.ds(800 + k16, 16)] + fcol

                @plsc.parallel_loop(0, _OCTS, 1, unroll=4)
                def o_body(o):
                    ro = sr + o * 8
                    s = plsc.load_gather(sv, [sl, ro + qoff])
                    if scaled:
                        s = s * jnp.float32(10.0)
                    t = s.astype(jnp.int32)
                    idx = t + t + base
                    v0 = plsc.load_gather(tab_v, [idx])
                    v1 = plsc.load_gather(tab_v, [idx + 1])
                    plsc.store_scatter(out_v, [ro, c0], v0)
                    plsc.store_scatter(out_v, [ro, c0 + 1], v1)

                return 0

            lax.fori_loop(0, _CHUNKS, k_body, 0)

        out_copy(q).start()

    out_copy(2).wait()
    out_copy(3).wait()


def kernel(sigs, frac_applicable_embed, bool_true_embed, bool_false_embed, frac_tf_embed):
    B, L, _ = sigs.shape
    tab = jnp.concatenate([
        frac_applicable_embed.reshape(-1),
        bool_true_embed.reshape(-1),
        bool_false_embed.reshape(-1),
        frac_tf_embed.reshape(-1),
    ])
    tab = jnp.pad(tab, (0, 64 - tab.shape[0]))
    srcr, srcl, dstc = _consts()
    idx = jnp.concatenate([srcr, srcl, dstc])
    sigsT = jnp.transpose(sigs, (2, 1, 0))
    return _sc_lookup(sigsT, tab, idx)

# --- scband reference (transcript-rebuilt; emitter-appended) ---
"""Pipeline reference for scband-lambda-signature-24781961298099 (READ-ONLY COPY).

The authoritative reference and input builder live on the scoring server;
editing this copy changes nothing except your own understanding.
"""

import jax, jax.numpy as jnp
import numpy as np

LEN_SIG = 50
BATCH = 4096


def setup_inputs(seed: int = 0) -> dict:
    key = jax.random.key(seed)
    ks = jax.random.split(key, 5)
    # list_signatures modeled as a dense float tensor [B, L, 4] with values in [0, 1):
    # column 0 = frac_applicable, 1 = all_true flag, 2 = all_false flag, 3 = frac_tf
    sigs = jax.random.uniform(ks[0], (BATCH, LEN_SIG, 4), dtype=jnp.float32)
    frac_applicable_embed = jax.random.normal(ks[1], (11, 2), dtype=jnp.float32)
    bool_true_embed = jax.random.normal(ks[2], (2, 2), dtype=jnp.float32)
    bool_false_embed = jax.random.normal(ks[3], (2, 2), dtype=jnp.float32)
    frac_tf_embed = jax.random.normal(ks[4], (11, 2), dtype=jnp.float32)
    return {
        "sigs": sigs,
        "frac_applicable_embed": frac_applicable_embed,
        "bool_true_embed": bool_true_embed,
        "bool_false_embed": bool_false_embed,
        "frac_tf_embed": frac_tf_embed,
    }


def reference(sigs, frac_applicable_embed, bool_true_embed, bool_false_embed, frac_tf_embed):
    B, L, _ = sigs.shape
    # int(sig * 10) -> truncation toward zero (values are non-negative)
    frac_app_idx = (sigs[..., 0] * 10.0).astype(jnp.int32)
    all_true_idx = sigs[..., 1].astype(jnp.int32)
    all_false_idx = sigs[..., 2].astype(jnp.int32)
    frac_tf_idx = (sigs[..., 3] * 10.0).astype(jnp.int32)

    e_frac_app = jnp.take(frac_applicable_embed, frac_app_idx, axis=0).reshape(B, L * 2)
    e_all_true = jnp.take(bool_true_embed, all_true_idx, axis=0).reshape(B, L * 2)
    e_all_false = jnp.take(bool_false_embed, all_false_idx, axis=0).reshape(B, L * 2)
    e_frac_tf = jnp.take(frac_tf_embed, frac_tf_idx, axis=0).reshape(B, L * 2)

    feat_embed = jnp.concatenate([e_frac_app, e_all_true, e_all_false, e_frac_tf], axis=-1)
    return feat_embed

if __name__ == "__main__":
    import jax
    _d = setup_inputs()
    print(jax.jit(kernel)(*tuple(_d.values())))

</pallas_src>

<mosaic_0001>
#map = affine_map<(d0, d1) -> (0, 0, 0)>
#map1 = affine_map<(d0, d1) -> (0)>
#map2 = affine_map<(d0, d1) -> (0, 0)>
module attributes {stable_mosaic.version = 14 : i64} {
  func.func @lambda_signature_lookup(%arg0: i32, %arg1: i32, %arg2: memref<4x50x4096xf32, #tpu.memory_space<hbm>>, %arg3: memref<64xf32, #tpu.memory_space<hbm>>, %arg4: memref<1200xi32, #tpu.memory_space<hbm>>, %arg5: memref<4096x400xf32, #tpu.memory_space<hbm>>, %arg6: memref<50x128xf32, #tpu.memory_space<vmem>>, %arg7: memref<50x128xf32, #tpu.memory_space<vmem>>, %arg8: memref<50x128xf32, #tpu.memory_space<vmem>>, %arg9: memref<50x128xf32, #tpu.memory_space<vmem>>, %arg10: memref<32x400xf32, #tpu.memory_space<vmem>>, %arg11: memref<32x400xf32, #tpu.memory_space<vmem>>, %arg12: memref<64xf32, #tpu.memory_space<vmem>>, %arg13: memref<1200xi32, #tpu.memory_space<vmem>>, %arg14: memref<!tpu.dma_semaphore, #tpu.memory_space<semaphore_mem>>, %arg15: memref<!tpu.dma_semaphore, #tpu.memory_space<semaphore_mem>>, %arg16: memref<!tpu.dma_semaphore, #tpu.memory_space<semaphore_mem>>) attributes {dimension_semantics = [#tpu.dimension_semantics<core_parallel>, #tpu.dimension_semantics<subcore_parallel>], iteration_bounds = array<i64: 2, 16>, scalar_prefetch = 0 : i64, scratch_operands = 11 : i64, tpu.core_type = #tpu.core_type<sc_vector_subcore>, window_params = [{transform_indices = #map}, {transform_indices = #map1}, {transform_indices = #map1}, {transform_indices = #map2}]} {
    %mul3A = arith.constant 2 : i32
    %mul3A_0 = arith.muli %arg1, %mul3A : i32
    %add3A = arith.addi %mul3A_0, %arg0 : i32
    %mul3A_1 = arith.constant 128 : i32
    %mul3A_2 = arith.muli %add3A, %mul3A_1 : i32
    %dma_start3A = arith.constant 0 : i32
    %dma_start3A_3 = arith.constant 0 : i32
    %dma_start3A_4 = tpu.memref_slice %arg2[%dma_start3A, %dma_start3A_3, %mul3A_2] : memref<4x50x4096xf32, #tpu.memory_space<hbm>> -> memref<1x50x128xf32, #tpu.memory_space<hbm>>
    %dma_start3A_5 = tpu.memref_squeeze %dma_start3A_4 : memref<1x50x128xf32, #tpu.memory_space<hbm>> -> memref<50x128xf32, #tpu.memory_space<hbm>>
    %dma_start3A_6 = arith.constant 0 : i32
    %dma_start3A_7 = tpu.memref_slice %arg2[%dma_start3A, %dma_start3A_6, %mul3A_2] : memref<4x50x4096xf32, #tpu.memory_space<hbm>> -> memref<1x50x128xf32, #tpu.memory_space<hbm>>
    %dma_start3A_8 = tpu.memref_squeeze %dma_start3A_7 : memref<1x50x128xf32, #tpu.memory_space<hbm>> -> memref<50x128xf32, #tpu.memory_space<hbm>>
    tpu.enqueue_dma source(%dma_start3A_8 : memref<50x128xf32, #tpu.memory_space<hbm>>) target(%arg6 : memref<50x128xf32, #tpu.memory_space<vmem>>) target_semaphore(%arg14 : memref<!tpu.dma_semaphore, #tpu.memory_space<semaphore_mem>>)
    %dma_start3A_9 = arith.constant 1 : i32
    %dma_start3A_10 = arith.constant 0 : i32
    %dma_start3A_11 = tpu.memref_slice %arg2[%dma_start3A_9, %dma_start3A_10, %mul3A_2] : memref<4x50x4096xf32, #tpu.memory_space<hbm>> -> memref<1x50x128xf32, #tpu.memory_space<hbm>>
    %dma_start3A_12 = tpu.memref_squeeze %dma_start3A_11 : memref<1x50x128xf32, #tpu.memory_space<hbm>> -> memref<50x128xf32, #tpu.memory_space<hbm>>
    %dma_start3A_13 = arith.constant 0 : i32
    %dma_start3A_14 = tpu.memref_slice %arg2[%dma_start3A_9, %dma_start3A_13, %mul3A_2] : memref<4x50x4096xf32, #tpu.memory_space<hbm>> -> memref<1x50x128xf32, #tpu.memory_space<hbm>>
    %dma_start3A_15 = tpu.memref_squeeze %dma_start3A_14 : memref<1x50x128xf32, #tpu.memory_space<hbm>> -> memref<50x128xf32, #tpu.memory_space<hbm>>
    tpu.enqueue_dma source(%dma_start3A_15 : memref<50x128xf32, #tpu.memory_space<hbm>>) target(%arg7 : memref<50x128xf32, #tpu.memory_space<vmem>>) target_semaphore(%arg14 : memref<!tpu.dma_semaphore, #tpu.memory_space<semaphore_mem>>)
    %dma_start3A_16 = arith.constant 2 : i32
    %dma_start3A_17 = arith.constant 0 : i32
    %dma_start3A_18 = tpu.memref_slice %arg2[%dma_start3A_16, %dma_start3A_17, %mul3A_2] : memref<4x50x4096xf32, #tpu.memory_space<hbm>> -> memref<1x50x128xf32, #tpu.memory_space<hbm>>
    %dma_start3A_19 = tpu.memref_squeeze %dma_start3A_18 : memref<1x50x128xf32, #tpu.memory_space<hbm>> -> memref<50x128xf32, #tpu.memory_space<hbm>>
    %dma_start3A_20 = arith.constant 0 : i32
    %dma_start3A_21 = tpu.memref_slice %arg2[%dma_start3A_16, %dma_start3A_20, %mul3A_2] : memref<4x50x4096xf32, #tpu.memory_space<hbm>> -> memref<1x50x128xf32, #tpu.memory_space<hbm>>
    %dma_start3A_22 = tpu.memref_squeeze %dma_start3A_21 : memref<1x50x128xf32, #tpu.memory_space<hbm>> -> memref<50x128xf32, #tpu.memory_space<hbm>>
    tpu.enqueue_dma source(%dma_start3A_22 : memref<50x128xf32, #tpu.memory_space<hbm>>) target(%arg8 : memref<50x128xf32, #tpu.memory_space<vmem>>) target_semaphore(%arg14 : memref<!tpu.dma_semaphore, #tpu.memory_space<semaphore_mem>>)
    %dma_start3A_23 = arith.constant 3 : i32
    %dma_start3A_24 = arith.constant 0 : i32
    %dma_start3A_25 = tpu.memref_slice %arg2[%dma_start3A_23, %dma_start3A_24, %mul3A_2] : memref<4x50x4096xf32, #tpu.memory_space<hbm>> -> memref<1x50x128xf32, #tpu.memory_space<hbm>>
    %dma_start3A_26 = tpu.memref_squeeze %dma_start3A_25 : memref<1x50x128xf32, #tpu.memory_space<hbm>> -> memref<50x128xf32, #tpu.memory_space<hbm>>
    %dma_start3A_27 = arith.constant 0 : i32
    %dma_start3A_28 = tpu.memref_slice %arg2[%dma_start3A_23, %dma_start3A_27, %mul3A_2] : memref<4x50x4096xf32, #tpu.memory_space<hbm>> -> memref<1x50x128xf32, #tpu.memory_space<hbm>>
    %dma_start3A_29 = tpu.memref_squeeze %dma_start3A_28 : memref<1x50x128xf32, #tpu.memory_space<hbm>> -> memref<50x128xf32, #tpu.memory_space<hbm>>
    tpu.enqueue_dma source(%dma_start3A_29 : memref<50x128xf32, #tpu.memory_space<hbm>>) target(%arg9 : memref<50x128xf32, #tpu.memory_space<vmem>>) target_semaphore(%arg14 : memref<!tpu.dma_semaphore, #tpu.memory_space<semaphore_mem>>)
    "tpu.region"() ({
      %run_scoped3A = tpu.sem_alloc : memref<!tpu.dma_semaphore, #tpu.memory_space<semaphore_mem>>
      tpu.enqueue_dma source(%arg3 : memref<64xf32, #tpu.memory_space<hbm>>) target(%arg12 : memref<64xf32, #tpu.memory_space<vmem>>) target_semaphore(%run_scoped3A : memref<!tpu.dma_semaphore, #tpu.memory_space<semaphore_mem>>)
      tpu.wait_dma2 semaphore(%run_scoped3A : memref<!tpu.dma_semaphore, #tpu.memory_space<semaphore_mem>>) src(%arg3 : memref<64xf32, #tpu.memory_space<hbm>>) dst(%arg12 : memref<64xf32, #tpu.memory_space<vmem>>)
      tpu.yield
    }) : () -> ()
    "tpu.region"() ({
      %run_scoped3A = tpu.sem_alloc : memref<!tpu.dma_semaphore, #tpu.memory_space<semaphore_mem>>
      tpu.enqueue_dma source(%arg4 : memref<1200xi32, #tpu.memory_space<hbm>>) target(%arg13 : memref<1200xi32, #tpu.memory_space<vmem>>) target_semaphore(%run_scoped3A : memref<!tpu.dma_semaphore, #tpu.memory_space<semaphore_mem>>)
      tpu.wait_dma2 semaphore(%run_scoped3A : memref<!tpu.dma_semaphore, #tpu.memory_space<semaphore_mem>>) src(%arg4 : memref<1200xi32, #tpu.memory_space<hbm>>) dst(%arg13 : memref<1200xi32, #tpu.memory_space<vmem>>)
      tpu.yield
    }) : () -> ()
    %dma_wait3A = arith.constant 0 : i32
    %dma_wait3A_30 = arith.constant 0 : i32
    %dma_wait3A_31 = tpu.memref_slice %arg2[%dma_wait3A, %dma_wait3A_30, %mul3A_2] : memref<4x50x4096xf32, #tpu.memory_space<hbm>> -> memref<1x50x128xf32, #tpu.memory_space<hbm>>
    %dma_wait3A_32 = tpu.memref_squeeze %dma_wait3A_31 : memref<1x50x128xf32, #tpu.memory_space<hbm>> -> memref<50x128xf32, #tpu.memory_space<hbm>>
    %dma_wait3A_33 = arith.constant 0 : i32
    %dma_wait3A_34 = tpu.memref_slice %arg2[%dma_wait3A, %dma_wait3A_33, %mul3A_2] : memref<4x50x4096xf32, #tpu.memory_space<hbm>> -> memref<1x50x128xf32, #tpu.memory_space<hbm>>
    %dma_wait3A_35 = tpu.memref_squeeze %dma_wait3A_34 : memref<1x50x128xf32, #tpu.memory_space<hbm>> -> memref<50x128xf32, #tpu.memory_space<hbm>>
    tpu.wait_dma2 semaphore(%arg14 : memref<!tpu.dma_semaphore, #tpu.memory_space<semaphore_mem>>) src(%dma_wait3A_35 : memref<50x128xf32, #tpu.memory_space<hbm>>) dst(%arg6 : memref<50x128xf32, #tpu.memory_space<vmem>>)
    %dma_wait3A_36 = arith.constant 1 : i32
    %dma_wait3A_37 = arith.constant 0 : i32
    %dma_wait3A_38 = tpu.memref_slice %arg2[%dma_wait3A_36, %dma_wait3A_37, %mul3A_2] : memref<4x50x4096xf32, #tpu.memory_space<hbm>> -> memref<1x50x128xf32, #tpu.memory_space<hbm>>
    %dma_wait3A_39 = tpu.memref_squeeze %dma_wait3A_38 : memref<1x50x128xf32, #tpu.memory_space<hbm>> -> memref<50x128xf32, #tpu.memory_space<hbm>>
    %dma_wait3A_40 = arith.constant 0 : i32
    %dma_wait3A_41 = tpu.memref_slice %arg2[%dma_wait3A_36, %dma_wait3A_40, %mul3A_2] : memref<4x50x4096xf32, #tpu.memory_space<hbm>> -> memref<1x50x128xf32, #tpu.memory_space<hbm>>
    %dma_wait3A_42 = tpu.memref_squeeze %dma_wait3A_41 : memref<1x50x128xf32, #tpu.memory_space<hbm>> -> memref<50x128xf32, #tpu.memory_space<hbm>>
    tpu.wait_dma2 semaphore(%arg14 : memref<!tpu.dma_semaphore, #tpu.memory_space<semaphore_mem>>) src(%dma_wait3A_42 : memref<50x128xf32, #tpu.memory_space<hbm>>) dst(%arg7 : memref<50x128xf32, #tpu.memory_space<vmem>>)
    %dma_wait3A_43 = arith.constant 2 : i32
    %dma_wait3A_44 = arith.constant 0 : i32
    %dma_wait3A_45 = tpu.memref_slice %arg2[%dma_wait3A_43, %dma_wait3A_44, %mul3A_2] : memref<4x50x4096xf32, #tpu.memory_space<hbm>> -> memref<1x50x128xf32, #tpu.memory_space<hbm>>
    %dma_wait3A_46 = tpu.memref_squeeze %dma_wait3A_45 : memref<1x50x128xf32, #tpu.memory_space<hbm>> -> memref<50x128xf32, #tpu.memory_space<hbm>>
    %dma_wait3A_47 = arith.constant 0 : i32
    %dma_wait3A_48 = tpu.memref_slice %arg2[%dma_wait3A_43, %dma_wait3A_47, %mul3A_2] : memref<4x50x4096xf32, #tpu.memory_space<hbm>> -> memref<1x50x128xf32, #tpu.memory_space<hbm>>
    %dma_wait3A_49 = tpu.memref_squeeze %dma_wait3A_48 : memref<1x50x128xf32, #tpu.memory_space<hbm>> -> memref<50x128xf32, #tpu.memory_space<hbm>>
    tpu.wait_dma2 semaphore(%arg14 : memref<!tpu.dma_semaphore, #tpu.memory_space<semaphore_mem>>) src(%dma_wait3A_49 : memref<50x128xf32, #tpu.memory_space<hbm>>) dst(%arg8 : memref<50x128xf32, #tpu.memory_space<vmem>>)
    %dma_wait3A_50 = arith.constant 3 : i32
    %dma_wait3A_51 = arith.constant 0 : i32
    %dma_wait3A_52 = tpu.memref_slice %arg2[%dma_wait3A_50, %dma_wait3A_51, %mul3A_2] : memref<4x50x4096xf32, #tpu.memory_space<hbm>> -> memref<1x50x128xf32, #tpu.memory_space<hbm>>
    %dma_wait3A_53 = tpu.memref_squeeze %dma_wait3A_52 : memref<1x50x128xf32, #tpu.memory_space<hbm>> -> memref<50x128xf32, #tpu.memory_space<hbm>>
    %dma_wait3A_54 = arith.constant 0 : i32
    %dma_wait3A_55 = tpu.memref_slice %arg2[%dma_wait3A_50, %dma_wait3A_54, %mul3A_2] : memref<4x50x4096xf32, #tpu.memory_space<hbm>> -> memref<1x50x128xf32, #tpu.memory_space<hbm>>
    %dma_wait3A_56 = tpu.memref_squeeze %dma_wait3A_55 : memref<1x50x128xf32, #tpu.memory_space<hbm>> -> memref<50x128xf32, #tpu.memory_space<hbm>>
    tpu.wait_dma2 semaphore(%arg14 : memref<!tpu.dma_semaphore, #tpu.memory_space<semaphore_mem>>) src(%dma_wait3A_56 : memref<50x128xf32, #tpu.memory_space<hbm>>) dst(%arg9 : memref<50x128xf32, #tpu.memory_space<vmem>>)
    %scan3A = arith.constant 0 : i32
    %scan3A_57 = arith.constant 0 : i32
    %scan3A_58 = arith.constant 25 : i32
    %scan3A_59 = arith.addi %scan3A_57, %scan3A_58 : i32
    %scan3A_60 = arith.constant 1 : i32
    %scan3A_61 = scf.for %scan3A_216 = %scan3A_57 to %scan3A_59 step %scan3A_60 iter_args(%scan3A_217 = %scan3A) -> (i32)  : i32 {
      %mul3A_218 = arith.constant 16 : i32
      %mul3A_219 = arith.muli %scan3A_216, %mul3A_218 : i32
      %get3A = arith.index_cast %mul3A_219 : i32 to index
      %get3A_220 = tpu.vector_load %arg13[%get3A] {strides = array<i32>} : memref<1200xi32, #tpu.memory_space<vmem>>, vector<16xi32>,
      %add3A_221 = arith.constant 400 : i32
      %add3A_222 = arith.addi %add3A_221, %mul3A_219 : i32
      %get3A_223 = arith.index_cast %add3A_222 : i32 to index
      %get3A_224 = tpu.vector_load %arg13[%get3A_223] {strides = array<i32>} : memref<1200xi32, #tpu.memory_space<vmem>>, vector<16xi32>,
      %add3A_225 = arith.constant 800 : i32
      %add3A_226 = arith.addi %add3A_225, %mul3A_219 : i32
      %get3A_227 = arith.index_cast %add3A_226 : i32 to index
      %get3A_228 = tpu.vector_load %arg13[%get3A_227] {strides = array<i32>} : memref<1200xi32, #tpu.memory_space<vmem>>, vector<16xi32>,
      %add3A_229 = arith.constant 0 : i32
      %add3A_230 = vector.broadcast %add3A_229 : i32 to vector<16xi32>
      %add3A_231 = arith.addi %get3A_228, %add3A_230 : vector<16xi32>
      %parallel_loop3A = arith.constant 0 : i32
      %parallel_loop3A_232 = arith.constant 4 : i32
      %parallel_loop3A_233 = arith.constant 1 : i32
      scf.for %parallel_loop3A_235 = %parallel_loop3A to %parallel_loop3A_232 step %parallel_loop3A_233  : i32 {
        %parallel_loop3A_236 = arith.constant 8 : i32
        %parallel_loop3A_237 = arith.muli %parallel_loop3A_235, %parallel_loop3A_236 : i32
        %parallel_loop3A_238 = vector.broadcast %parallel_loop3A_237 : i32 to vector<16xi32>
        %parallel_loop3A_239 = arith.addi %get3A_220, %parallel_loop3A_238 : vector<16xi32>
        %parallel_loop3A_240 = arith.constant 0 : i32
        %parallel_loop3A_241 = vector.broadcast %parallel_loop3A_240 : i32 to vector<16xi32>
        %parallel_loop3A_242 = arith.addi %parallel_loop3A_239, %parallel_loop3A_241 : vector<16xi32>
        %parallel_loop3A_243 = tpu.vector_load_idx %arg6[%get3A_224, %parallel_loop3A_242] : memref<50x128xf32, #tpu.memory_space<vmem>>[vector<16xi32>, vector<16xi32>], vector<16xf32>,
        %parallel_loop3A_244 = arith.constant 1.000000e+01 : f32
        %parallel_loop3A_245 = vector.broadcast %parallel_loop3A_244 : f32 to vector<16xf32>
        %parallel_loop3A_246 = arith.mulf %parallel_loop3A_243, %parallel_loop3A_245 : vector<16xf32>
        %parallel_loop3A_247 = arith.fptosi %parallel_loop3A_246 : vector<16xf32> to vector<16xi32>
        %parallel_loop3A_248 = arith.addi %parallel_loop3A_247, %parallel_loop3A_247 : vector<16xi32>
        %parallel_loop3A_249 = arith.constant 0 : i32
        %parallel_loop3A_250 = vector.broadcast %parallel_loop3A_249 : i32 to vector<16xi32>
        %parallel_loop3A_251 = arith.addi %parallel_loop3A_248, %parallel_loop3A_250 : vector<16xi32>
        %parallel_loop3A_252 = tpu.vector_load_idx %arg12[%parallel_loop3A_251] : memref<64xf32, #tpu.memory_space<vmem>>[vector<16xi32>], vector<16xf32>,
        %parallel_loop3A_253 = arith.constant 1 : i32
        %parallel_loop3A_254 = vector.broadcast %parallel_loop3A_253 : i32 to vector<16xi32>
        %parallel_loop3A_255 = arith.addi %parallel_loop3A_251, %parallel_loop3A_254 : vector<16xi32>
        %parallel_loop3A_256 = tpu.vector_load_idx %arg12[%parallel_loop3A_255] : memref<64xf32, #tpu.memory_space<vmem>>[vector<16xi32>], vector<16xf32>,
        tpu.vector_store_idx %arg10[%parallel_loop3A_239, %add3A_231], %parallel_loop3A_252 : memref<32x400xf32, #tpu.memory_space<vmem>>[vector<16xi32>, vector<16xi32>], vector<16xf32>,
        %parallel_loop3A_257 = arith.constant 1 : i32
        %parallel_loop3A_258 = vector.broadcast %parallel_loop3A_257 : i32 to vector<16xi32>
        %parallel_loop3A_259 = arith.addi %add3A_231, %parallel_loop3A_258 : vector<16xi32>
        tpu.vector_store_idx %arg10[%parallel_loop3A_239, %parallel_loop3A_259], %parallel_loop3A_256 : memref<32x400xf32, #tpu.memory_space<vmem>>[vector<16xi32>, vector<16xi32>], vector<16xf32>,
      } {sc.loop_unroll_factor = 4 : i64, sc.parallel_access}
      %scan3A_234 = arith.constant 0 : i32
      scf.yield %scan3A_234 : i32
    }
    %scan3A_62 = arith.constant 25 : i32
    %scan3A_63 = arith.constant 0 : i32
    %scan3A_64 = arith.constant 0 : i32
    %scan3A_65 = arith.constant 25 : i32
    %scan3A_66 = arith.addi %scan3A_64, %scan3A_65 : i32
    %scan3A_67 = arith.constant 1 : i32
    %scan3A_68 = scf.for %scan3A_216 = %scan3A_64 to %scan3A_66 step %scan3A_67 iter_args(%scan3A_217 = %scan3A_63) -> (i32)  : i32 {
      %mul3A_218 = arith.constant 16 : i32
      %mul3A_219 = arith.muli %scan3A_216, %mul3A_218 : i32
      %get3A = arith.index_cast %mul3A_219 : i32 to index
      %get3A_220 = tpu.vector_load %arg13[%get3A] {strides = array<i32>} : memref<1200xi32, #tpu.memory_space<vmem>>, vector<16xi32>,
      %add3A_221 = arith.constant 400 : i32
      %add3A_222 = arith.addi %add3A_221, %mul3A_219 : i32
      %get3A_223 = arith.index_cast %add3A_222 : i32 to index
      %get3A_224 = tpu.vector_load %arg13[%get3A_223] {strides = array<i32>} : memref<1200xi32, #tpu.memory_space<vmem>>, vector<16xi32>,
      %add3A_225 = arith.constant 800 : i32
      %add3A_226 = arith.addi %add3A_225, %mul3A_219 : i32
      %get3A_227 = arith.index_cast %add3A_226 : i32 to index
      %get3A_228 = tpu.vector_load %arg13[%get3A_227] {strides = array<i32>} : memref<1200xi32, #tpu.memory_space<vmem>>, vector<16xi32>,
      %add3A_229 = arith.constant 100 : i32
      %add3A_230 = vector.broadcast %add3A_229 : i32 to vector<16xi32>
      %add3A_231 = arith.addi %get3A_228, %add3A_230 : vector<16xi32>
      %parallel_loop3A = arith.constant 0 : i32
      %parallel_loop3A_232 = arith.constant 4 : i32
      %parallel_loop3A_233 = arith.constant 1 : i32
      scf.for %parallel_loop3A_235 = %parallel_loop3A to %parallel_loop3A_232 step %parallel_loop3A_233  : i32 {
        %parallel_loop3A_236 = arith.constant 8 : i32
        %parallel_loop3A_237 = arith.muli %parallel_loop3A_235, %parallel_loop3A_236 : i32
        %parallel_loop3A_238 = vector.broadcast %parallel_loop3A_237 : i32 to vector<16xi32>
        %parallel_loop3A_239 = arith.addi %get3A_220, %parallel_loop3A_238 : vector<16xi32>
        %parallel_loop3A_240 = arith.constant 0 : i32
        %parallel_loop3A_241 = vector.broadcast %parallel_loop3A_240 : i32 to vector<16xi32>
        %parallel_loop3A_242 = arith.addi %parallel_loop3A_239, %parallel_loop3A_241 : vector<16xi32>
        %parallel_loop3A_243 = tpu.vector_load_idx %arg7[%get3A_224, %parallel_loop3A_242] : memref<50x128xf32, #tpu.memory_space<vmem>>[vector<16xi32>, vector<16xi32>], vector<16xf32>,
        %parallel_loop3A_244 = arith.fptosi %parallel_loop3A_243 : vector<16xf32> to vector<16xi32>
        %parallel_loop3A_245 = arith.addi %parallel_loop3A_244, %parallel_loop3A_244 : vector<16xi32>
        %parallel_loop3A_246 = arith.constant 22 : i32
        %parallel_loop3A_247 = vector.broadcast %parallel_loop3A_246 : i32 to vector<16xi32>
        %parallel_loop3A_248 = arith.addi %parallel_loop3A_245, %parallel_loop3A_247 : vector<16xi32>
        %parallel_loop3A_249 = tpu.vector_load_idx %arg12[%parallel_loop3A_248] : memref<64xf32, #tpu.memory_space<vmem>>[vector<16xi32>], vector<16xf32>,
        %parallel_loop3A_250 = arith.constant 1 : i32
        %parallel_loop3A_251 = vector.broadcast %parallel_loop3A_250 : i32 to vector<16xi32>
        %parallel_loop3A_252 = arith.addi %parallel_loop3A_248, %parallel_loop3A_251 : vector<16xi32>
        %parallel_loop3A_253 = tpu.vector_load_idx %arg12[%parallel_loop3A_252] : memref<64xf32, #tpu.memory_space<vmem>>[vector<16xi32>], vector<16xf32>,
        tpu.vector_store_idx %arg10[%parallel_loop3A_239, %add3A_231], %parallel_loop3A_249 : memref<32x400xf32, #tpu.memory_space<vmem>>[vector<16xi32>, vector<16xi32>], vector<16xf32>,
        %parallel_loop3A_254 = arith.constant 1 : i32
        %parallel_loop3A_255 = vector.broadcast %parallel_loop3A_254 : i32 to vector<16xi32>
        %parallel_loop3A_256 = arith.addi %add3A_231, %parallel_loop3A_255 : vector<16xi32>
        tpu.vector_store_idx %arg10[%parallel_loop3A_239, %parallel_loop3A_256], %parallel_loop3A_253 : memref<32x400xf32, #tpu.memory_space<vmem>>[vector<16xi32>, vector<16xi32>], vector<16xf32>,
      } {sc.loop_unroll_factor = 4 : i64, sc.parallel_access}
      %scan3A_234 = arith.constant 0 : i32
      scf.yield %scan3A_234 : i32
    }
    %scan3A_69 = arith.constant 25 : i32
    %scan3A_70 = arith.constant 0 : i32
    %scan3A_71 = arith.constant 0 : i32
    %scan3A_72 = arith.constant 25 : i32
    %scan3A_73 = arith.addi %scan3A_71, %scan3A_72 : i32
    %scan3A_74 = arith.constant 1 : i32
    %scan3A_75 = scf.for %scan3A_216 = %scan3A_71 to %scan3A_73 step %scan3A_74 iter_args(%scan3A_217 = %scan3A_70) -> (i32)  : i32 {
      %mul3A_218 = arith.constant 16 : i32
      %mul3A_219 = arith.muli %scan3A_216, %mul3A_218 : i32
      %get3A = arith.index_cast %mul3A_219 : i32 to index
      %get3A_220 = tpu.vector_load %arg13[%get3A] {strides = array<i32>} : memref<1200xi32, #tpu.memory_space<vmem>>, vector<16xi32>,
      %add3A_221 = arith.constant 400 : i32
      %add3A_222 = arith.addi %add3A_221, %mul3A_219 : i32
      %get3A_223 = arith.index_cast %add3A_222 : i32 to index
      %get3A_224 = tpu.vector_load %arg13[%get3A_223] {strides = array<i32>} : memref<1200xi32, #tpu.memory_space<vmem>>, vector<16xi32>,
      %add3A_225 = arith.constant 800 : i32
      %add3A_226 = arith.addi %add3A_225, %mul3A_219 : i32
      %get3A_227 = arith.index_cast %add3A_226 : i32 to index
      %get3A_228 = tpu.vector_load %arg13[%get3A_227] {strides = array<i32>} : memref<1200xi32, #tpu.memory_space<vmem>>, vector<16xi32>,
      %add3A_229 = arith.constant 200 : i32
      %add3A_230 = vector.broadcast %add3A_229 : i32 to vector<16xi32>
      %add3A_231 = arith.addi %get3A_228, %add3A_230 : vector<16xi32>
      %parallel_loop3A = arith.constant 0 : i32
      %parallel_loop3A_232 = arith.constant 4 : i32
      %parallel_loop3A_233 = arith.constant 1 : i32
      scf.for %parallel_loop3A_235 = %parallel_loop3A to %parallel_loop3A_232 step %parallel_loop3A_233  : i32 {
        %parallel_loop3A_236 = arith.constant 8 : i32
        %parallel_loop3A_237 = arith.muli %parallel_loop3A_235, %parallel_loop3A_236 : i32
        %parallel_loop3A_238 = vector.broadcast %parallel_loop3A_237 : i32 to vector<16xi32>
        %parallel_loop3A_239 = arith.addi %get3A_220, %parallel_loop3A_238 : vector<16xi32>
        %parallel_loop3A_240 = arith.constant 0 : i32
        %parallel_loop3A_241 = vector.broadcast %parallel_loop3A_240 : i32 to vector<16xi32>
        %parallel_loop3A_242 = arith.addi %parallel_loop3A_239, %parallel_loop3A_241 : vector<16xi32>
        %parallel_loop3A_243 = tpu.vector_load_idx %arg8[%get3A_224, %parallel_loop3A_242] : memref<50x128xf32, #tpu.memory_space<vmem>>[vector<16xi32>, vector<16xi32>], vector<16xf32>,
        %parallel_loop3A_244 = arith.fptosi %parallel_loop3A_243 : vector<16xf32> to vector<16xi32>
        %parallel_loop3A_245 = arith.addi %parallel_loop3A_244, %parallel_loop3A_244 : vector<16xi32>
        %parallel_loop3A_246 = arith.constant 26 : i32
        %parallel_loop3A_247 = vector.broadcast %parallel_loop3A_246 : i32 to vector<16xi32>
        %parallel_loop3A_248 = arith.addi %parallel_loop3A_245, %parallel_loop3A_247 : vector<16xi32>
        %parallel_loop3A_249 = tpu.vector_load_idx %arg12[%parallel_loop3A_248] : memref<64xf32, #tpu.memory_space<vmem>>[vector<16xi32>], vector<16xf32>,
        %parallel_loop3A_250 = arith.constant 1 : i32
        %parallel_loop3A_251 = vector.broadcast %parallel_loop3A_250 : i32 to vector<16xi32>
        %parallel_loop3A_252 = arith.addi %parallel_loop3A_248, %parallel_loop3A_251 : vector<16xi32>
        %parallel_loop3A_253 = tpu.vector_load_idx %arg12[%parallel_loop3A_252] : memref<64xf32, #tpu.memory_space<vmem>>[vector<16xi32>], vector<16xf32>,
        tpu.vector_store_idx %arg10[%parallel_loop3A_239, %add3A_231], %parallel_loop3A_249 : memref<32x400xf32, #tpu.memory_space<vmem>>[vector<16xi32>, vector<16xi32>], vector<16xf32>,
        %parallel_loop3A_254 = arith.constant 1 : i32
        %parallel_loop3A_255 = vector.broadcast %parallel_loop3A_254 : i32 to vector<16xi32>
        %parallel_loop3A_256 = arith.addi %add3A_231, %parallel_loop3A_255 : vector<16xi32>
        tpu.vector_store_idx %arg10[%parallel_loop3A_239, %parallel_loop3A_256], %parallel_loop3A_253 : memref<32x400xf32, #tpu.memory_space<vmem>>[vector<16xi32>, vector<16xi32>], vector<16xf32>,
      } {sc.loop_unroll_factor = 4 : i64, sc.parallel_access}
      %scan3A_234 = arith.constant 0 : i32
      scf.yield %scan3A_234 : i32
    }
    %scan3A_76 = arith.constant 25 : i32
    %scan3A_77 = arith.constant 0 : i32
    %scan3A_78 = arith.constant 0 : i32
    %scan3A_79 = arith.constant 25 : i32
    %scan3A_80 = arith.addi %scan3A_78, %scan3A_79 : i32
    %scan3A_81 = arith.constant 1 : i32
    %scan3A_82 = scf.for %scan3A_216 = %scan3A_78 to %scan3A_80 step %scan3A_81 iter_args(%scan3A_217 = %scan3A_77) -> (i32)  : i32 {
      %mul3A_218 = arith.constant 16 : i32
      %mul3A_219 = arith.muli %scan3A_216, %mul3A_218 : i32
      %get3A = arith.index_cast %mul3A_219 : i32 to index
      %get3A_220 = tpu.vector_load %arg13[%get3A] {strides = array<i32>} : memref<1200xi32, #tpu.memory_space<vmem>>, vector<16xi32>,
      %add3A_221 = arith.constant 400 : i32
      %add3A_222 = arith.addi %add3A_221, %mul3A_219 : i32
      %get3A_223 = arith.index_cast %add3A_222 : i32 to index
      %get3A_224 = tpu.vector_load %arg13[%get3A_223] {strides = array<i32>} : memref<1200xi32, #tpu.memory_space<vmem>>, vector<16xi32>,
      %add3A_225 = arith.constant 800 : i32
      %add3A_226 = arith.addi %add3A_225, %mul3A_219 : i32
      %get3A_227 = arith.index_cast %add3A_226 : i32 to index
      %get3A_228 = tpu.vector_load %arg13[%get3A_227] {strides = array<i32>} : memref<1200xi32, #tpu.memory_space<vmem>>, vector<16xi32>,
      %add3A_229 = arith.constant 300 : i32
      %add3A_230 = vector.broadcast %add3A_229 : i32 to vector<16xi32>
      %add3A_231 = arith.addi %get3A_228, %add3A_230 : vector<16xi32>
      %parallel_loop3A = arith.constant 0 : i32
      %parallel_loop3A_232 = arith.constant 4 : i32
      %parallel_loop3A_233 = arith.constant 1 : i32
      scf.for %parallel_loop3A_235 = %parallel_loop3A to %parallel_loop3A_232 step %parallel_loop3A_233  : i32 {
        %parallel_loop3A_236 = arith.constant 8 : i32
        %parallel_loop3A_237 = arith.muli %parallel_loop3A_235, %parallel_loop3A_236 : i32
        %parallel_loop3A_238 = vector.broadcast %parallel_loop3A_237 : i32 to vector<16xi32>
        %parallel_loop3A_239 = arith.addi %get3A_220, %parallel_loop3A_238 : vector<16xi32>
        %parallel_loop3A_240 = arith.constant 0 : i32
        %parallel_loop3A_241 = vector.broadcast %parallel_loop3A_240 : i32 to vector<16xi32>
        %parallel_loop3A_242 = arith.addi %parallel_loop3A_239, %parallel_loop3A_241 : vector<16xi32>
        %parallel_loop3A_243 = tpu.vector_load_idx %arg9[%get3A_224, %parallel_loop3A_242] : memref<50x128xf32, #tpu.memory_space<vmem>>[vector<16xi32>, vector<16xi32>], vector<16xf32>,
        %parallel_loop3A_244 = arith.constant 1.000000e+01 : f32
        %parallel_loop3A_245 = vector.broadcast %parallel_loop3A_244 : f32 to vector<16xf32>
        %parallel_loop3A_246 = arith.mulf %parallel_loop3A_243, %parallel_loop3A_245 : vector<16xf32>
        %parallel_loop3A_247 = arith.fptosi %parallel_loop3A_246 : vector<16xf32> to vector<16xi32>
        %parallel_loop3A_248 = arith.addi %parallel_loop3A_247, %parallel_loop3A_247 : vector<16xi32>
        %parallel_loop3A_249 = arith.constant 30 : i32
        %parallel_loop3A_250 = vector.broadcast %parallel_loop3A_249 : i32 to vector<16xi32>
        %parallel_loop3A_251 = arith.addi %parallel_loop3A_248, %parallel_loop3A_250 : vector<16xi32>
        %parallel_loop3A_252 = tpu.vector_load_idx %arg12[%parallel_loop3A_251] : memref<64xf32, #tpu.memory_space<vmem>>[vector<16xi32>], vector<16xf32>,
        %parallel_loop3A_253 = arith.constant 1 : i32
        %parallel_loop3A_254 = vector.broadcast %parallel_loop3A_253 : i32 to vector<16xi32>
        %parallel_loop3A_255 = arith.addi %parallel_loop3A_251, %parallel_loop3A_254 : vector<16xi32>
        %parallel_loop3A_256 = tpu.vector_load_idx %arg12[%parallel_loop3A_255] : memref<64xf32, #tpu.memory_space<vmem>>[vector<16xi32>], vector<16xf32>,
        tpu.vector_store_idx %arg10[%parallel_loop3A_239, %add3A_231], %parallel_loop3A_252 : memref<32x400xf32, #tpu.memory_space<vmem>>[vector<16xi32>, vector<16xi32>], vector<16xf32>,
        %parallel_loop3A_257 = arith.constant 1 : i32
        %parallel_loop3A_258 = vector.broadcast %parallel_loop3A_257 : i32 to vector<16xi32>
        %parallel_loop3A_259 = arith.addi %add3A_231, %parallel_loop3A_258 : vector<16xi32>
        tpu.vector_store_idx %arg10[%parallel_loop3A_239, %parallel_loop3A_259], %parallel_loop3A_256 : memref<32x400xf32, #tpu.memory_space<vmem>>[vector<16xi32>, vector<16xi32>], vector<16xf32>,
      } {sc.loop_unroll_factor = 4 : i64, sc.parallel_access}
      %scan3A_234 = arith.constant 0 : i32
      scf.yield %scan3A_234 : i32
    }
    %scan3A_83 = arith.constant 25 : i32
    %add3A_84 = arith.constant 0 : i32
    %add3A_85 = arith.addi %mul3A_2, %add3A_84 : i32
    %dma_start3A_86 = arith.constant 0 : i32
    %dma_start3A_87 = tpu.memref_slice %arg5[%add3A_85, %dma_start3A_86] : memref<4096x400xf32, #tpu.memory_space<hbm>> -> memref<32x400xf32, #tpu.memory_space<hbm>>
    %dma_start3A_88 = arith.constant 0 : i32
    %dma_start3A_89 = tpu.memref_slice %arg5[%add3A_85, %dma_start3A_88] : memref<4096x400xf32, #tpu.memory_space<hbm>> -> memref<32x400xf32, #tpu.memory_space<hbm>>
    tpu.enqueue_dma source(%arg10 : memref<32x400xf32, #tpu.memory_space<vmem>>) target(%dma_start3A_89 : memref<32x400xf32, #tpu.memory_space<hbm>>) target_semaphore(%arg15 : memref<!tpu.dma_semaphore, #tpu.memory_space<semaphore_mem>>)
    %scan3A_90 = arith.constant 0 : i32
    %scan3A_91 = arith.constant 0 : i32
    %scan3A_92 = arith.constant 25 : i32
    %scan3A_93 = arith.addi %scan3A_91, %scan3A_92 : i32
    %scan3A_94 = arith.constant 1 : i32
    %scan3A_95 = scf.for %scan3A_216 = %scan3A_91 to %scan3A_93 step %scan3A_94 iter_args(%scan3A_217 = %scan3A_90) -> (i32)  : i32 {
      %mul3A_218 = arith.constant 16 : i32
      %mul3A_219 = arith.muli %scan3A_216, %mul3A_218 : i32
      %get3A = arith.index_cast %mul3A_219 : i32 to index
      %get3A_220 = tpu.vector_load %arg13[%get3A] {strides = array<i32>} : memref<1200xi32, #tpu.memory_space<vmem>>, vector<16xi32>,
      %add3A_221 = arith.constant 400 : i32
      %add3A_222 = arith.addi %add3A_221, %mul3A_219 : i32
      %get3A_223 = arith.index_cast %add3A_222 : i32 to index
      %get3A_224 = tpu.vector_load %arg13[%get3A_223] {strides = array<i32>} : memref<1200xi32, #tpu.memory_space<vmem>>, vector<16xi32>,
      %add3A_225 = arith.constant 800 : i32
      %add3A_226 = arith.addi %add3A_225, %mul3A_219 : i32
      %get3A_227 = arith.index_cast %add3A_226 : i32 to index
      %get3A_228 = tpu.vector_load %arg13[%get3A_227] {strides = array<i32>} : memref<1200xi32, #tpu.memory_space<vmem>>, vector<16xi32>,
      %add3A_229 = arith.constant 0 : i32
      %add3A_230 = vector.broadcast %add3A_229 : i32 to vector<16xi32>
      %add3A_231 = arith.addi %get3A_228, %add3A_230 : vector<16xi32>
      %parallel_loop3A = arith.constant 0 : i32
      %parallel_loop3A_232 = arith.constant 4 : i32
      %parallel_loop3A_233 = arith.constant 1 : i32
      scf.for %parallel_loop3A_235 = %parallel_loop3A to %parallel_loop3A_232 step %parallel_loop3A_233  : i32 {
        %parallel_loop3A_236 = arith.constant 8 : i32
        %parallel_loop3A_237 = arith.muli %parallel_loop3A_235, %parallel_loop3A_236 : i32
        %parallel_loop3A_238 = vector.broadcast %parallel_loop3A_237 : i32 to vector<16xi32>
        %parallel_loop3A_239 = arith.addi %get3A_220, %parallel_loop3A_238 : vector<16xi32>
        %parallel_loop3A_240 = arith.constant 32 : i32
        %parallel_loop3A_241 = vector.broadcast %parallel_loop3A_240 : i32 to vector<16xi32>
        %parallel_loop3A_242 = arith.addi %parallel_loop3A_239, %parallel_loop3A_241 : vector<16xi32>
        %parallel_loop3A_243 = tpu.vector_load_idx %arg6[%get3A_224, %parallel_loop3A_242] : memref<50x128xf32, #tpu.memory_space<vmem>>[vector<16xi32>, vector<16xi32>], vector<16xf32>,
        %parallel_loop3A_244 = arith.constant 1.000000e+01 : f32
        %parallel_loop3A_245 = vector.broadcast %parallel_loop3A_244 : f32 to vector<16xf32>
        %parallel_loop3A_246 = arith.mulf %parallel_loop3A_243, %parallel_loop3A_245 : vector<16xf32>
        %parallel_loop3A_247 = arith.fptosi %parallel_loop3A_246 : vector<16xf32> to vector<16xi32>
        %parallel_loop3A_248 = arith.addi %parallel_loop3A_247, %parallel_loop3A_247 : vector<16xi32>
        %parallel_loop3A_249 = arith.constant 0 : i32
        %parallel_loop3A_250 = vector.broadcast %parallel_loop3A_249 : i32 to vector<16xi32>
        %parallel_loop3A_251 = arith.addi %parallel_loop3A_248, %parallel_loop3A_250 : vector<16xi32>
        %parallel_loop3A_252 = tpu.vector_load_idx %arg12[%parallel_loop3A_251] : memref<64xf32, #tpu.memory_space<vmem>>[vector<16xi32>], vector<16xf32>,
        %parallel_loop3A_253 = arith.constant 1 : i32
        %parallel_loop3A_254 = vector.broadcast %parallel_loop3A_253 : i32 to vector<16xi32>
        %parallel_loop3A_255 = arith.addi %parallel_loop3A_251, %parallel_loop3A_254 : vector<16xi32>
        %parallel_loop3A_256 = tpu.vector_load_idx %arg12[%parallel_loop3A_255] : memref<64xf32, #tpu.memory_space<vmem>>[vector<16xi32>], vector<16xf32>,
        tpu.vector_store_idx %arg11[%parallel_loop3A_239, %add3A_231], %parallel_loop3A_252 : memref<32x400xf32, #tpu.memory_space<vmem>>[vector<16xi32>, vector<16xi32>], vector<16xf32>,
        %parallel_loop3A_257 = arith.constant 1 : i32
        %parallel_loop3A_258 = vector.broadcast %parallel_loop3A_257 : i32 to vector<16xi32>
        %parallel_loop3A_259 = arith.addi %add3A_231, %parallel_loop3A_258 : vector<16xi32>
        tpu.vector_store_idx %arg11[%parallel_loop3A_239, %parallel_loop3A_259], %parallel_loop3A_256 : memref<32x400xf32, #tpu.memory_space<vmem>>[vector<16xi32>, vector<16xi32>], vector<16xf32>,
      } {sc.loop_unroll_factor = 4 : i64, sc.parallel_access}
      %scan3A_234 = arith.constant 0 : i32
      scf.yield %scan3A_234 : i32
    }
    %scan3A_96 = arith.constant 25 : i32
    %scan3A_97 = arith.constant 0 : i32
    %scan3A_98 = arith.constant 0 : i32
    %scan3A_99 = arith.constant 25 : i32
    %scan3A_100 = arith.addi %scan3A_98, %scan3A_99 : i32
    %scan3A_101 = arith.constant 1 : i32
    %scan3A_102 = scf.for %scan3A_216 = %scan3A_98 to %scan3A_100 step %scan3A_101 iter_args(%scan3A_217 = %scan3A_97) -> (i32)  : i32 {
      %mul3A_218 = arith.constant 16 : i32
      %mul3A_219 = arith.muli %scan3A_216, %mul3A_218 : i32
      %get3A = arith.index_cast %mul3A_219 : i32 to index
      %get3A_220 = tpu.vector_load %arg13[%get3A] {strides = array<i32>} : memref<1200xi32, #tpu.memory_space<vmem>>, vector<16xi32>,
      %add3A_221 = arith.constant 400 : i32
      %add3A_222 = arith.addi %add3A_221, %mul3A_219 : i32
      %get3A_223 = arith.index_cast %add3A_222 : i32 to index
      %get3A_224 = tpu.vector_load %arg13[%get3A_223] {strides = array<i32>} : memref<1200xi32, #tpu.memory_space<vmem>>, vector<16xi32>,
      %add3A_225 = arith.constant 800 : i32
      %add3A_226 = arith.addi %add3A_225, %mul3A_219 : i32
      %get3A_227 = arith.index_cast %add3A_226 : i32 to index
      %get3A_228 = tpu.vector_load %arg13[%get3A_227] {strides = array<i32>} : memref<1200xi32, #tpu.memory_space<vmem>>, vector<16xi32>,
      %add3A_229 = arith.constant 100 : i32
      %add3A_230 = vector.broadcast %add3A_229 : i32 to vector<16xi32>
      %add3A_231 = arith.addi %get3A_228, %add3A_230 : vector<16xi32>
      %parallel_loop3A = arith.constant 0 : i32
      %parallel_loop3A_232 = arith.constant 4 : i32
      %parallel_loop3A_233 = arith.constant 1 : i32
      scf.for %parallel_loop3A_235 = %parallel_loop3A to %parallel_loop3A_232 step %parallel_loop3A_233  : i32 {
        %parallel_loop3A_236 = arith.constant 8 : i32
        %parallel_loop3A_237 = arith.muli %parallel_loop3A_235, %parallel_loop3A_236 : i32
        %parallel_loop3A_238 = vector.broadcast %parallel_loop3A_237 : i32 to vector<16xi32>
        %parallel_loop3A_239 = arith.addi %get3A_220, %parallel_loop3A_238 : vector<16xi32>
        %parallel_loop3A_240 = arith.constant 32 : i32
        %parallel_loop3A_241 = vector.broadcast %parallel_loop3A_240 : i32 to vector<16xi32>
        %parallel_loop3A_242 = arith.addi %parallel_loop3A_239, %parallel_loop3A_241 : vector<16xi32>
        %parallel_loop3A_243 = tpu.vector_load_idx %arg7[%get3A_224, %parallel_loop3A_242] : memref<50x128xf32, #tpu.memory_space<vmem>>[vector<16xi32>, vector<16xi32>], vector<16xf32>,
        %parallel_loop3A_244 = arith.fptosi %parallel_loop3A_243 : vector<16xf32> to vector<16xi32>
        %parallel_loop3A_245 = arith.addi %parallel_loop3A_244, %parallel_loop3A_244 : vector<16xi32>
        %parallel_loop3A_246 = arith.constant 22 : i32
        %parallel_loop3A_247 = vector.broadcast %parallel_loop3A_246 : i32 to vector<16xi32>
        %parallel_loop3A_248 = arith.addi %parallel_loop3A_245, %parallel_loop3A_247 : vector<16xi32>
        %parallel_loop3A_249 = tpu.vector_load_idx %arg12[%parallel_loop3A_248] : memref<64xf32, #tpu.memory_space<vmem>>[vector<16xi32>], vector<16xf32>,
        %parallel_loop3A_250 = arith.constant 1 : i32
        %parallel_loop3A_251 = vector.broadcast %parallel_loop3A_250 : i32 to vector<16xi32>
        %parallel_loop3A_252 = arith.addi %parallel_loop3A_248, %parallel_loop3A_251 : vector<16xi32>
        %parallel_loop3A_253 = tpu.vector_load_idx %arg12[%parallel_loop3A_252] : memref<64xf32, #tpu.memory_space<vmem>>[vector<16xi32>], vector<16xf32>,
        tpu.vector_store_idx %arg11[%parallel_loop3A_239, %add3A_231], %parallel_loop3A_249 : memref<32x400xf32, #tpu.memory_space<vmem>>[vector<16xi32>, vector<16xi32>], vector<16xf32>,
        %parallel_loop3A_254 = arith.constant 1 : i32
        %parallel_loop3A_255 = vector.broadcast %parallel_loop3A_254 : i32 to vector<16xi32>
        %parallel_loop3A_256 = arith.addi %add3A_231, %parallel_loop3A_255 : vector<16xi32>
        tpu.vector_store_idx %arg11[%parallel_loop3A_239, %parallel_loop3A_256], %parallel_loop3A_253 : memref<32x400xf32, #tpu.memory_space<vmem>>[vector<16xi32>, vector<16xi32>], vector<16xf32>,
      } {sc.loop_unroll_factor = 4 : i64, sc.parallel_access}
      %scan3A_234 = arith.constant 0 : i32
      scf.yield %scan3A_234 : i32
    }
    %scan3A_103 = arith.constant 25 : i32
    %scan3A_104 = arith.constant 0 : i32
    %scan3A_105 = arith.constant 0 : i32
    %scan3A_106 = arith.constant 25 : i32
    %scan3A_107 = arith.addi %scan3A_105, %scan3A_106 : i32
    %scan3A_108 = arith.constant 1 : i32
    %scan3A_109 = scf.for %scan3A_216 = %scan3A_105 to %scan3A_107 step %scan3A_108 iter_args(%scan3A_217 = %scan3A_104) -> (i32)  : i32 {
      %mul3A_218 = arith.constant 16 : i32
      %mul3A_219 = arith.muli %scan3A_216, %mul3A_218 : i32
      %get3A = arith.index_cast %mul3A_219 : i32 to index
      %get3A_220 = tpu.vector_load %arg13[%get3A] {strides = array<i32>} : memref<1200xi32, #tpu.memory_space<vmem>>, vector<16xi32>,
      %add3A_221 = arith.constant 400 : i32
      %add3A_222 = arith.addi %add3A_221, %mul3A_219 : i32
      %get3A_223 = arith.index_cast %add3A_222 : i32 to index
      %get3A_224 = tpu.vector_load %arg13[%get3A_223] {strides = array<i32>} : memref<1200xi32, #tpu.memory_space<vmem>>, vector<16xi32>,
      %add3A_225 = arith.constant 800 : i32
      %add3A_226 = arith.addi %add3A_225, %mul3A_219 : i32
      %get3A_227 = arith.index_cast %add3A_226 : i32 to index
      %get3A_228 = tpu.vector_load %arg13[%get3A_227] {strides = array<i32>} : memref<1200xi32, #tpu.memory_space<vmem>>, vector<16xi32>,
      %add3A_229 = arith.constant 200 : i32
      %add3A_230 = vector.broadcast %add3A_229 : i32 to vector<16xi32>
      %add3A_231 = arith.addi %get3A_228, %add3A_230 : vector<16xi32>
      %parallel_loop3A = arith.constant 0 : i32
      %parallel_loop3A_232 = arith.constant 4 : i32
      %parallel_loop3A_233 = arith.constant 1 : i32
      scf.for %parallel_loop3A_235 = %parallel_loop3A to %parallel_loop3A_232 step %parallel_loop3A_233  : i32 {
        %parallel_loop3A_236 = arith.constant 8 : i32
        %parallel_loop3A_237 = arith.muli %parallel_loop3A_235, %parallel_loop3A_236 : i32
        %parallel_loop3A_238 = vector.broadcast %parallel_loop3A_237 : i32 to vector<16xi32>
        %parallel_loop3A_239 = arith.addi %get3A_220, %parallel_loop3A_238 : vector<16xi32>
        %parallel_loop3A_240 = arith.constant 32 : i32
        %parallel_loop3A_241 = vector.broadcast %parallel_loop3A_240 : i32 to vector<16xi32>
        %parallel_loop3A_242 = arith.addi %parallel_loop3A_239, %parallel_loop3A_241 : vector<16xi32>
        %parallel_loop3A_243 = tpu.vector_load_idx %arg8[%get3A_224, %parallel_loop3A_242] : memref<50x128xf32, #tpu.memory_space<vmem>>[vector<16xi32>, vector<16xi32>], vector<16xf32>,
        %parallel_loop3A_244 = arith.fptosi %parallel_loop3A_243 : vector<16xf32> to vector<16xi32>
        %parallel_loop3A_245 = arith.addi %parallel_loop3A_244, %parallel_loop3A_244 : vector<16xi32>
        %parallel_loop3A_246 = arith.constant 26 : i32
        %parallel_loop3A_247 = vector.broadcast %parallel_loop3A_246 : i32 to vector<16xi32>
        %parallel_loop3A_248 = arith.addi %parallel_loop3A_245, %parallel_loop3A_247 : vector<16xi32>
        %parallel_loop3A_249 = tpu.vector_load_idx %arg12[%parallel_loop3A_248] : memref<64xf32, #tpu.memory_space<vmem>>[vector<16xi32>], vector<16xf32>,
        %parallel_loop3A_250 = arith.constant 1 : i32
        %parallel_loop3A_251 = vector.broadcast %parallel_loop3A_250 : i32 to vector<16xi32>
        %parallel_loop3A_252 = arith.addi %parallel_loop3A_248, %parallel_loop3A_251 : vector<16xi32>
        %parallel_loop3A_253 = tpu.vector_load_idx %arg12[%parallel_loop3A_252] : memref<64xf32, #tpu.memory_space<vmem>>[vector<16xi32>], vector<16xf32>,
        tpu.vector_store_idx %arg11[%parallel_loop3A_239, %add3A_231], %parallel_loop3A_249 : memref<32x400xf32, #tpu.memory_space<vmem>>[vector<16xi32>, vector<16xi32>], vector<16xf32>,
        %parallel_loop3A_254 = arith.constant 1 : i32
        %parallel_loop3A_255 = vector.broadcast %parallel_loop3A_254 : i32 to vector<16xi32>
        %parallel_loop3A_256 = arith.addi %add3A_231, %parallel_loop3A_255 : vector<16xi32>
        tpu.vector_store_idx %arg11[%parallel_loop3A_239, %parallel_loop3A_256], %parallel_loop3A_253 : memref<32x400xf32, #tpu.memory_space<vmem>>[vector<16xi32>, vector<16xi32>], vector<16xf32>,
      } {sc.loop_unroll_factor = 4 : i64, sc.parallel_access}
      %scan3A_234 = arith.constant 0 : i32
      scf.yield %scan3A_234 : i32
    }
    %scan3A_110 = arith.constant 25 : i32
    %scan3A_111 = arith.constant 0 : i32
    %scan3A_112 = arith.constant 0 : i32
    %scan3A_113 = arith.constant 25 : i32
    %scan3A_114 = arith.addi %scan3A_112, %scan3A_113 : i32
    %scan3A_115 = arith.constant 1 : i32
    %scan3A_116 = scf.for %scan3A_216 = %scan3A_112 to %scan3A_114 step %scan3A_115 iter_args(%scan3A_217 = %scan3A_111) -> (i32)  : i32 {
      %mul3A_218 = arith.constant 16 : i32
      %mul3A_219 = arith.muli %scan3A_216, %mul3A_218 : i32
      %get3A = arith.index_cast %mul3A_219 : i32 to index
      %get3A_220 = tpu.vector_load %arg13[%get3A] {strides = array<i32>} : memref<1200xi32, #tpu.memory_space<vmem>>, vector<16xi32>,
      %add3A_221 = arith.constant 400 : i32
      %add3A_222 = arith.addi %add3A_221, %mul3A_219 : i32
      %get3A_223 = arith.index_cast %add3A_222 : i32 to index
      %get3A_224 = tpu.vector_load %arg13[%get3A_223] {strides = array<i32>} : memref<1200xi32, #tpu.memory_space<vmem>>, vector<16xi32>,
      %add3A_225 = arith.constant 800 : i32
      %add3A_226 = arith.addi %add3A_225, %mul3A_219 : i32
      %get3A_227 = arith.index_cast %add3A_226 : i32 to index
      %get3A_228 = tpu.vector_load %arg13[%get3A_227] {strides = array<i32>} : memref<1200xi32, #tpu.memory_space<vmem>>, vector<16xi32>,
      %add3A_229 = arith.constant 300 : i32
      %add3A_230 = vector.broadcast %add3A_229 : i32 to vector<16xi32>
      %add3A_231 = arith.addi %get3A_228, %add3A_230 : vector<16xi32>
      %parallel_loop3A = arith.constant 0 : i32
      %parallel_loop3A_232 = arith.constant 4 : i32
      %parallel_loop3A_233 = arith.constant 1 : i32
      scf.for %parallel_loop3A_235 = %parallel_loop3A to %parallel_loop3A_232 step %parallel_loop3A_233  : i32 {
        %parallel_loop3A_236 = arith.constant 8 : i32
        %parallel_loop3A_237 = arith.muli %parallel_loop3A_235, %parallel_loop3A_236 : i32
        %parallel_loop3A_238 = vector.broadcast %parallel_loop3A_237 : i32 to vector<16xi32>
        %parallel_loop3A_239 = arith.addi %get3A_220, %parallel_loop3A_238 : vector<16xi32>
        %parallel_loop3A_240 = arith.constant 32 : i32
        %parallel_loop3A_241 = vector.broadcast %parallel_loop3A_240 : i32 to vector<16xi32>
        %parallel_loop3A_242 = arith.addi %parallel_loop3A_239, %parallel_loop3A_241 : vector<16xi32>
        %parallel_loop3A_243 = tpu.vector_load_idx %arg9[%get3A_224, %parallel_loop3A_242] : memref<50x128xf32, #tpu.memory_space<vmem>>[vector<16xi32>, vector<16xi32>], vector<16xf32>,
        %parallel_loop3A_244 = arith.constant 1.000000e+01 : f32
        %parallel_loop3A_245 = vector.broadcast %parallel_loop3A_244 : f32 to vector<16xf32>
        %parallel_loop3A_246 = arith.mulf %parallel_loop3A_243, %parallel_loop3A_245 : vector<16xf32>
        %parallel_loop3A_247 = arith.fptosi %parallel_loop3A_246 : vector<16xf32> to vector<16xi32>
        %parallel_loop3A_248 = arith.addi %parallel_loop3A_247, %parallel_loop3A_247 : vector<16xi32>
        %parallel_loop3A_249 = arith.constant 30 : i32
        %parallel_loop3A_250 = vector.broadcast %parallel_loop3A_249 : i32 to vector<16xi32>
        %parallel_loop3A_251 = arith.addi %parallel_loop3A_248, %parallel_loop3A_250 : vector<16xi32>
        %parallel_loop3A_252 = tpu.vector_load_idx %arg12[%parallel_loop3A_251] : memref<64xf32, #tpu.memory_space<vmem>>[vector<16xi32>], vector<16xf32>,
        %parallel_loop3A_253 = arith.constant 1 : i32
        %parallel_loop3A_254 = vector.broadcast %parallel_loop3A_253 : i32 to vector<16xi32>
        %parallel_loop3A_255 = arith.addi %parallel_loop3A_251, %parallel_loop3A_254 : vector<16xi32>
        %parallel_loop3A_256 = tpu.vector_load_idx %arg12[%parallel_loop3A_255] : memref<64xf32, #tpu.memory_space<vmem>>[vector<16xi32>], vector<16xf32>,
        tpu.vector_store_idx %arg11[%parallel_loop3A_239, %add3A_231], %parallel_loop3A_252 : memref<32x400xf32, #tpu.memory_space<vmem>>[vector<16xi32>, vector<16xi32>], vector<16xf32>,
        %parallel_loop3A_257 = arith.constant 1 : i32
        %parallel_loop3A_258 = vector.broadcast %parallel_loop3A_257 : i32 to vector<16xi32>
        %parallel_loop3A_259 = arith.addi %add3A_231, %parallel_loop3A_258 : vector<16xi32>
        tpu.vector_store_idx %arg11[%parallel_loop3A_239, %parallel_loop3A_259], %parallel_loop3A_256 : memref<32x400xf32, #tpu.memory_space<vmem>>[vector<16xi32>, vector<16xi32>], vector<16xf32>,
      } {sc.loop_unroll_factor = 4 : i64, sc.parallel_access}
      %scan3A_234 = arith.constant 0 : i32
      scf.yield %scan3A_234 : i32
    }
    %scan3A_117 = arith.constant 25 : i32
    %add3A_118 = arith.constant 32 : i32
    %add3A_119 = arith.addi %mul3A_2, %add3A_118 : i32
    %dma_start3A_120 = arith.constant 0 : i32
    %dma_start3A_121 = tpu.memref_slice %arg5[%add3A_119, %dma_start3A_120] : memref<4096x400xf32, #tpu.memory_space<hbm>> -> memref<32x400xf32, #tpu.memory_space<hbm>>
    %dma_start3A_122 = arith.constant 0 : i32
    %dma_start3A_123 = tpu.memref_slice %arg5[%add3A_119, %dma_start3A_122] : memref<4096x400xf32, #tpu.memory_space<hbm>> -> memref<32x400xf32, #tpu.memory_space<hbm>>
    tpu.enqueue_dma source(%arg11 : memref<32x400xf32, #tpu.memory_space<vmem>>) target(%dma_start3A_123 : memref<32x400xf32, #tpu.memory_space<hbm>>) target_semaphore(%arg16 : memref<!tpu.dma_semaphore, #tpu.memory_space<semaphore_mem>>)
    %add3A_124 = arith.constant 0 : i32
    %add3A_125 = arith.addi %mul3A_2, %add3A_124 : i32
    %dma_wait3A_126 = arith.constant 0 : i32
    %dma_wait3A_127 = tpu.memref_slice %arg5[%add3A_125, %dma_wait3A_126] : memref<4096x400xf32, #tpu.memory_space<hbm>> -> memref<32x400xf32, #tpu.memory_space<hbm>>
    %dma_wait3A_128 = arith.constant 0 : i32
    %dma_wait3A_129 = tpu.memref_slice %arg5[%add3A_125, %dma_wait3A_128] : memref<4096x400xf32, #tpu.memory_space<hbm>> -> memref<32x400xf32, #tpu.memory_space<hbm>>
    tpu.wait_dma2 semaphore(%arg15 : memref<!tpu.dma_semaphore, #tpu.memory_space<semaphore_mem>>) src(%arg10 : memref<32x400xf32, #tpu.memory_space<vmem>>) dst(%dma_wait3A_129 : memref<32x400xf32, #tpu.memory_space<hbm>>)
    %scan3A_130 = arith.constant 0 : i32
    %scan3A_131 = arith.constant 0 : i32
    %scan3A_132 = arith.constant 25 : i32
    %scan3A_133 = arith.addi %scan3A_131, %scan3A_132 : i32
    %scan3A_134 = arith.constant 1 : i32
    %scan3A_135 = scf.for %scan3A_216 = %scan3A_131 to %scan3A_133 step %scan3A_134 iter_args(%scan3A_217 = %scan3A_130) -> (i32)  : i32 {
      %mul3A_218 = arith.constant 16 : i32
      %mul3A_219 = arith.muli %scan3A_216, %mul3A_218 : i32
      %get3A = arith.index_cast %mul3A_219 : i32 to index
      %get3A_220 = tpu.vector_load %arg13[%get3A] {strides = array<i32>} : memref<1200xi32, #tpu.memory_space<vmem>>, vector<16xi32>,
      %add3A_221 = arith.constant 400 : i32
      %add3A_222 = arith.addi %add3A_221, %mul3A_219 : i32
      %get3A_223 = arith.index_cast %add3A_222 : i32 to index
      %get3A_224 = tpu.vector_load %arg13[%get3A_223] {strides = array<i32>} : memref<1200xi32, #tpu.memory_space<vmem>>, vector<16xi32>,
      %add3A_225 = arith.constant 800 : i32
      %add3A_226 = arith.addi %add3A_225, %mul3A_219 : i32
      %get3A_227 = arith.index_cast %add3A_226 : i32 to index
      %get3A_228 = tpu.vector_load %arg13[%get3A_227] {strides = array<i32>} : memref<1200xi32, #tpu.memory_space<vmem>>, vector<16xi32>,
      %add3A_229 = arith.constant 0 : i32
      %add3A_230 = vector.broadcast %add3A_229 : i32 to vector<16xi32>
      %add3A_231 = arith.addi %get3A_228, %add3A_230 : vector<16xi32>
      %parallel_loop3A = arith.constant 0 : i32
      %parallel_loop3A_232 = arith.constant 4 : i32
      %parallel_loop3A_233 = arith.constant 1 : i32
      scf.for %parallel_loop3A_235 = %parallel_loop3A to %parallel_loop3A_232 step %parallel_loop3A_233  : i32 {
        %parallel_loop3A_236 = arith.constant 8 : i32
        %parallel_loop3A_237 = arith.muli %parallel_loop3A_235, %parallel_loop3A_236 : i32
        %parallel_loop3A_238 = vector.broadcast %parallel_loop3A_237 : i32 to vector<16xi32>
        %parallel_loop3A_239 = arith.addi %get3A_220, %parallel_loop3A_238 : vector<16xi32>
        %parallel_loop3A_240 = arith.constant 64 : i32
        %parallel_loop3A_241 = vector.broadcast %parallel_loop3A_240 : i32 to vector<16xi32>
        %parallel_loop3A_242 = arith.addi %parallel_loop3A_239, %parallel_loop3A_241 : vector<16xi32>
        %parallel_loop3A_243 = tpu.vector_load_idx %arg6[%get3A_224, %parallel_loop3A_242] : memref<50x128xf32, #tpu.memory_space<vmem>>[vector<16xi32>, vector<16xi32>], vector<16xf32>,
        %parallel_loop3A_244 = arith.constant 1.000000e+01 : f32
        %parallel_loop3A_245 = vector.broadcast %parallel_loop3A_244 : f32 to vector<16xf32>
        %parallel_loop3A_246 = arith.mulf %parallel_loop3A_243, %parallel_loop3A_245 : vector<16xf32>
        %parallel_loop3A_247 = arith.fptosi %parallel_loop3A_246 : vector<16xf32> to vector<16xi32>
        %parallel_loop3A_248 = arith.addi %parallel_loop3A_247, %parallel_loop3A_247 : vector<16xi32>
        %parallel_loop3A_249 = arith.constant 0 : i32
        %parallel_loop3A_250 = vector.broadcast %parallel_loop3A_249 : i32 to vector<16xi32>
        %parallel_loop3A_251 = arith.addi %parallel_loop3A_248, %parallel_loop3A_250 : vector<16xi32>
        %parallel_loop3A_252 = tpu.vector_load_idx %arg12[%parallel_loop3A_251] : memref<64xf32, #tpu.memory_space<vmem>>[vector<16xi32>], vector<16xf32>,
        %parallel_loop3A_253 = arith.constant 1 : i32
        %parallel_loop3A_254 = vector.broadcast %parallel_loop3A_253 : i32 to vector<16xi32>
        %parallel_loop3A_255 = arith.addi %parallel_loop3A_251, %parallel_loop3A_254 : vector<16xi32>
        %parallel_loop3A_256 = tpu.vector_load_idx %arg12[%parallel_loop3A_255] : memref<64xf32, #tpu.memory_space<vmem>>[vector<16xi32>], vector<16xf32>,
        tpu.vector_store_idx %arg10[%parallel_loop3A_239, %add3A_231], %parallel_loop3A_252 : memref<32x400xf32, #tpu.memory_space<vmem>>[vector<16xi32>, vector<16xi32>], vector<16xf32>,
        %parallel_loop3A_257 = arith.constant 1 : i32
        %parallel_loop3A_258 = vector.broadcast %parallel_loop3A_257 : i32 to vector<16xi32>
        %parallel_loop3A_259 = arith.addi %add3A_231, %parallel_loop3A_258 : vector<16xi32>
        tpu.vector_store_idx %arg10[%parallel_loop3A_239, %parallel_loop3A_259], %parallel_loop3A_256 : memref<32x400xf32, #tpu.memory_space<vmem>>[vector<16xi32>, vector<16xi32>], vector<16xf32>,
      } {sc.loop_unroll_factor = 4 : i64, sc.parallel_access}
      %scan3A_234 = arith.constant 0 : i32
      scf.yield %scan3A_234 : i32
    }
    %scan3A_136 = arith.constant 25 : i32
    %scan3A_137 = arith.constant 0 : i32
    %scan3A_138 = arith.constant 0 : i32
    %scan3A_139 = arith.constant 25 : i32
    %scan3A_140 = arith.addi %scan3A_138, %scan3A_139 : i32
    %scan3A_141 = arith.constant 1 : i32
    %scan3A_142 = scf.for %scan3A_216 = %scan3A_138 to %scan3A_140 step %scan3A_141 iter_args(%scan3A_217 = %scan3A_137) -> (i32)  : i32 {
      %mul3A_218 = arith.constant 16 : i32
      %mul3A_219 = arith.muli %scan3A_216, %mul3A_218 : i32
      %get3A = arith.index_cast %mul3A_219 : i32 to index
      %get3A_220 = tpu.vector_load %arg13[%get3A] {strides = array<i32>} : memref<1200xi32, #tpu.memory_space<vmem>>, vector<16xi32>,
      %add3A_221 = arith.constant 400 : i32
      %add3A_222 = arith.addi %add3A_221, %mul3A_219 : i32
      %get3A_223 = arith.index_cast %add3A_222 : i32 to index
      %get3A_224 = tpu.vector_load %arg13[%get3A_223] {strides = array<i32>} : memref<1200xi32, #tpu.memory_space<vmem>>, vector<16xi32>,
      %add3A_225 = arith.constant 800 : i32
      %add3A_226 = arith.addi %add3A_225, %mul3A_219 : i32
      %get3A_227 = arith.index_cast %add3A_226 : i32 to index
      %get3A_228 = tpu.vector_load %arg13[%get3A_227] {strides = array<i32>} : memref<1200xi32, #tpu.memory_space<vmem>>, vector<16xi32>,
      %add3A_229 = arith.constant 100 : i32
      %add3A_230 = vector.broadcast %add3A_229 : i32 to vector<16xi32>
      %add3A_231 = arith.addi %get3A_228, %add3A_230 : vector<16xi32>
      %parallel_loop3A = arith.constant 0 : i32
      %parallel_loop3A_232 = arith.constant 4 : i32
      %parallel_loop3A_233 = arith.constant 1 : i32
      scf.for %parallel_loop3A_235 = %parallel_loop3A to %parallel_loop3A_232 step %parallel_loop3A_233  : i32 {
        %parallel_loop3A_236 = arith.constant 8 : i32
        %parallel_loop3A_237 = arith.muli %parallel_loop3A_235, %parallel_loop3A_236 : i32
        %parallel_loop3A_238 = vector.broadcast %parallel_loop3A_237 : i32 to vector<16xi32>
        %parallel_loop3A_239 = arith.addi %get3A_220, %parallel_loop3A_238 : vector<16xi32>
        %parallel_loop3A_240 = arith.constant 64 : i32
        %parallel_loop3A_241 = vector.broadcast %parallel_loop3A_240 : i32 to vector<16xi32>
        %parallel_loop3A_242 = arith.addi %parallel_loop3A_239, %parallel_loop3A_241 : vector<16xi32>
        %parallel_loop3A_243 = tpu.vector_load_idx %arg7[%get3A_224, %parallel_loop3A_242] : memref<50x128xf32, #tpu.memory_space<vmem>>[vector<16xi32>, vector<16xi32>], vector<16xf32>,
        %parallel_loop3A_244 = arith.fptosi %parallel_loop3A_243 : vector<16xf32> to vector<16xi32>
        %parallel_loop3A_245 = arith.addi %parallel_loop3A_244, %parallel_loop3A_244 : vector<16xi32>
        %parallel_loop3A_246 = arith.constant 22 : i32
        %parallel_loop3A_247 = vector.broadcast %parallel_loop3A_246 : i32 to vector<16xi32>
        %parallel_loop3A_248 = arith.addi %parallel_loop3A_245, %parallel_loop3A_247 : vector<16xi32>
        %parallel_loop3A_249 = tpu.vector_load_idx %arg12[%parallel_loop3A_248] : memref<64xf32, #tpu.memory_space<vmem>>[vector<16xi32>], vector<16xf32>,
        %parallel_loop3A_250 = arith.constant 1 : i32
        %parallel_loop3A_251 = vector.broadcast %parallel_loop3A_250 : i32 to vector<16xi32>
        %parallel_loop3A_252 = arith.addi %parallel_loop3A_248, %parallel_loop3A_251 : vector<16xi32>
        %parallel_loop3A_253 = tpu.vector_load_idx %arg12[%parallel_loop3A_252] : memref<64xf32, #tpu.memory_space<vmem>>[vector<16xi32>], vector<16xf32>,
        tpu.vector_store_idx %arg10[%parallel_loop3A_239, %add3A_231], %parallel_loop3A_249 : memref<32x400xf32, #tpu.memory_space<vmem>>[vector<16xi32>, vector<16xi32>], vector<16xf32>,
        %parallel_loop3A_254 = arith.constant 1 : i32
        %parallel_loop3A_255 = vector.broadcast %parallel_loop3A_254 : i32 to vector<16xi32>
        %parallel_loop3A_256 = arith.addi %add3A_231, %parallel_loop3A_255 : vector<16xi32>
        tpu.vector_store_idx %arg10[%parallel_loop3A_239, %parallel_loop3A_256], %parallel_loop3A_253 : memref<32x400xf32, #tpu.memory_space<vmem>>[vector<16xi32>, vector<16xi32>], vector<16xf32>,
      } {sc.loop_unroll_factor = 4 : i64, sc.parallel_access}
      %scan3A_234 = arith.constant 0 : i32
      scf.yield %scan3A_234 : i32
    }
    %scan3A_143 = arith.constant 25 : i32
    %scan3A_144 = arith.constant 0 : i32
    %scan3A_145 = arith.constant 0 : i32
    %scan3A_146 = arith.constant 25 : i32
    %scan3A_147 = arith.addi %scan3A_145, %scan3A_146 : i32
    %scan3A_148 = arith.constant 1 : i32
    %scan3A_149 = scf.for %scan3A_216 = %scan3A_145 to %scan3A_147 step %scan3A_148 iter_args(%scan3A_217 = %scan3A_144) -> (i32)  : i32 {
      %mul3A_218 = arith.constant 16 : i32
      %mul3A_219 = arith.muli %scan3A_216, %mul3A_218 : i32
      %get3A = arith.index_cast %mul3A_219 : i32 to index
      %get3A_220 = tpu.vector_load %arg13[%get3A] {strides = array<i32>} : memref<1200xi32, #tpu.memory_space<vmem>>, vector<16xi32>,
      %add3A_221 = arith.constant 400 : i32
      %add3A_222 = arith.addi %add3A_221, %mul3A_219 : i32
      %get3A_223 = arith.index_cast %add3A_222 : i32 to index
      %get3A_224 = tpu.vector_load %arg13[%get3A_223] {strides = array<i32>} : memref<1200xi32, #tpu.memory_space<vmem>>, vector<16xi32>,
      %add3A_225 = arith.constant 800 : i32
      %add3A_226 = arith.addi %add3A_225, %mul3A_219 : i32
      %get3A_227 = arith.index_cast %add3A_226 : i32 to index
      %get3A_228 = tpu.vector_load %arg13[%get3A_227] {strides = array<i32>} : memref<1200xi32, #tpu.memory_space<vmem>>, vector<16xi32>,
      %add3A_229 = arith.constant 200 : i32
      %add3A_230 = vector.broadcast %add3A_229 : i32 to vector<16xi32>
      %add3A_231 = arith.addi %get3A_228, %add3A_230 : vector<16xi32>
      %parallel_loop3A = arith.constant 0 : i32
      %parallel_loop3A_232 = arith.constant 4 : i32
      %parallel_loop3A_233 = arith.constant 1 : i32
      scf.for %parallel_loop3A_235 = %parallel_loop3A to %parallel_loop3A_232 step %parallel_loop3A_233  : i32 {
        %parallel_loop3A_236 = arith.constant 8 : i32
        %parallel_loop3A_237 = arith.muli %parallel_loop3A_235, %parallel_loop3A_236 : i32
        %parallel_loop3A_238 = vector.broadcast %parallel_loop3A_237 : i32 to vector<16xi32>
        %parallel_loop3A_239 = arith.addi %get3A_220, %parallel_loop3A_238 : vector<16xi32>
        %parallel_loop3A_240 = arith.constant 64 : i32
        %parallel_loop3A_241 = vector.broadcast %parallel_loop3A_240 : i32 to vector<16xi32>
        %parallel_loop3A_242 = arith.addi %parallel_loop3A_239, %parallel_loop3A_241 : vector<16xi32>
        %parallel_loop3A_243 = tpu.vector_load_idx %arg8[%get3A_224, %parallel_loop3A_242] : memref<50x128xf32, #tpu.memory_space<vmem>>[vector<16xi32>, vector<16xi32>], vector<16xf32>,
        %parallel_loop3A_244 = arith.fptosi %parallel_loop3A_243 : vector<16xf32> to vector<16xi32>
        %parallel_loop3A_245 = arith.addi %parallel_loop3A_244, %parallel_loop3A_244 : vector<16xi32>
        %parallel_loop3A_246 = arith.constant 26 : i32
        %parallel_loop3A_247 = vector.broadcast %parallel_loop3A_246 : i32 to vector<16xi32>
        %parallel_loop3A_248 = arith.addi %parallel_loop3A_245, %parallel_loop3A_247 : vector<16xi32>
        %parallel_loop3A_249 = tpu.vector_load_idx %arg12[%parallel_loop3A_248] : memref<64xf32, #tpu.memory_space<vmem>>[vector<16xi32>], vector<16xf32>,
        %parallel_loop3A_250 = arith.constant 1 : i32
        %parallel_loop3A_251 = vector.broadcast %parallel_loop3A_250 : i32 to vector<16xi32>
        %parallel_loop3A_252 = arith.addi %parallel_loop3A_248, %parallel_loop3A_251 : vector<16xi32>
        %parallel_loop3A_253 = tpu.vector_load_idx %arg12[%parallel_loop3A_252] : memref<64xf32, #tpu.memory_space<vmem>>[vector<16xi32>], vector<16xf32>,
        tpu.vector_store_idx %arg10[%parallel_loop3A_239, %add3A_231], %parallel_loop3A_249 : memref<32x400xf32, #tpu.memory_space<vmem>>[vector<16xi32>, vector<16xi32>], vector<16xf32>,
        %parallel_loop3A_254 = arith.constant 1 : i32
        %parallel_loop3A_255 = vector.broadcast %parallel_loop3A_254 : i32 to vector<16xi32>
        %parallel_loop3A_256 = arith.addi %add3A_231, %parallel_loop3A_255 : vector<16xi32>
        tpu.vector_store_idx %arg10[%parallel_loop3A_239, %parallel_loop3A_256], %parallel_loop3A_253 : memref<32x400xf32, #tpu.memory_space<vmem>>[vector<16xi32>, vector<16xi32>], vector<16xf32>,
      } {sc.loop_unroll_factor = 4 : i64, sc.parallel_access}
      %scan3A_234 = arith.constant 0 : i32
      scf.yield %scan3A_234 : i32
    }
    %scan3A_150 = arith.constant 25 : i32
    %scan3A_151 = arith.constant 0 : i32
    %scan3A_152 = arith.constant 0 : i32
    %scan3A_153 = arith.constant 25 : i32
    %scan3A_154 = arith.addi %scan3A_152, %scan3A_153 : i32
    %scan3A_155 = arith.constant 1 : i32
    %scan3A_156 = scf.for %scan3A_216 = %scan3A_152 to %scan3A_154 step %scan3A_155 iter_args(%scan3A_217 = %scan3A_151) -> (i32)  : i32 {
      %mul3A_218 = arith.constant 16 : i32
      %mul3A_219 = arith.muli %scan3A_216, %mul3A_218 : i32
      %get3A = arith.index_cast %mul3A_219 : i32 to index
      %get3A_220 = tpu.vector_load %arg13[%get3A] {strides = array<i32>} : memref<1200xi32, #tpu.memory_space<vmem>>, vector<16xi32>,
      %add3A_221 = arith.constant 400 : i32
      %add3A_222 = arith.addi %add3A_221, %mul3A_219 : i32
      %get3A_223 = arith.index_cast %add3A_222 : i32 to index
      %get3A_224 = tpu.vector_load %arg13[%get3A_223] {strides = array<i32>} : memref<1200xi32, #tpu.memory_space<vmem>>, vector<16xi32>,
      %add3A_225 = arith.constant 800 : i32
      %add3A_226 = arith.addi %add3A_225, %mul3A_219 : i32
      %get3A_227 = arith.index_cast %add3A_226 : i32 to index
      %get3A_228 = tpu.vector_load %arg13[%get3A_227] {strides = array<i32>} : memref<1200xi32, #tpu.memory_space<vmem>>, vector<16xi32>,
      %add3A_229 = arith.constant 300 : i32
      %add3A_230 = vector.broadcast %add3A_229 : i32 to vector<16xi32>
      %add3A_231 = arith.addi %get3A_228, %add3A_230 : vector<16xi32>
      %parallel_loop3A = arith.constant 0 : i32
      %parallel_loop3A_232 = arith.constant 4 : i32
      %parallel_loop3A_233 = arith.constant 1 : i32
      scf.for %parallel_loop3A_235 = %parallel_loop3A to %parallel_loop3A_232 step %parallel_loop3A_233  : i32 {
        %parallel_loop3A_236 = arith.constant 8 : i32
        %parallel_loop3A_237 = arith.muli %parallel_loop3A_235, %parallel_loop3A_236 : i32
        %parallel_loop3A_238 = vector.broadcast %parallel_loop3A_237 : i32 to vector<16xi32>
        %parallel_loop3A_239 = arith.addi %get3A_220, %parallel_loop3A_238 : vector<16xi32>
        %parallel_loop3A_240 = arith.constant 64 : i32
        %parallel_loop3A_241 = vector.broadcast %parallel_loop3A_240 : i32 to vector<16xi32>
        %parallel_loop3A_242 = arith.addi %parallel_loop3A_239, %parallel_loop3A_241 : vector<16xi32>
        %parallel_loop3A_243 = tpu.vector_load_idx %arg9[%get3A_224, %parallel_loop3A_242] : memref<50x128xf32, #tpu.memory_space<vmem>>[vector<16xi32>, vector<16xi32>], vector<16xf32>,
        %parallel_loop3A_244 = arith.constant 1.000000e+01 : f32
        %parallel_loop3A_245 = vector.broadcast %parallel_loop3A_244 : f32 to vector<16xf32>
        %parallel_loop3A_246 = arith.mulf %parallel_loop3A_243, %parallel_loop3A_245 : vector<16xf32>
        %parallel_loop3A_247 = arith.fptosi %parallel_loop3A_246 : vector<16xf32> to vector<16xi32>
        %parallel_loop3A_248 = arith.addi %parallel_loop3A_247, %parallel_loop3A_247 : vector<16xi32>
        %parallel_loop3A_249 = arith.constant 30 : i32
        %parallel_loop3A_250 = vector.broadcast %parallel_loop3A_249 : i32 to vector<16xi32>
        %parallel_loop3A_251 = arith.addi %parallel_loop3A_248, %parallel_loop3A_250 : vector<16xi32>
        %parallel_loop3A_252 = tpu.vector_load_idx %arg12[%parallel_loop3A_251] : memref<64xf32, #tpu.memory_space<vmem>>[vector<16xi32>], vector<16xf32>,
        %parallel_loop3A_253 = arith.constant 1 : i32
        %parallel_loop3A_254 = vector.broadcast %parallel_loop3A_253 : i32 to vector<16xi32>
        %parallel_loop3A_255 = arith.addi %parallel_loop3A_251, %parallel_loop3A_254 : vector<16xi32>
        %parallel_loop3A_256 = tpu.vector_load_idx %arg12[%parallel_loop3A_255] : memref<64xf32, #tpu.memory_space<vmem>>[vector<16xi32>], vector<16xf32>,
        tpu.vector_store_idx %arg10[%parallel_loop3A_239, %add3A_231], %parallel_loop3A_252 : memref<32x400xf32, #tpu.memory_space<vmem>>[vector<16xi32>, vector<16xi32>], vector<16xf32>,
        %parallel_loop3A_257 = arith.constant 1 : i32
        %parallel_loop3A_258 = vector.broadcast %parallel_loop3A_257 : i32 to vector<16xi32>
        %parallel_loop3A_259 = arith.addi %add3A_231, %parallel_loop3A_258 : vector<16xi32>
        tpu.vector_store_idx %arg10[%parallel_loop3A_239, %parallel_loop3A_259], %parallel_loop3A_256 : memref<32x400xf32, #tpu.memory_space<vmem>>[vector<16xi32>, vector<16xi32>], vector<16xf32>,
      } {sc.loop_unroll_factor = 4 : i64, sc.parallel_access}
      %scan3A_234 = arith.constant 0 : i32
      scf.yield %scan3A_234 : i32
    }
    %scan3A_157 = arith.constant 25 : i32
    %add3A_158 = arith.constant 64 : i32
    %add3A_159 = arith.addi %mul3A_2, %add3A_158 : i32
    %dma_start3A_160 = arith.constant 0 : i32
    %dma_start3A_161 = tpu.memref_slice %arg5[%add3A_159, %dma_start3A_160] : memref<4096x400xf32, #tpu.memory_space<hbm>> -> memref<32x400xf32, #tpu.memory_space<hbm>>
    %dma_start3A_162 = arith.constant 0 : i32
    %dma_start3A_163 = tpu.memref_slice %arg5[%add3A_159, %dma_start3A_162] : memref<4096x400xf32, #tpu.memory_space<hbm>> -> memref<32x400xf32, #tpu.memory_space<hbm>>
    tpu.enqueue_dma source(%arg10 : memref<32x400xf32, #tpu.memory_space<vmem>>) target(%dma_start3A_163 : memref<32x400xf32, #tpu.memory_space<hbm>>) target_semaphore(%arg15 : memref<!tpu.dma_semaphore, #tpu.memory_space<semaphore_mem>>)
    %add3A_164 = arith.constant 32 : i32
    %add3A_165 = arith.addi %mul3A_2, %add3A_164 : i32
    %dma_wait3A_166 = arith.constant 0 : i32
    %dma_wait3A_167 = tpu.memref_slice %arg5[%add3A_165, %dma_wait3A_166] : memref<4096x400xf32, #tpu.memory_space<hbm>> -> memref<32x400xf32, #tpu.memory_space<hbm>>
    %dma_wait3A_168 = arith.constant 0 : i32
    %dma_wait3A_169 = tpu.memref_slice %arg5[%add3A_165, %dma_wait3A_168] : memref<4096x400xf32, #tpu.memory_space<hbm>> -> memref<32x400xf32, #tpu.memory_space<hbm>>
    tpu.wait_dma2 semaphore(%arg16 : memref<!tpu.dma_semaphore, #tpu.memory_space<semaphore_mem>>) src(%arg11 : memref<32x400xf32, #tpu.memory_space<vmem>>) dst(%dma_wait3A_169 : memref<32x400xf32, #tpu.memory_space<hbm>>)
    %scan3A_170 = arith.constant 0 : i32
    %scan3A_171 = arith.constant 0 : i32
    %scan3A_172 = arith.constant 25 : i32
    %scan3A_173 = arith.addi %scan3A_171, %scan3A_172 : i32
    %scan3A_174 = arith.constant 1 : i32
    %scan3A_175 = scf.for %scan3A_216 = %scan3A_171 to %scan3A_173 step %scan3A_174 iter_args(%scan3A_217 = %scan3A_170) -> (i32)  : i32 {
      %mul3A_218 = arith.constant 16 : i32
      %mul3A_219 = arith.muli %scan3A_216, %mul3A_218 : i32
      %get3A = arith.index_cast %mul3A_219 : i32 to index
      %get3A_220 = tpu.vector_load %arg13[%get3A] {strides = array<i32>} : memref<1200xi32, #tpu.memory_space<vmem>>, vector<16xi32>,
      %add3A_221 = arith.constant 400 : i32
      %add3A_222 = arith.addi %add3A_221, %mul3A_219 : i32
      %get3A_223 = arith.index_cast %add3A_222 : i32 to index
      %get3A_224 = tpu.vector_load %arg13[%get3A_223] {strides = array<i32>} : memref<1200xi32, #tpu.memory_space<vmem>>, vector<16xi32>,
      %add3A_225 = arith.constant 800 : i32
      %add3A_226 = arith.addi %add3A_225, %mul3A_219 : i32
      %get3A_227 = arith.index_cast %add3A_226 : i32 to index
      %get3A_228 = tpu.vector_load %arg13[%get3A_227] {strides = array<i32>} : memref<1200xi32, #tpu.memory_space<vmem>>, vector<16xi32>,
      %add3A_229 = arith.constant 0 : i32
      %add3A_230 = vector.broadcast %add3A_229 : i32 to vector<16xi32>
      %add3A_231 = arith.addi %get3A_228, %add3A_230 : vector<16xi32>
      %parallel_loop3A = arith.constant 0 : i32
      %parallel_loop3A_232 = arith.constant 4 : i32
      %parallel_loop3A_233 = arith.constant 1 : i32
      scf.for %parallel_loop3A_235 = %parallel_loop3A to %parallel_loop3A_232 step %parallel_loop3A_233  : i32 {
        %parallel_loop3A_236 = arith.constant 8 : i32
        %parallel_loop3A_237 = arith.muli %parallel_loop3A_235, %parallel_loop3A_236 : i32
        %parallel_loop3A_238 = vector.broadcast %parallel_loop3A_237 : i32 to vector<16xi32>
        %parallel_loop3A_239 = arith.addi %get3A_220, %parallel_loop3A_238 : vector<16xi32>
        %parallel_loop3A_240 = arith.constant 96 : i32
        %parallel_loop3A_241 = vector.broadcast %parallel_loop3A_240 : i32 to vector<16xi32>
        %parallel_loop3A_242 = arith.addi %parallel_loop3A_239, %parallel_loop3A_241 : vector<16xi32>
        %parallel_loop3A_243 = tpu.vector_load_idx %arg6[%get3A_224, %parallel_loop3A_242] : memref<50x128xf32, #tpu.memory_space<vmem>>[vector<16xi32>, vector<16xi32>], vector<16xf32>,
        %parallel_loop3A_244 = arith.constant 1.000000e+01 : f32
        %parallel_loop3A_245 = vector.broadcast %parallel_loop3A_244 : f32 to vector<16xf32>
        %parallel_loop3A_246 = arith.mulf %parallel_loop3A_243, %parallel_loop3A_245 : vector<16xf32>
        %parallel_loop3A_247 = arith.fptosi %parallel_loop3A_246 : vector<16xf32> to vector<16xi32>
        %parallel_loop3A_248 = arith.addi %parallel_loop3A_247, %parallel_loop3A_247 : vector<16xi32>
        %parallel_loop3A_249 = arith.constant 0 : i32
        %parallel_loop3A_250 = vector.broadcast %parallel_loop3A_249 : i32 to vector<16xi32>
        %parallel_loop3A_251 = arith.addi %parallel_loop3A_248, %parallel_loop3A_250 : vector<16xi32>
        %parallel_loop3A_252 = tpu.vector_load_idx %arg12[%parallel_loop3A_251] : memref<64xf32, #tpu.memory_space<vmem>>[vector<16xi32>], vector<16xf32>,
        %parallel_loop3A_253 = arith.constant 1 : i32
        %parallel_loop3A_254 = vector.broadcast %parallel_loop3A_253 : i32 to vector<16xi32>
        %parallel_loop3A_255 = arith.addi %parallel_loop3A_251, %parallel_loop3A_254 : vector<16xi32>
        %parallel_loop3A_256 = tpu.vector_load_idx %arg12[%parallel_loop3A_255] : memref<64xf32, #tpu.memory_space<vmem>>[vector<16xi32>], vector<16xf32>,
        tpu.vector_store_idx %arg11[%parallel_loop3A_239, %add3A_231], %parallel_loop3A_252 : memref<32x400xf32, #tpu.memory_space<vmem>>[vector<16xi32>, vector<16xi32>], vector<16xf32>,
        %parallel_loop3A_257 = arith.constant 1 : i32
        %parallel_loop3A_258 = vector.broadcast %parallel_loop3A_257 : i32 to vector<16xi32>
        %parallel_loop3A_259 = arith.addi %add3A_231, %parallel_loop3A_258 : vector<16xi32>
        tpu.vector_store_idx %arg11[%parallel_loop3A_239, %parallel_loop3A_259], %parallel_loop3A_256 : memref<32x400xf32, #tpu.memory_space<vmem>>[vector<16xi32>, vector<16xi32>], vector<16xf32>,
      } {sc.loop_unroll_factor = 4 : i64, sc.parallel_access}
      %scan3A_234 = arith.constant 0 : i32
      scf.yield %scan3A_234 : i32
    }
    %scan3A_176 = arith.constant 25 : i32
    %scan3A_177 = arith.constant 0 : i32
    %scan3A_178 = arith.constant 0 : i32
    %scan3A_179 = arith.constant 25 : i32
    %scan3A_180 = arith.addi %scan3A_178, %scan3A_179 : i32
    %scan3A_181 = arith.constant 1 : i32
    %scan3A_182 = scf.for %scan3A_216 = %scan3A_178 to %scan3A_180 step %scan3A_181 iter_args(%scan3A_217 = %scan3A_177) -> (i32)  : i32 {
      %mul3A_218 = arith.constant 16 : i32
      %mul3A_219 = arith.muli %scan3A_216, %mul3A_218 : i32
      %get3A = arith.index_cast %mul3A_219 : i32 to index
      %get3A_220 = tpu.vector_load %arg13[%get3A] {strides = array<i32>} : memref<1200xi32, #tpu.memory_space<vmem>>, vector<16xi32>,
      %add3A_221 = arith.constant 400 : i32
      %add3A_222 = arith.addi %add3A_221, %mul3A_219 : i32
      %get3A_223 = arith.index_cast %add3A_222 : i32 to index
      %get3A_224 = tpu.vector_load %arg13[%get3A_223] {strides = array<i32>} : memref<1200xi32, #tpu.memory_space<vmem>>, vector<16xi32>,
      %add3A_225 = arith.constant 800 : i32
      %add3A_226 = arith.addi %add3A_225, %mul3A_219 : i32
      %get3A_227 = arith.index_cast %add3A_226 : i32 to index
      %get3A_228 = tpu.vector_load %arg13[%get3A_227] {strides = array<i32>} : memref<1200xi32, #tpu.memory_space<vmem>>, vector<16xi32>,
      %add3A_229 = arith.constant 100 : i32
      %add3A_230 = vector.broadcast %add3A_229 : i32 to vector<16xi32>
      %add3A_231 = arith.addi %get3A_228, %add3A_230 : vector<16xi32>
      %parallel_loop3A = arith.constant 0 : i32
      %parallel_loop3A_232 = arith.constant 4 : i32
      %parallel_loop3A_233 = arith.constant 1 : i32
      scf.for %parallel_loop3A_235 = %parallel_loop3A to %parallel_loop3A_232 step %parallel_loop3A_233  : i32 {
        %parallel_loop3A_236 = arith.constant 8 : i32
        %parallel_loop3A_237 = arith.muli %parallel_loop3A_235, %parallel_loop3A_236 : i32
        %parallel_loop3A_238 = vector.broadcast %parallel_loop3A_237 : i32 to vector<16xi32>
        %parallel_loop3A_239 = arith.addi %get3A_220, %parallel_loop3A_238 : vector<16xi32>
        %parallel_loop3A_240 = arith.constant 96 : i32
        %parallel_loop3A_241 = vector.broadcast %parallel_loop3A_240 : i32 to vector<16xi32>
        %parallel_loop3A_242 = arith.addi %parallel_loop3A_239, %parallel_loop3A_241 : vector<16xi32>
        %parallel_loop3A_243 = tpu.vector_load_idx %arg7[%get3A_224, %parallel_loop3A_242] : memref<50x128xf32, #tpu.memory_space<vmem>>[vector<16xi32>, vector<16xi32>], vector<16xf32>,
        %parallel_loop3A_244 = arith.fptosi %parallel_loop3A_243 : vector<16xf32> to vector<16xi32>
        %parallel_loop3A_245 = arith.addi %parallel_loop3A_244, %parallel_loop3A_244 : vector<16xi32>
        %parallel_loop3A_246 = arith.constant 22 : i32
        %parallel_loop3A_247 = vector.broadcast %parallel_loop3A_246 : i32 to vector<16xi32>
        %parallel_loop3A_248 = arith.addi %parallel_loop3A_245, %parallel_loop3A_247 : vector<16xi32>
        %parallel_loop3A_249 = tpu.vector_load_idx %arg12[%parallel_loop3A_248] : memref<64xf32, #tpu.memory_space<vmem>>[vector<16xi32>], vector<16xf32>,
        %parallel_loop3A_250 = arith.constant 1 : i32
        %parallel_loop3A_251 = vector.broadcast %parallel_loop3A_250 : i32 to vector<16xi32>
        %parallel_loop3A_252 = arith.addi %parallel_loop3A_248, %parallel_loop3A_251 : vector<16xi32>
        %parallel_loop3A_253 = tpu.vector_load_idx %arg12[%parallel_loop3A_252] : memref<64xf32, #tpu.memory_space<vmem>>[vector<16xi32>], vector<16xf32>,
        tpu.vector_store_idx %arg11[%parallel_loop3A_239, %add3A_231], %parallel_loop3A_249 : memref<32x400xf32, #tpu.memory_space<vmem>>[vector<16xi32>, vector<16xi32>], vector<16xf32>,
        %parallel_loop3A_254 = arith.constant 1 : i32
        %parallel_loop3A_255 = vector.broadcast %parallel_loop3A_254 : i32 to vector<16xi32>
        %parallel_loop3A_256 = arith.addi %add3A_231, %parallel_loop3A_255 : vector<16xi32>
        tpu.vector_store_idx %arg11[%parallel_loop3A_239, %parallel_loop3A_256], %parallel_loop3A_253 : memref<32x400xf32, #tpu.memory_space<vmem>>[vector<16xi32>, vector<16xi32>], vector<16xf32>,
      } {sc.loop_unroll_factor = 4 : i64, sc.parallel_access}
      %scan3A_234 = arith.constant 0 : i32
      scf.yield %scan3A_234 : i32
    }
    %scan3A_183 = arith.constant 25 : i32
    %scan3A_184 = arith.constant 0 : i32
    %scan3A_185 = arith.constant 0 : i32
    %scan3A_186 = arith.constant 25 : i32
    %scan3A_187 = arith.addi %scan3A_185, %scan3A_186 : i32
    %scan3A_188 = arith.constant 1 : i32
    %scan3A_189 = scf.for %scan3A_216 = %scan3A_185 to %scan3A_187 step %scan3A_188 iter_args(%scan3A_217 = %scan3A_184) -> (i32)  : i32 {
      %mul3A_218 = arith.constant 16 : i32
      %mul3A_219 = arith.muli %scan3A_216, %mul3A_218 : i32
      %get3A = arith.index_cast %mul3A_219 : i32 to index
      %get3A_220 = tpu.vector_load %arg13[%get3A] {strides = array<i32>} : memref<1200xi32, #tpu.memory_space<vmem>>, vector<16xi32>,
      %add3A_221 = arith.constant 400 : i32
      %add3A_222 = arith.addi %add3A_221, %mul3A_219 : i32
      %get3A_223 = arith.index_cast %add3A_222 : i32 to index
      %get3A_224 = tpu.vector_load %arg13[%get3A_223] {strides = array<i32>} : memref<1200xi32, #tpu.memory_space<vmem>>, vector<16xi32>,
      %add3A_225 = arith.constant 800 : i32
      %add3A_226 = arith.addi %add3A_225, %mul3A_219 : i32
      %get3A_227 = arith.index_cast %add3A_226 : i32 to index
      %get3A_228 = tpu.vector_load %arg13[%get3A_227] {strides = array<i32>} : memref<1200xi32, #tpu.memory_space<vmem>>, vector<16xi32>,
      %add3A_229 = arith.constant 200 : i32
      %add3A_230 = vector.broadcast %add3A_229 : i32 to vector<16xi32>
      %add3A_231 = arith.addi %get3A_228, %add3A_230 : vector<16xi32>
      %parallel_loop3A = arith.constant 0 : i32
      %parallel_loop3A_232 = arith.constant 4 : i32
      %parallel_loop3A_233 = arith.constant 1 : i32
      scf.for %parallel_loop3A_235 = %parallel_loop3A to %parallel_loop3A_232 step %parallel_loop3A_233  : i32 {
        %parallel_loop3A_236 = arith.constant 8 : i32
        %parallel_loop3A_237 = arith.muli %parallel_loop3A_235, %parallel_loop3A_236 : i32
        %parallel_loop3A_238 = vector.broadcast %parallel_loop3A_237 : i32 to vector<16xi32>
        %parallel_loop3A_239 = arith.addi %get3A_220, %parallel_loop3A_238 : vector<16xi32>
        %parallel_loop3A_240 = arith.constant 96 : i32
        %parallel_loop3A_241 = vector.broadcast %parallel_loop3A_240 : i32 to vector<16xi32>
        %parallel_loop3A_242 = arith.addi %parallel_loop3A_239, %parallel_loop3A_241 : vector<16xi32>
        %parallel_loop3A_243 = tpu.vector_load_idx %arg8[%get3A_224, %parallel_loop3A_242] : memref<50x128xf32, #tpu.memory_space<vmem>>[vector<16xi32>, vector<16xi32>], vector<16xf32>,
        %parallel_loop3A_244 = arith.fptosi %parallel_loop3A_243 : vector<16xf32> to vector<16xi32>
        %parallel_loop3A_245 = arith.addi %parallel_loop3A_244, %parallel_loop3A_244 : vector<16xi32>
        %parallel_loop3A_246 = arith.constant 26 : i32
        %parallel_loop3A_247 = vector.broadcast %parallel_loop3A_246 : i32 to vector<16xi32>
        %parallel_loop3A_248 = arith.addi %parallel_loop3A_245, %parallel_loop3A_247 : vector<16xi32>
        %parallel_loop3A_249 = tpu.vector_load_idx %arg12[%parallel_loop3A_248] : memref<64xf32, #tpu.memory_space<vmem>>[vector<16xi32>], vector<16xf32>,
        %parallel_loop3A_250 = arith.constant 1 : i32
        %parallel_loop3A_251 = vector.broadcast %parallel_loop3A_250 : i32 to vector<16xi32>
        %parallel_loop3A_252 = arith.addi %parallel_loop3A_248, %parallel_loop3A_251 : vector<16xi32>
        %parallel_loop3A_253 = tpu.vector_load_idx %arg12[%parallel_loop3A_252] : memref<64xf32, #tpu.memory_space<vmem>>[vector<16xi32>], vector<16xf32>,
        tpu.vector_store_idx %arg11[%parallel_loop3A_239, %add3A_231], %parallel_loop3A_249 : memref<32x400xf32, #tpu.memory_space<vmem>>[vector<16xi32>, vector<16xi32>], vector<16xf32>,
        %parallel_loop3A_254 = arith.constant 1 : i32
        %parallel_loop3A_255 = vector.broadcast %parallel_loop3A_254 : i32 to vector<16xi32>
        %parallel_loop3A_256 = arith.addi %add3A_231, %parallel_loop3A_255 : vector<16xi32>
        tpu.vector_store_idx %arg11[%parallel_loop3A_239, %parallel_loop3A_256], %parallel_loop3A_253 : memref<32x400xf32, #tpu.memory_space<vmem>>[vector<16xi32>, vector<16xi32>], vector<16xf32>,
      } {sc.loop_unroll_factor = 4 : i64, sc.parallel_access}
      %scan3A_234 = arith.constant 0 : i32
      scf.yield %scan3A_234 : i32
    }
    %scan3A_190 = arith.constant 25 : i32
    %scan3A_191 = arith.constant 0 : i32
    %scan3A_192 = arith.constant 0 : i32
    %scan3A_193 = arith.constant 25 : i32
    %scan3A_194 = arith.addi %scan3A_192, %scan3A_193 : i32
    %scan3A_195 = arith.constant 1 : i32
    %scan3A_196 = scf.for %scan3A_216 = %scan3A_192 to %scan3A_194 step %scan3A_195 iter_args(%scan3A_217 = %scan3A_191) -> (i32)  : i32 {
      %mul3A_218 = arith.constant 16 : i32
      %mul3A_219 = arith.muli %scan3A_216, %mul3A_218 : i32
      %get3A = arith.index_cast %mul3A_219 : i32 to index
      %get3A_220 = tpu.vector_load %arg13[%get3A] {strides = array<i32>} : memref<1200xi32, #tpu.memory_space<vmem>>, vector<16xi32>,
      %add3A_221 = arith.constant 400 : i32
      %add3A_222 = arith.addi %add3A_221, %mul3A_219 : i32
      %get3A_223 = arith.index_cast %add3A_222 : i32 to index
      %get3A_224 = tpu.vector_load %arg13[%get3A_223] {strides = array<i32>} : memref<1200xi32, #tpu.memory_space<vmem>>, vector<16xi32>,
      %add3A_225 = arith.constant 800 : i32
      %add3A_226 = arith.addi %add3A_225, %mul3A_219 : i32
      %get3A_227 = arith.index_cast %add3A_226 : i32 to index
      %get3A_228 = tpu.vector_load %arg13[%get3A_227] {strides = array<i32>} : memref<1200xi32, #tpu.memory_space<vmem>>, vector<16xi32>,
      %add3A_229 = arith.constant 300 : i32
      %add3A_230 = vector.broadcast %add3A_229 : i32 to vector<16xi32>
      %add3A_231 = arith.addi %get3A_228, %add3A_230 : vector<16xi32>
      %parallel_loop3A = arith.constant 0 : i32
      %parallel_loop3A_232 = arith.constant 4 : i32
      %parallel_loop3A_233 = arith.constant 1 : i32
      scf.for %parallel_loop3A_235 = %parallel_loop3A to %parallel_loop3A_232 step %parallel_loop3A_233  : i32 {
        %parallel_loop3A_236 = arith.constant 8 : i32
        %parallel_loop3A_237 = arith.muli %parallel_loop3A_235, %parallel_loop3A_236 : i32
        %parallel_loop3A_238 = vector.broadcast %parallel_loop3A_237 : i32 to vector<16xi32>
        %parallel_loop3A_239 = arith.addi %get3A_220, %parallel_loop3A_238 : vector<16xi32>
        %parallel_loop3A_240 = arith.constant 96 : i32
        %parallel_loop3A_241 = vector.broadcast %parallel_loop3A_240 : i32 to vector<16xi32>
        %parallel_loop3A_242 = arith.addi %parallel_loop3A_239, %parallel_loop3A_241 : vector<16xi32>
        %parallel_loop3A_243 = tpu.vector_load_idx %arg9[%get3A_224, %parallel_loop3A_242] : memref<50x128xf32, #tpu.memory_space<vmem>>[vector<16xi32>, vector<16xi32>], vector<16xf32>,
        %parallel_loop3A_244 = arith.constant 1.000000e+01 : f32
        %parallel_loop3A_245 = vector.broadcast %parallel_loop3A_244 : f32 to vector<16xf32>
        %parallel_loop3A_246 = arith.mulf %parallel_loop3A_243, %parallel_loop3A_245 : vector<16xf32>
        %parallel_loop3A_247 = arith.fptosi %parallel_loop3A_246 : vector<16xf32> to vector<16xi32>
        %parallel_loop3A_248 = arith.addi %parallel_loop3A_247, %parallel_loop3A_247 : vector<16xi32>
        %parallel_loop3A_249 = arith.constant 30 : i32
        %parallel_loop3A_250 = vector.broadcast %parallel_loop3A_249 : i32 to vector<16xi32>
        %parallel_loop3A_251 = arith.addi %parallel_loop3A_248, %parallel_loop3A_250 : vector<16xi32>
        %parallel_loop3A_252 = tpu.vector_load_idx %arg12[%parallel_loop3A_251] : memref<64xf32, #tpu.memory_space<vmem>>[vector<16xi32>], vector<16xf32>,
        %parallel_loop3A_253 = arith.constant 1 : i32
        %parallel_loop3A_254 = vector.broadcast %parallel_loop3A_253 : i32 to vector<16xi32>
        %parallel_loop3A_255 = arith.addi %parallel_loop3A_251, %parallel_loop3A_254 : vector<16xi32>
        %parallel_loop3A_256 = tpu.vector_load_idx %arg12[%parallel_loop3A_255] : memref<64xf32, #tpu.memory_space<vmem>>[vector<16xi32>], vector<16xf32>,
        tpu.vector_store_idx %arg11[%parallel_loop3A_239, %add3A_231], %parallel_loop3A_252 : memref<32x400xf32, #tpu.memory_space<vmem>>[vector<16xi32>, vector<16xi32>], vector<16xf32>,
        %parallel_loop3A_257 = arith.constant 1 : i32
        %parallel_loop3A_258 = vector.broadcast %parallel_loop3A_257 : i32 to vector<16xi32>
        %parallel_loop3A_259 = arith.addi %add3A_231, %parallel_loop3A_258 : vector<16xi32>
        tpu.vector_store_idx %arg11[%parallel_loop3A_239, %parallel_loop3A_259], %parallel_loop3A_256 : memref<32x400xf32, #tpu.memory_space<vmem>>[vector<16xi32>, vector<16xi32>], vector<16xf32>,
      } {sc.loop_unroll_factor = 4 : i64, sc.parallel_access}
      %scan3A_234 = arith.constant 0 : i32
      scf.yield %scan3A_234 : i32
    }
    %scan3A_197 = arith.constant 25 : i32
    %add3A_198 = arith.constant 96 : i32
    %add3A_199 = arith.addi %mul3A_2, %add3A_198 : i32
    %dma_start3A_200 = arith.constant 0 : i32
    %dma_start3A_201 = tpu.memref_slice %arg5[%add3A_199, %dma_start3A_200] : memref<4096x400xf32, #tpu.memory_space<hbm>> -> memref<32x400xf32, #tpu.memory_space<hbm>>
    %dma_start3A_202 = arith.constant 0 : i32
    %dma_start3A_203 = tpu.memref_slice %arg5[%add3A_199, %dma_start3A_202] : memref<4096x400xf32, #tpu.memory_space<hbm>> -> memref<32x400xf32, #tpu.memory_space<hbm>>
    tpu.enqueue_dma source(%arg11 : memref<32x400xf32, #tpu.memory_space<vmem>>) target(%dma_start3A_203 : memref<32x400xf32, #tpu.memory_space<hbm>>) target_semaphore(%arg16 : memref<!tpu.dma_semaphore, #tpu.memory_space<semaphore_mem>>)
    %add3A_204 = arith.constant 64 : i32
    %add3A_205 = arith.addi %mul3A_2, %add3A_204 : i32
    %dma_wait3A_206 = arith.constant 0 : i32
    %dma_wait3A_207 = tpu.memref_slice %arg5[%add3A_205, %dma_wait3A_206] : memref<4096x400xf32, #tpu.memory_space<hbm>> -> memref<32x400xf32, #tpu.memory_space<hbm>>
    %dma_wait3A_208 = arith.constant 0 : i32
    %dma_wait3A_209 = tpu.memref_slice %arg5[%add3A_205, %dma_wait3A_208] : memref<4096x400xf32, #tpu.memory_space<hbm>> -> memref<32x400xf32, #tpu.memory_space<hbm>>
    tpu.wait_dma2 semaphore(%arg15 : memref<!tpu.dma_semaphore, #tpu.memory_space<semaphore_mem>>) src(%arg10 : memref<32x400xf32, #tpu.memory_space<vmem>>) dst(%dma_wait3A_209 : memref<32x400xf32, #tpu.memory_space<hbm>>)
    %add3A_210 = arith.constant 96 : i32
    %add3A_211 = arith.addi %mul3A_2, %add3A_210 : i32
    %dma_wait3A_212 = arith.constant 0 : i32
    %dma_wait3A_213 = tpu.memref_slice %arg5[%add3A_211, %dma_wait3A_212] : memref<4096x400xf32, #tpu.memory_space<hbm>> -> memref<32x400xf32, #tpu.memory_space<hbm>>
    %dma_wait3A_214 = arith.constant 0 : i32
    %dma_wait3A_215 = tpu.memref_slice %arg5[%add3A_211, %dma_wait3A_214] : memref<4096x400xf32, #tpu.memory_space<hbm>> -> memref<32x400xf32, #tpu.memory_space<hbm>>
    tpu.wait_dma2 semaphore(%arg16 : memref<!tpu.dma_semaphore, #tpu.memory_space<semaphore_mem>>) src(%arg11 : memref<32x400xf32, #tpu.memory_space<vmem>>) dst(%dma_wait3A_215 : memref<32x400xf32, #tpu.memory_space<hbm>>)
    return
  }
}

</mosaic_0001>

<sc_bundles>
// kernel: lambda_signature_lookup.3.cloned.1.call-start
scs
__scs_entry_jumppad:
0x0: {  	(pc) =	sbr.rel $0x88, $3  }
0x1: {  	(tag) =	ssettag $0x0;
	lr =	simm.s32 $0x1  }
0x2: {  	[smem:$0x3F9C] =	sst lr;
	_ =	strace $0xD0000000  }
0x3: {  	_ = 	snop  }
0x4: {  	_ = 	snop  }
0x5: {  	_ = 	snop  }
0x6: {  	_ = 	snop  }
0x7: {  	_ = 	snop  }
__scs_overlays_trampoline_lowered:
0x8: {  	[smem:$0x3FAB] =	sst s0  }
0x9: {  	[smem:$0x3FAC] =	sst s1  }
0xa: {  	[smem:$0x3FAD] =	sst s2  }
0xb: {  	[smem:$0x3FAE] =	sst s3  }
0xc: {  	[smem:$0x3FAF] =	sst s4  }
0xd: {  	[smem:$0x3FB0] =	sst s5  }
0xe: {  	[smem:$0x3FB1] =	sst s6  }
0xf: {  	[smem:$0x3FB2] =	sst s7  }
0x10: {  	[smem:$0x3FB3] =	sst s8  }
0x11: {  	[smem:$0x3FB4] =	sst s9;
	s0 =	simm.s32 @!p0 $0x0  }
0x12: {  	s1 =	sld [smem:$0x3F9A];
	s0 =	simm.s32 @p0 $0x1  }
0x13: {  	[smem:$0x3FB5] =	sst s0;
	s0 =	simm.s32 @!p1 $0x0  }
0x14: {  	s2 =	sld [smem:$0x3F99];
	s0 =	simm.s32 @p1 $0x1  }
0x15: {  	[smem:$0x3FB6] =	sst s0;
	s0 =	simm.s32 @!p2 $0x0  }
0x16: {  	s3 =	sld [smem:$0x3FDB];
	s0 =	simm.s32 @p2 $0x1  }
0x17: {  	s4 =	simm.s32 $0x1BF5;
	[smem:$0x3FB8] =	sst s0  }
0x18: {  	s0 =	sld [smem:$0x3F9B];
	_ =	swait.ge [sflag:s4], $0x0  }
0x19: {  	s7 =	sld [smem:$0x3F9C]  }
0x1a: {  	s8 =	sadd.s32 $0xFFFFE003, lr  }
0x1b: {  	s9 =	sadd.s32 $0xFFFFFEF7, lr;
	s5 =	simm.s32 $0xFFFFFFFF;
	p2 =	slt.u32 s8, $0xFFFFF086  }
0x1c: {  	p1 =	slt.u32 s9, $0xF7A;
	s5 =	simm.s32 @!p2 $0x0  }
0x1d: {  	s5 =	simm.s32 @p1 $0x1;
	p0 =	seq.s32 s7, s2  }
0x1e: {  	s7 =	smul.u32 @!p0 $0xF7A, s2;
	p2 =	seq.s32 @!p0 s5, $0x0  }
0x1f: {  	s9 =	smul.u32 $0xF7A, s1;
	s8 =	simm.s32 @!p0 $0x1BF5;
	p2 =	por !p2, p0  }
0x20: {  	[sflag:s8] =	ssyncset.s32 @!p0 $0xFFFFF086;
	s6 =	sadd.s32 @!p0 s3, s7;
	s7 =	simm.s32 @!p0 $0x108  }
0x21: {  	s3 =	sadd.s32 s3, s9;
	s6 =	sadd.s32 @!p0 $0x88, s6;
	s7 =	simm.s32 @p2 $0x1082  }
0x22: {  	[simem:s7], [sflag:s8] =	dma.local @!p0 [hbm:s6], $0xF7A  }
0x23: {  	s9 =	sor.u32 $0xD0000000, s2;
	s6 =	simm.s32 $0x108;
	_ =	swait.ge @!p0 [sflag:s8], $0x0  }
0x24: {  	s3 =	sadd.s32 $0x88, s3;
	s6 =	simm.s32 @!p1 $0x1082;
	[sflag:s4] =	ssyncset.s32 $0xFFFFF086  }
0x25: {  	[simem:s6], [sflag:s4] =	dma.local [hbm:s3], $0xF7A  }
0x26: {  	[smem:$0x3F9C] =	sst s1;
	(tag) =	ssettag s2;
	_ =	strace s9  }
0x27: {  	s1 =	sld [smem:$0x3FAC]  }
0x28: {  	s2 =	sld [smem:$0x3FAD]  }
0x29: {  	s4 =	sld [smem:$0x3FAF]  }
0x2a: {  	p0 =	seq.s32 s5, $0x0;
	s5 =	sld [smem:$0x3FB0]  }
0x2b: {  	s6 =	sld [smem:$0x3FB1]  }
0x2c: {  	s7 =	sld [smem:$0x3FB2]  }
0x2d: {  	s3 =	simm.s32 $0x108;
	s8 =	sld [smem:$0x3FB3]  }
0x2e: {  	s3 =	simm.s32 @!p0 $0x1082;
	s9 =	sld [smem:$0x3FB4]  }
0x2f: {  	lr =	sadd.s32 s0, s3;
	s0 =	sld [smem:$0x3FAB]  }
0x30: {  	s3 =	sld [smem:$0x3FAE]  }
0x31: {  	[smem:$0x3FB7] =	sst s10  }
0x32: {  	s10 =	sld [smem:$0x3FB5];
	_ =	sdelay $0x3  }
0x33: {  	p0 =	seq.s32 s10, $0x1;
	s10 =	sld [smem:$0x3FB7];
	_ =	sdelay $0x3  }
0x34: {  	[smem:$0x3FB7] =	sst s10  }
0x35: {  	s10 =	sld [smem:$0x3FB6];
	_ =	sdelay $0x3  }
0x36: {  	p1 =	seq.s32 s10, $0x1;
	s10 =	sld [smem:$0x3FB7];
	_ =	sdelay $0x3  }
0x37: {  	[smem:$0x3FB7] =	sst s10  }
0x38: {  	s10 =	sld [smem:$0x3FB8]  }
0x39: {  	_ = 	snop;
	(pc) =	sbr.ind lr, $3  }
0x3a: {  	_ = 	snop  }
0x3b: {  	_ = 	snop  }
0x3c: {  	p2 =	seq.s32 s10, $0x1;
	s10 =	sld [smem:$0x3FB7]  }
0x3d: {  	_ =	shalt  }
0x3e: {  	_ =	shalt  }
0x3f: {  	_ =	shalt  }
0x40: {  	_ =	shalt  }
0x41: {  	_ =	shalt  }
0x42: {  	_ =	shalt  }
0x43: {  	_ =	shalt  }
0x44: {  	_ =	shalt  }
0x45: {  	_ =	shalt  }
0x46: {  	_ =	shalt  }
0x47: {  	_ =	shalt  }
0x48: {  	_ =	shalt  }
0x49: {  	_ =	shalt  }
0x4a: {  	_ =	shalt  }
0x4b: {  	_ =	shalt  }
0x4c: {  	_ =	shalt  }
0x4d: {  	_ =	shalt  }
0x4e: {  	_ =	shalt  }
0x4f: {  	_ =	shalt  }
0x50: {  	_ =	shalt  }
0x51: {  	_ =	shalt  }
0x52: {  	_ =	shalt  }
0x53: {  	_ =	shalt  }
0x54: {  	_ =	shalt  }
0x55: {  	_ =	shalt  }
0x56: {  	_ =	shalt  }
0x57: {  	_ =	shalt  }
0x58: {  	_ =	shalt  }
0x59: {  	_ =	shalt  }
0x5a: {  	_ =	shalt  }
0x5b: {  	_ =	shalt  }
0x5c: {  	_ =	shalt  }
0x5d: {  	_ =	shalt  }
0x5e: {  	_ =	shalt  }
0x5f: {  	_ =	shalt  }
0x60: {  	_ =	shalt  }
0x61: {  	_ =	shalt  }
0x62: {  	_ =	shalt  }
0x63: {  	_ =	shalt  }
0x64: {  	_ =	shalt  }
0x65: {  	_ =	shalt  }
0x66: {  	_ =	shalt  }
0x67: {  	_ =	shalt  }
0x68: {  	_ =	shalt  }
0x69: {  	_ =	shalt  }
0x6a: {  	_ =	shalt  }
0x6b: {  	_ =	shalt  }
0x6c: {  	_ =	shalt  }
0x6d: {  	_ =	shalt  }
0x6e: {  	_ =	shalt  }
0x6f: {  	_ =	shalt  }
0x70: {  	_ =	shalt  }
0x71: {  	_ =	shalt  }
0x72: {  	_ =	shalt  }
0x73: {  	_ =	shalt  }
0x74: {  	_ =	shalt  }
0x75: {  	_ =	shalt  }
0x76: {  	_ =	shalt  }
0x77: {  	_ =	shalt  }
0x78: {  	_ =	shalt  }
0x79: {  	_ =	shalt  }
0x7a: {  	_ =	shalt  }
0x7b: {  	_ =	shalt  }
0x7c: {  	_ =	shalt  }
0x7d: {  	_ =	shalt  }
0x7e: {  	_ =	shalt  }
0x7f: {  	_ =	shalt  }
0x80: {  	_ =	shalt  }
0x81: {  	_ =	shalt  }
0x82: {  	_ =	shalt  }
0x83: {  	_ =	shalt  }
0x84: {  	_ =	shalt  }
0x85: {  	_ =	shalt  }
0x86: {  	_ =	shalt  }
0x87: {  	_ =	shalt  }
.Lfunc_end0:
.L_simem_size_0:
called_computation_lowered:
.L_overlay_start_0:
0x88: {  	s2 =	sld [smem:$0x3FD9]  }
0x89: {  	s3 =	sld [smem:$0x3FFE];
	_ =	sdelay $0x1  }
0x8a: {  	s1 =	srdreg.scid  }
0x8b: {  	s0 =	sand.u32 $0x1, s1  }
0x8c: {  	s17 =	sshll.u32 s0, $0xA;
	s2 =	sadd.s32 s3, s2  }
0x8d: {  	s2 =	sadd.s32 s2, s17  }
0x8e: {  	[smem:$0x3FC3] =	sst s2  }
0x8f: {  	_ = 	snop  }
0x90: {  	s2 =	sld [smem:$0x3FD0];
	(tm) =	ssettm $0x1  }
0x91: {  	s18 =	sld [smem:$0x3FFB];
	_ =	sdelay $0x3  }
0x92: {  	_ =	strace s18  }
0x93: {  	s3 =	sld [smem:$0x3FFC];
	_ =	sdelay $0x3  }
0x94: {  	_ =	strace s3  }
0x95: {  	s3 =	sld [smem:$0x3FFD];
	_ =	sdelay $0x3  }
0x96: {  	_ =	strace s3  }
0x97: {  	_ =	strace $0x8FFFFFFF  }
0x98: {  	s19 =	sld [smem:$0x3FDB];
	_ =	sdelay $0x1  }
0x99: {  	s4 =	simm.s32 $_scs_section_size  }
0x9a: {  	s5 =	simm.s32 $_size__tile_overlayer_lowered;
	s6 =	simm.s32 $_tile_overlayer_lowered  }
0x9b: {  	s22 =	simm.s32 $0x1BFF;
	s21 =	sshll.u32 s6, $0x1;
	s3 =	sadd.s32 s4, s19  }
0x9c: {  	s7 =	simm.s32 $0x0;
	s20 =	sshll.u32 s5, $0x1;
	s5 =	sadd.s32 s21, s3  }
0x9d: {  	[timem:s7], [sflag:s22] =	dma.local [hbm:s5], s20  }
0x9e: {  	_ =	swait.ge [sflag:s22], s20  }
0x9f: {  	s4 =	ssub.s32 $0x0, s20;
	[sflag:s22] =	ssyncset.done $0x0  }
0xa0: {  	[sflag:s22] =	ssyncadd.s32 s4;
	_ =	sdelay $0x1  }
0xa1: {  	s23 =	simm.s32 $0x1B8B  }
0xa2: {  	_ =	swait.ge [sflag:s23], $0x1  }
0xa3: {  	[sflag:s23] =	ssyncset.done $0x0  }
0xa4: {  	s25 =	simm.s32 $0x1B8E;
	s24 =	sld [smem:$0x3FFE];
	[sflag:s23] =	ssyncadd.s32 $0xFFFFFFFF  }
0xa5: {  	s26 =	simm.s32 $execute0_lowered;
	[smem:$0x3FD2] =	sst s25  }
0xa6: {  	s5 =	sshll.u32 s26, $0x1;
	_ =	strace $0x80000046;
	[dreg:$0x1] =	wrdreg $0xFFFFFFFF  }
0xa7: {  	s28 =	simm.s32 $_size_execute0_lowered;
	s3 =	sadd.s32 s3, s5;
	[dreg:$0x0] =	wrdreg $0x0  }
0xa8: {  	s5 =	sshll.u32 s28, $0x1;
	[dreg:$0x2] =	wrdreg s3  }
0xa9: {  	[dreg:$0x3] =	wrdreg s5  }
0xaa: {  	[dreg:$0x4] =	wrdreg $0xC0  }
0xab: {  	_ =	task [dreg:s7], $0x5FFFF  }
0xac: {  	[dreg:$0x1] =	wrdreg $0xFFFFFFFF  }
0xad: {  	[dreg:$0x0] =	wrdreg $0x60  }
0xae: {  	[dreg:$0x2] =	wrdreg s2  }
0xaf: {  	[dreg:$0x3] =	wrdreg s24  }
0xb0: {  	[dreg:$0x4] =	wrdreg $0x9  }
0xb1: {  	_ =	task.clear_ibuf [dreg:s7], $0x5FFFF;
	_ =	strace $0x90000046  }
0xb2: {  	s29 =	simm.s32 $0x9;
	_ =	strace $0x80000048  }
0xb3: {  	_ =	swait.ge [sflag:s29], $0x1  }
0xb4: {  	[sflag:s29] =	ssyncadd.s32 $0xFFFFFFFF  }
0xb5: {  	_ =	strace $0x90000048  }
0xb6: {  	_ =	sfence  }
0xb7: {  	s30 =	sld [smem:$0x0];
	_ =	sdelay $0x2  }
0xb8: {  	s31 =	sshll.u32 s1, $0xD;
	s1 =	sshrl.u32 s1, $0x2  }
0xb9: {  	s3 =	sand.u32 $0x4000, s31;
	s1 =	sadd.s32 s1, s30  }
0xba: {  	s0 =	sor.u32 s3, s0;
	s1 =	sshll.u32 s1, $0x11  }
0xbb: {  	s0 =	sor.u32 s1, s0  }
0xbc: {  	s0 =	sadd.s32 $0x8F2B, s0  }
0xbd: {  	[sflag:s0] =	ssyncadd.remote.s32 $0x1  }
0xbe: {  	_ =	sfence.sel $0xFFFF  }
0xbf: {  	[dreg:$0x0] =	wrdreg $0xFFFFFFFF;
	(pc) =	sbr.abs _section_cstart, $3  }
0xc0: {  	[dreg:$0x1] =	wrdreg $0xFFFFFFFF  }
0xc1: {  	_ =	task.clear_ibuf [dreg:s7], $0x2FFFF;
	_ =	strace $0x9FFFFFFF  }
0xc2: {  	(tm) =	ssettm $0x7FFFFFFF  }
0xc3: {  	_ =	shalt  }
tec
execute0_lowered:
.L_overlay_start_1:
0x0: {  	(tag) =	ssettag $0x1  }
0x1: {  	s0 =	rddreg [dreg:$0x0]  }
0x2: {  	s1 =	rddreg [dreg:$0x1]  }
0x3: {  	s2 =	simm.s32 $0x0;
	s3 =	srdreg.scid;
	s4 =	stileid.u32  }
0x4: {  	s18 =	simm.s32 $0x400;
	s19 =	simm.s32 $0x8000;
	s21 =	simm.s32 $0x1C00  }
0x5: {  	s23 =	simm.s32 $0x3800;
	s28 =	simm.s32 $0xF000;
	s29 =	simm.s32 $0x4  }
0x6: {  	s31 =	simm.s32 $0x1;
	s20 =	simm.s32 $0x2;
	s22 =	simm.s32 $0x3  }
0x7: {  	s24 =	simm.s32 $0x0;
	[smem:$0x7FF] =	sst s2;
	s3 =	sand.u32 $0x1, s3  }
0x8: {  	s4 =	sshll.u32 s4, $0x8;
	s6 =	sadd.s32 $0x600, s1;
	s25 =	sadd.s32 $0x800, s1  }
0x9: {  	_ =	strace $0x80000047;
	s5 =	sshll.u32 s3, $0x7;
	[dreg:$0x3] =	wrdreg s6  }
0xa: {  	s3 =	ssub.s32 $0x2, s3;
	[dreg:$0x4] =	wrdreg s25;
	s4 =	sor.u32 s5, s4  }
0xb: {  	s25 =	simm.s32 $0x5400;
	s30 =	sshrl.u32 s3, $0x1;
	s26 =	sshll.u32 s4, $0x6  }
0xc: {  	s3 =	ssub.s32 s3, s30;
	s5 =	sadd.s32 s0, s4;
	s1 =	sadd.s32 s26, s1  }
0xd: {  	s0 =	sadd.s32 $0x6000, s5;
	s7 =	sadd.s32 $0x7000, s5;
	s8 =	sadd.s32 $0xD000, s5  }
0xe: {  	s9 =	sadd.s32 $0xE000, s5;
	s10 =	sadd.s32 $0x14000, s5;
	s11 =	sadd.s32 $0x15000, s5  }
0xf: {  	s12 =	sadd.s32 $0x1B000, s5;
	s17 =	smax.u32 s3, $0x1;
	[dreg:$0x5] =	wrdreg s0  }
0x10: {  	s13 =	sadd.s32 $0xA00, s1;
	s14 =	sadd.s32 $0x1200, s1;
	s15 =	sadd.s32 $0x1A00, s1  }
0x11: {  	s16 =	sadd.s32 $0x2200, s1;
	s0 =	simm.s32 $0x7000;
	s1 =	simm.s32 $0xB000  }
.LBB2_1:
0x12: {  	[tilespmem:s2], [sflag:$0x1] =	stream.strided.gather [hbm4b:s5+s18], $0x1800, s19, s18, $0x38;
	[tilespmem:$0xF580] =	vst v63  }
0x13: {  	s3 =	rddreg [dreg:$0x5];
	s4 =	simm.s32 $0x1800  }
0x14: {  	[tilespmem:s4], [sflag:$0x1] =	stream.linear.gather [hbm4b:s3+s2], $0x100, $0x38;
	[tilespmem:$0xF580] =	vst v63  }
0x15: {  	_ = 	snop  }
0x16: {  	[tilespmem:s21], [sflag:$0x1] =	stream.strided.gather [hbm4b:s7+s18], $0x1800, s19, s18, $0x38;
	[tilespmem:$0xF580] =	vst v63  }
0x17: {  	s26 =	simm.s32 $0x3400  }
0x18: {  	[tilespmem:s26], [sflag:$0x1] =	stream.linear.gather [hbm4b:s8+s2], $0x100, $0x38;
	[tilespmem:$0xF580] =	vst v63  }
0x19: {  	_ = 	snop  }
0x1a: {  	[tilespmem:s23], [sflag:$0x1] =	stream.strided.gather [hbm4b:s9+s18], $0x1800, s19, s18, $0x38;
	[tilespmem:$0xF580] =	vst v63  }
0x1b: {  	s4 =	simm.s32 $0x5000  }
0x1c: {  	[tilespmem:s4], [sflag:$0x1] =	stream.linear.gather [hbm4b:s10+s2], $0x100, $0x38;
	[tilespmem:$0xF580] =	vst v63  }
0x1d: {  	_ = 	snop  }
0x1e: {  	[tilespmem:s25], [sflag:$0x1] =	stream.strided.gather [hbm4b:s11+s18], $0x1800, s19, s18, $0x38;
	[tilespmem:$0xF580] =	vst v63  }
0x1f: {  	s6 =	simm.s32 $0x6C00  }
0x20: {  	[tilespmem:s6], [sflag:$0x1] =	stream.linear.gather [hbm4b:s12+s2], $0x100, $0x38;
	[tilespmem:$0xF580] =	vst v63  }
0x21: {  	s26 =	rddreg [dreg:$0x3]  }
0x22: {  	[tilespmem:s28], [sflag:$0x4] =	stream.linear.gather [hbm4b:s26+s2], $0x80, $0x38;
	[tilespmem:$0xF580] =	vst v63  }
0x23: {  	_ =	swait.ge [sflag:s29], $0x80  }
0x24: {  	[sflag:s29] =	ssyncset.done $0x0  }
0x25: {  	s6 =	simm.s32 $0xF080;
	s4 =	rddreg [dreg:$0x4];
	[sflag:s29] =	ssyncadd.s32 $0xFFFFFF80  }
0x26: {  	[tilespmem:s6], [sflag:$0x4] =	stream.linear.gather [hbm4b:s4+s2], $0x500, $0x38;
	[tilespmem:$0xF580] =	vst v63  }
0x27: {  	_ =	swait.ge [sflag:s29], $0x500  }
0x28: {  	[sflag:s29] =	ssyncset.done $0x0  }
0x29: {  	[sflag:s29] =	ssyncadd.s32 $0xFFFFFB00  }
0x2a: {  	_ =	swait.ge [sflag:s31], $0x1900  }
0x2b: {  	[sflag:s31] =	ssyncset.done $0x0  }
0x2c: {  	[sflag:s31] =	ssyncadd.s32 $0xFFFFE700  }
0x2d: {  	_ =	swait.ge [sflag:s31], $0x1900  }
0x2e: {  	[sflag:s31] =	ssyncset.done $0x0  }
0x2f: {  	[sflag:s31] =	ssyncadd.s32 $0xFFFFE700  }
0x30: {  	_ =	swait.ge [sflag:s31], $0x1900  }
0x31: {  	[sflag:s31] =	ssyncset.done $0x0  }
0x32: {  	[sflag:s31] =	ssyncadd.s32 $0xFFFFE700  }
0x33: {  	_ =	swait.ge [sflag:s31], $0x1900  }
0x34: {  	[sflag:s31] =	ssyncset.done $0x0  }
0x35: {  	s26 =	simm.s32 $0x0;
	[sflag:s31] =	ssyncadd.s32 $0xFFFFE700  }
0x36: {  	v0 =	vld [tilespmem:s26+$0xF080]  }
0x37: {  	v1 =	vld [tilespmem:s26+$0xF210];
	_ =	sdelay $0x4  }
0x38: {  	v2 =	vadd.s32 $0x10, v0;
	v1 =	vshll.u32 v1, $0x7;
	v6 =	vand.u32 $0xFFFFFF80, v0  }
0x39: {  	v8 =	vand.u32 $0x7F, v0;
	v3 =	vand.u32 $0xFFFFFF80, v2;
	v6 =	vadd.s32 v6, v1  }
0x3a: {  	v5 =	vand.u32 $0x7F, v2;
	v3 =	vadd.s32 v3, v1;
	v6 =	vor.u32 v8, v6  }
0x3b: {  	v4 =	vadd.s32 $0x18, v0;
	v3 =	vor.u32 v5, v3  }
0x3c: {  	v9 =	vld [tilespmem:s26+$0xF3A0];
	v58 =	vadd.s32 $0x8, v0;
	v57 =	vand.u32 $0xFFFFFF80, v4  }
0x3d: {  	v7 =	vand.u32 $0x7F, v4;
	v59 =	vand.u32 $0xFFFFFF80, v58;
	v5 =	vadd.s32 v57, v1  }
0x3e: {  	v60 =	vand.u32 $0x7F, v58;
	v1 =	vadd.s32 v59, v1;
	v5 =	vor.u32 v7, v5  }
0x3f: {  	v1 =	vor.u32 v60, v1;
	v6 =	vld.idx.msk [tilespmem:v6+s2+$0x0], $0xffff  }
0x40: {  	v61 =	vshll.u32 v0, $0x9;
	v0 =	vshll.u32 v0, $0x7;
	v3 =	vld.idx.msk [tilespmem:v3+s2+$0x0], $0xffff  }
0x41: {  	v10 =	vand.u32 $0x7F, v9;
	v11 =	vshll.u32 v9, $0x3;
	v9 =	vadd.s32 $0x1, v9  }
0x42: {  	v4 =	vshll.u32 v4, $0x9;
	v2 =	vshll.u32 v2, $0x9;
	v11 =	vand.u32 $0xFFFFFC00, v11  }
0x43: {  	v0 =	vand.u32 $0x380, v0;
	v14 =	vshll.u32 v9, $0x3;
	v9 =	vand.u32 $0x7F, v9;
	v5 =	vld.idx.msk [tilespmem:v5+s2+$0x0], $0xffff  }
0x44: {  	v8 =	vand.u32 $0xFFFFF000, v61;
	v4 =	vand.u32 $0xFFFFF000, v4;
	v1 =	vld.idx.msk [tilespmem:v1+s2+$0x0], $0xffff;
	v6 =	vmul.f32 $1.000000000e+01, v6  }
0x45: {  	v2 =	vand.u32 $0xFFFFF000, v2;
	v14 =	vand.u32 $0xFFFFFC00, v14;
	v3 =	vmul.f32 $1.000000000e+01, v3  }
0x46: {  	v12 =	vadd.s32 v8, v11;
	v13 =	vadd.s32 v4, v11;
	v6 =	vtrunc.f32 v6  }
0x47: {  	v15 =	vadd.s32 v2, v11;
	v3 =	vtrunc.f32 v3;
	v6 =	vcvt.f32.s32 v6  }
0x48: {  	v2 =	vadd.s32 v2, v14;
	v5 =	vmul.f32 $1.000000000e+01, v5;
	v3 =	vcvt.f32.s32 v3  }
0x49: {  	v4 =	vadd.s32 v4, v14;
	v1 =	vmul.f32 $1.000000000e+01, v1;
	v6 =	vshll.u32 v6, $0x1  }
0x4a: {  	v8 =	vadd.s32 v8, v14;
	v5 =	vtrunc.f32 v5;
	v3 =	vshll.u32 v3, $0x1  }
0x4b: {  	v1 =	vtrunc.f32 v1;
	v5 =	vcvt.f32.s32 v5;
	v17 =	vor.u32 $0x1, v6  }
0x4c: {  	v7 =	vshll.u32 v58, $0x9;
	v1 =	vcvt.f32.s32 v1;
	v16 =	vor.u32 $0x1, v3  }
0x4d: {  	v12 =	vor.u32 v0, v12;
	v15 =	vor.u32 v0, v15;
	v5 =	vshll.u32 v5, $0x1  }
0x4e: {  	v2 =	vor.u32 v0, v2;
	v12 =	vor.u32 v10, v12;
	v1 =	vshll.u32 v1, $0x1;
	v6 =	vld.idx.msk [tilespmem:v6+s28+$0x0], $0xffff  }
0x4f: {  	v8 =	vor.u32 v0, v8;
	v15 =	vor.u32 v10, v15;
	v18 =	vor.u32 $0x1, v5;
	v3 =	vld.idx.msk [tilespmem:v3+s28+$0x0], $0xffff  }
0x50: {  	v7 =	vand.u32 $0xFFFFF000, v7;
	v8 =	vor.u32 v9, v8;
	v19 =	vor.u32 $0x1, v1;
	v17 =	vld.idx.msk [tilespmem:v17+s28+$0x0], $0xffff  }
0x51: {  	v13 =	vor.u32 v0, v13;
	v2 =	vor.u32 v9, v2;
	v11 =	vadd.s32 v7, v11;
	v16 =	vld.idx.msk [tilespmem:v16+s28+$0x0], $0xffff  }
0x52: {  	v4 =	vor.u32 v0, v4;
	v13 =	vor.u32 v10, v13;
	v11 =	vor.u32 v0, v11;
	v5 =	vld.idx.msk [tilespmem:v5+s28+$0x0], $0xffff  }
0x53: {  	v62 =	vor.u32 v10, v11;
	v63 =	vld.idx.msk [tilespmem:v1+s28+$0x0], $0xffff;
	v1 =	vadd.s32 v7, v14;
	[tilespmem:v12+s0+$0x0] =	vst.idx.msk $0xffff, v6  }
0x54: {  	v18 =	vld.idx.msk [tilespmem:v18+s28+$0x0], $0xffff;
	v0 =	vor.u32 v0, v1;
	[tilespmem:v15+s0+$0x0] =	vst.idx.msk $0xffff, v3;
	v3 =	vor.u32 v9, v4  }
0x55: {  	v1 =	vld.idx.msk [tilespmem:v19+s28+$0x0], $0xffff;
	v0 =	vor.u32 v9, v0;
	[tilespmem:v8+s0+$0x0] =	vst.idx.msk $0xffff, v17  }
0x56: {  	[tilespmem:v2+s0+$0x0] =	vst.idx.msk $0xffff, v16  }
0x57: {  	[tilespmem:v13+s0+$0x0] =	vst.idx.msk $0xffff, v5  }
0x58: {  	[tilespmem:v62+s0+$0x0] =	vst.idx.msk $0xffff, v63  }
0x59: {  	s30 =	simm.s32 $0x80;
	s3 =	simm.s32 $0x10;
	[tilespmem:v3+s0+$0x0] =	vst.idx.msk $0xffff, v18  }
.LBB2_2:
0x5a: {  	p0 =	sne.s32 s30, $0x600;
	[tilespmem:v0+s0+$0x0] =	vst.idx.msk $0xffff, v1;
	s4 =	smov.u32 s30;
	s30 =	sadd.s32 $0x40, s30  }
0x5b: {  	v0 =	vld [tilespmem:s3+$0xF080]  }
0x5c: {  	v1 =	vld [tilespmem:s3+$0xF210];
	_ =	sdelay $0x3  }
0x5d: {  	s4 =	sshra.s32 s4, $0x2;
	v2 =	vadd.s32 $0x8, v0;
	v3 =	vadd.s32 $0x10, v0;
	v4 =	vadd.s32 $0x18, v0  }
0x5e: {  	v1 =	vshll.u32 v1, $0x7;
	v5 =	vand.u32 $0xFFFFFF80, v2;
	v6 =	vand.u32 $0xFFFFFF80, v3  }
0x5f: {  	v7 =	vand.u32 $0x7F, v3;
	v5 =	vadd.s32 v5, v1;
	v6 =	vadd.s32 v6, v1  }
0x60: {  	v8 =	vand.u32 $0x7F, v2;
	v6 =	vor.u32 v7, v6;
	v7 =	vand.u32 $0xFFFFFF80, v4  }
0x61: {  	v9 =	vand.u32 $0xFFFFFF80, v0;
	v10 =	vand.u32 $0x7F, v4;
	v7 =	vadd.s32 v7, v1  }
0x62: {  	v12 =	vand.u32 $0x7F, v0;
	v1 =	vadd.s32 v9, v1;
	v11 =	vld [tilespmem:s3+$0xF3A0];
	v7 =	vor.u32 v10, v7;
	s3 =	smov.u32 s4  }
0x63: {  	v5 =	vor.u32 v8, v5;
	v4 =	vshll.u32 v4, $0x9;
	v1 =	vor.u32 v12, v1  }
0x64: {  	s26 =	simm.s32 $0x0;
	v2 =	vshll.u32 v2, $0x9;
	v8 =	vshll.u32 v0, $0x9  }
0x65: {  	v2 =	vand.u32 $0xFFFFF000, v2;
	v6 =	vld.idx.msk [tilespmem:v6+s26+$0x0], $0xffff  }
0x66: {  	v0 =	vshll.u32 v0, $0x7;
	v8 =	vand.u32 $0xFFFFF000, v8;
	v4 =	vand.u32 $0xFFFFF000, v4  }
0x67: {  	v3 =	vshll.u32 v3, $0x9;
	v9 =	vand.u32 $0x7F, v11;
	v10 =	vshll.u32 v11, $0x3;
	v7 =	vld.idx.msk [tilespmem:v7+s26+$0x0], $0xffff  }
0x68: {  	v3 =	vand.u32 $0xFFFFF000, v3;
	v11 =	vadd.s32 $0x1, v11;
	v1 =	vld.idx.msk [tilespmem:v1+s26+$0x0], $0xffff;
	v10 =	vand.u32 $0xFFFFFC00, v10  }
0x69: {  	v13 =	vand.u32 $0x380, v0;
	v12 =	vadd.s32 v8, v10;
	v0 =	vld.idx.msk [tilespmem:v5+s26+$0x0], $0xffff;
	v5 =	vadd.s32 v4, v10  }
0x6a: {  	v14 =	vshll.u32 v11, $0x3;
	v12 =	vor.u32 v13, v12;
	v5 =	vor.u32 v13, v5  }
0x6b: {  	v15 =	vadd.s32 v3, v10;
	v6 =	vmul.f32 $1.000000000e+01, v6;
	v5 =	vor.u32 v9, v5  }
0x6c: {  	v14 =	vand.u32 $0xFFFFFC00, v14;
	v15 =	vor.u32 v13, v15;
	v12 =	vor.u32 v9, v12  }
0x6d: {  	v3 =	vadd.s32 v3, v14;
	v6 =	vtrunc.f32 v6;
	v7 =	vmul.f32 $1.000000000e+01, v7  }
0x6e: {  	v4 =	vadd.s32 v4, v14;
	v1 =	vmul.f32 $1.000000000e+01, v1;
	v6 =	vcvt.f32.s32 v6  }
0x6f: {  	v4 =	vor.u32 v13, v4;
	v0 =	vmul.f32 $1.000000000e+01, v0;
	v7 =	vtrunc.f32 v7  }
0x70: {  	v1 =	vtrunc.f32 v1;
	v6 =	vshll.u32 v6, $0x1;
	v7 =	vcvt.f32.s32 v7  }
0x71: {  	v1 =	vcvt.f32.s32 v1;
	v0 =	vtrunc.f32 v0;
	v16 =	vor.u32 $0x1, v6  }
0x72: {  	v3 =	vor.u32 v13, v3;
	v0 =	vcvt.f32.s32 v0;
	v7 =	vshll.u32 v7, $0x1  }
0x73: {  	v8 =	vadd.s32 v8, v14;
	v1 =	vshll.u32 v1, $0x1;
	v17 =	vor.u32 $0x1, v7  }
0x74: {  	v18 =	vor.u32 $0x1, v1;
	v19 =	vshll.u32 v0, $0x1;
	v0 =	vadd.s32 v2, v14  }
0x75: {  	v2 =	vadd.s32 v2, v10;
	v14 =	vor.u32 $0x1, v19;
	v0 =	vor.u32 v13, v0;
	v6 =	vld.idx.msk [tilespmem:v6+s28+$0x0], $0xffff  }
0x76: {  	v15 =	vor.u32 v9, v15;
	v10 =	vand.u32 $0x7F, v11;
	v2 =	vor.u32 v13, v2;
	v11 =	vld.idx.msk [tilespmem:v16+s28+$0x0], $0xffff  }
0x77: {  	v3 =	vor.u32 v10, v3;
	v2 =	vor.u32 v9, v2;
	v0 =	vor.u32 v10, v0;
	v7 =	vld.idx.msk [tilespmem:v7+s28+$0x0], $0xffff  }
0x78: {  	v9 =	vld.idx.msk [tilespmem:v1+s28+$0x0], $0xffff  }
0x79: {  	v1 =	vor.u32 v13, v8;
	v16 =	vld.idx.msk [tilespmem:v18+s28+$0x0], $0xffff  }
0x7a: {  	v8 =	vor.u32 v10, v1;
	v13 =	vld.idx.msk [tilespmem:v17+s28+$0x0], $0xffff  }
0x7b: {  	v4 =	vor.u32 v10, v4;
	v17 =	vld.idx.msk [tilespmem:v19+s28+$0x0], $0xffff;
	[tilespmem:v15+s0+$0x0] =	vst.idx.msk $0xffff, v6  }
0x7c: {  	v1 =	vld.idx.msk [tilespmem:v14+s28+$0x0], $0xffff;
	[tilespmem:v3+s0+$0x0] =	vst.idx.msk $0xffff, v11  }
.Ltmp0:
0x7d: {  	[tilespmem:v5+s0+$0x0] =	vst.idx.msk $0xffff, v7;
	(pc) =	sbr.rel @p0 .LBB2_2-.Ltmp0, $4  }
0x7e: {  	[tilespmem:v12+s0+$0x0] =	vst.idx.msk $0xffff, v9  }
0x7f: {  	[tilespmem:v8+s0+$0x0] =	vst.idx.msk $0xffff, v16  }
0x80: {  	[tilespmem:v4+s0+$0x0] =	vst.idx.msk $0xffff, v13  }
0x81: {  	[tilespmem:v2+s0+$0x0] =	vst.idx.msk $0xffff, v17  }
0x82: {  	_ =	sdelay $0x3  }
0x83: {  	[tilespmem:v0+s0+$0x0] =	vst.idx.msk $0xffff, v1  }
0x84: {  	v0 =	vld [tilespmem:s3+$0xF080]  }
0x85: {  	v1 =	vld [tilespmem:s3+$0xF210];
	_ =	sdelay $0x3  }
0x86: {  	v2 =	vadd.s32 $0x10, v0  }
0x87: {  	v1 =	vshll.u32 v1, $0x7;
	v4 =	vadd.s32 $0x18, v0;
	v3 =	vand.u32 $0xFFFFFF80, v2  }
0x88: {  	v6 =	vand.u32 $0xFFFFFF80, v0;
	v5 =	vand.u32 $0x7F, v2;
	v3 =	vadd.s32 v3, v1  }
0x89: {  	v9 =	vld [tilespmem:s3+$0xF3A0];
	v8 =	vand.u32 $0x7F, v0;
	v6 =	vadd.s32 v6, v1;
	v3 =	vor.u32 v5, v3  }
0x8a: {  	v6 =	vor.u32 v8, v6;
	v5 =	vand.u32 $0xFFFFFF80, v4  }
0x8b: {  	v7 =	vand.u32 $0x7F, v4;
	v5 =	vadd.s32 v5, v1  }
0x8c: {  	v5 =	vor.u32 v7, v5;
	v7 =	vadd.s32 $0x8, v0  }
0x8d: {  	v8 =	vand.u32 $0xFFFFFF80, v7  }
0x8e: {  	v10 =	vshll.u32 v9, $0x3;
	v1 =	vadd.s32 v8, v1;
	v8 =	vand.u32 $0x7F, v7;
	v3 =	vld.idx.msk [tilespmem:v3+s26+$0x0], $0xffff  }
0x8f: {  	v11 =	vand.u32 $0x7F, v9;
	v9 =	vadd.s32 $0x1, v9;
	v6 =	vld.idx.msk [tilespmem:v6+s26+$0x0], $0xffff;
	v1 =	vor.u32 v8, v1  }
0x90: {  	v2 =	vshll.u32 v2, $0x9;
	v10 =	vand.u32 $0xFFFFFC00, v10;
	v14 =	vshll.u32 v9, $0x3  }
0x91: {  	v9 =	vand.u32 $0x7F, v9;
	v2 =	vand.u32 $0xFFFFF000, v2;
	v4 =	vshll.u32 v4, $0x9  }
0x92: {  	v14 =	vand.u32 $0xFFFFFC00, v14;
	v15 =	vadd.s32 v2, v10;
	v4 =	vand.u32 $0xFFFFF000, v4;
	v5 =	vld.idx.msk [tilespmem:v5+s26+$0x0], $0xffff  }
0x93: {  	v2 =	vadd.s32 v2, v14;
	v13 =	vadd.s32 v4, v10;
	v3 =	vmul.f32 $1.000000000e+01, v3  }
0x94: {  	v4 =	vadd.s32 v4, v14;
	v7 =	vshll.u32 v7, $0x9;
	v6 =	vmul.f32 $1.000000000e+01, v6;
	v1 =	vld.idx.msk [tilespmem:v1+s26+$0x0], $0xffff  }
0x95: {  	v8 =	vshll.u32 v0, $0x9;
	v7 =	vand.u32 $0xFFFFF000, v7;
	v3 =	vtrunc.f32 v3  }
0x96: {  	v0 =	vshll.u32 v0, $0x7;
	v6 =	vtrunc.f32 v6;
	v3 =	vcvt.f32.s32 v3  }
0x97: {  	v8 =	vand.u32 $0xFFFFF000, v8;
	v5 =	vmul.f32 $1.000000000e+01, v5;
	v6 =	vcvt.f32.s32 v6  }
0x98: {  	v0 =	vand.u32 $0x380, v0;
	v12 =	vadd.s32 v8, v10;
	v3 =	vshll.u32 v3, $0x1  }
0x99: {  	v5 =	vtrunc.f32 v5;
	v6 =	vshll.u32 v6, $0x1;
	v1 =	vmul.f32 $1.000000000e+01, v1  }
0x9a: {  	v13 =	vor.u32 v0, v13;
	v5 =	vcvt.f32.s32 v5;
	v16 =	vor.u32 $0x1, v3  }
0x9b: {  	v15 =	vor.u32 v0, v15;
	v17 =	vor.u32 $0x1, v6;
	v1 =	vtrunc.f32 v1  }
0x9c: {  	v2 =	vor.u32 v0, v2;
	v5 =	vshll.u32 v5, $0x1;
	v1 =	vcvt.f32.s32 v1  }
0x9d: {  	v12 =	vor.u32 v0, v12;
	v15 =	vor.u32 v11, v15;
	v18 =	vor.u32 $0x1, v5;
	v3 =	vld.idx.msk [tilespmem:v3+s28+$0x0], $0xffff  }
0x9e: {  	v8 =	vadd.s32 v8, v14;
	v12 =	vor.u32 v11, v12;
	v6 =	vld.idx.msk [tilespmem:v6+s28+$0x0], $0xffff;
	v1 =	vshll.u32 v1, $0x1  }
0x9f: {  	v2 =	vor.u32 v9, v2;
	v8 =	vor.u32 v0, v8;
	v16 =	vld.idx.msk [tilespmem:v16+s28+$0x0], $0xffff;
	v19 =	vor.u32 $0x1, v1  }
0xa0: {  	v14 =	vadd.s32 v7, v14;
	v7 =	vadd.s32 v7, v10;
	v8 =	vor.u32 v9, v8;
	v10 =	vld.idx.msk [tilespmem:v17+s28+$0x0], $0xffff  }
0xa1: {  	v4 =	vor.u32 v0, v4;
	v13 =	vor.u32 v11, v13;
	v5 =	vld.idx.msk [tilespmem:v5+s28+$0x0], $0xffff  }
0xa2: {  	v7 =	vor.u32 v0, v7;
	v63 =	vld.idx.msk [tilespmem:v18+s28+$0x0], $0xffff;
	[tilespmem:v15+s0+$0x0] =	vst.idx.msk $0xffff, v3;
	v3 =	vor.u32 v9, v4  }
0xa3: {  	v0 =	vor.u32 v0, v14;
	[tilespmem:v12+s0+$0x0] =	vst.idx.msk $0xffff, v6;
	v4 =	vor.u32 v11, v7;
	v1 =	vld.idx.msk [tilespmem:v1+s28+$0x0], $0xffff  }
0xa4: {  	v0 =	vor.u32 v9, v0;
	[tilespmem:v2+s0+$0x0] =	vst.idx.msk $0xffff, v16;
	v2 =	vld.idx.msk [tilespmem:v19+s28+$0x0], $0xffff  }
0xa5: {  	[tilespmem:v8+s0+$0x0] =	vst.idx.msk $0xffff, v10  }
0xa6: {  	[tilespmem:v13+s0+$0x0] =	vst.idx.msk $0xffff, v5  }
0xa7: {  	[tilespmem:v3+s0+$0x0] =	vst.idx.msk $0xffff, v63  }
0xa8: {  	[tilespmem:v4+s0+$0x0] =	vst.idx.msk $0xffff, v1  }
0xa9: {  	s30 =	simm.s32 $0x0;
	[tilespmem:v0+s0+$0x0] =	vst.idx.msk $0xffff, v2  }
0xaa: {  	v0 =	vld [tilespmem:s30+$0xF210]  }
0xab: {  	v7 =	vld [tilespmem:s30+$0xF080];
	_ =	sdelay $0x3  }
0xac: {  	v0 =	vshll.u32 v0, $0x7  }
0xad: {  	v1 =	vadd.s32 $0x8, v7;
	v2 =	vadd.s32 $0x10, v7;
	v10 =	vadd.s32 $0x18, v7  }
0xae: {  	v3 =	vand.u32 $0xFFFFFF80, v1;
	v4 =	vand.u32 $0xFFFFFF80, v2;
	v5 =	vand.u32 $0x7F, v2  }
0xaf: {  	v6 =	vand.u32 $0x7F, v1;
	v8 =	vadd.s32 v3, v0;
	v4 =	vadd.s32 v4, v0  }
0xb0: {  	p0 =	por $0x1, $0x1;
	v3 =	vld [tilespmem:s30+$0xF3A0];
	v11 =	vor.u32 v6, v8;
	v5 =	vor.u32 v5, v4;
	v4 =	vand.u32 $0xFFFFFF80, v10  }
.Ltmp1:
0xb1: {  	v6 =	vand.u32 $0xFFFFFF80, v7;
	v8 =	vand.u32 $0x7F, v10;
	v4 =	vadd.s32 v4, v0;
	(pc) =	sbr.rel @!p0 .LBB2_5-.Ltmp1, $4  }
0xb2: {  	v9 =	vand.u32 $0x7F, v7;
	v0 =	vadd.s32 v6, v0;
	v6 =	vor.u32 v8, v4  }
0xb3: {  	v4 =	vor.u32 v9, v0;
	v0 =	vshll.u32 v1, $0x9;
	v8 =	vshll.u32 v2, $0x9  }
0xb4: {  	v9 =	vshll.u32 v7, $0x9;
	v2 =	vand.u32 $0xFFFFF000, v0;
	v0 =	vshll.u32 v10, $0x9  }
0xb5: {  	s3 =	simm.s32 $0x40;
	v10 =	vshll.u32 v7, $0x7;
	v1 =	vadd.s32 $0x64, v3;
	v0 =	vand.u32 $0xFFFFF000, v0;
	v7 =	vld.idx.msk [tilespmem:v11+s21+$0x0], $0xffff  }
.LBB2_4:
0xb6: {  	p0 =	sne.s32 s3, $0x600;
	v9 =	vand.u32 $0xFFFFF000, v9;
	v10 =	vand.u32 $0x380, v10;
	v3 =	vadd.s32 $0x65, v3;
	v5 =	vld.idx.msk [tilespmem:v5+s21+$0x0], $0xffff;
	s4 =	smov.u32 s3;
	s3 =	sadd.s32 $0x40, s3  }
0xb7: {  	v11 =	vshll.u32 v1, $0x3;
	v8 =	vand.u32 $0xFFFFF000, v8;
	v12 =	vshll.u32 v3, $0x3;
	v6 =	vld.idx.msk [tilespmem:v6+s21+$0x0], $0xffff  }
0xb8: {  	v11 =	vand.u32 $0xFFFFFC00, v11;
	v3 =	vand.u32 $0x7F, v3;
	v4 =	vld.idx.msk [tilespmem:v4+s21+$0x0], $0xffff;
	v12 =	vand.u32 $0xFFFFFC00, v12  }
0xb9: {  	v13 =	vadd.s32 v2, v11;
	v14 =	vadd.s32 v8, v11;
	v8 =	vadd.s32 v8, v12  }
0xba: {  	v13 =	vor.u32 v10, v13;
	v14 =	vor.u32 v10, v14;
	v8 =	vor.u32 v10, v8  }
0xbb: {  	v2 =	vadd.s32 v2, v12;
	v7 =	vtrunc.f32 v7;
	v8 =	vor.u32 v3, v8  }
0xbc: {  	v2 =	vor.u32 v10, v2;
	v7 =	vcvt.f32.s32 v7;
	v5 =	vtrunc.f32 v5  }
0xbd: {  	s4 =	sshra.s32 s4, $0x2;
	v2 =	vor.u32 v3, v2;
	v5 =	vcvt.f32.s32 v5;
	v6 =	vtrunc.f32 v6  }
0xbe: {  	v4 =	vtrunc.f32 v4;
	v7 =	vshll.u32 v7, $0x1;
	v6 =	vcvt.f32.s32 v6  }
0xbf: {  	v4 =	vcvt.f32.s32 v4;
	v15 =	vadd.s32 $0x16, v7;
	v5 =	vshll.u32 v5, $0x1  }
0xc0: {  	v16 =	vadd.s32 $0x16, v5;
	v5 =	vadd.s32 $0x17, v5;
	v6 =	vshll.u32 v6, $0x1  }
0xc1: {  	v4 =	vshll.u32 v4, $0x1;
	v17 =	vadd.s32 $0x16, v6;
	v6 =	vadd.s32 $0x17, v6  }
0xc2: {  	v7 =	vadd.s32 $0x17, v7;
	v18 =	vadd.s32 $0x16, v4;
	v4 =	vadd.s32 $0x17, v4  }
0xc3: {  	v19 =	vadd.s32 v9, v11;
	v11 =	vadd.s32 v0, v11;
	v0 =	vadd.s32 v0, v12  }
0xc4: {  	v1 =	vand.u32 $0x7F, v1;
	v11 =	vor.u32 v10, v11;
	v0 =	vor.u32 v10, v0;
	v15 =	vld.idx.msk [tilespmem:v15+s28+$0x0], $0xffff  }
0xc5: {  	v19 =	vor.u32 v10, v19;
	v13 =	vor.u32 v1, v13;
	v0 =	vor.u32 v3, v0;
	v16 =	vld.idx.msk [tilespmem:v16+s28+$0x0], $0xffff  }
0xc6: {  	v9 =	vadd.s32 v9, v12;
	v12 =	vor.u32 v1, v14;
	v5 =	vld.idx.msk [tilespmem:v5+s28+$0x0], $0xffff  }
0xc7: {  	v9 =	vor.u32 v10, v9;
	v7 =	vld.idx.msk [tilespmem:v7+s28+$0x0], $0xffff  }
0xc8: {  	v3 =	vor.u32 v3, v9;
	v9 =	vld.idx.msk [tilespmem:v17+s28+$0x0], $0xffff  }
0xc9: {  	v10 =	vor.u32 v1, v11;
	v6 =	vld.idx.msk [tilespmem:v6+s28+$0x0], $0xffff  }
0xca: {  	v11 =	vld.idx.msk [tilespmem:v18+s28+$0x0], $0xffff;
	[tilespmem:v13+s0+$0x0] =	vst.idx.msk $0xffff, v15  }
0xcb: {  	v1 =	vor.u32 v1, v19;
	v4 =	vld.idx.msk [tilespmem:v4+s28+$0x0], $0xffff;
	[tilespmem:v12+s0+$0x0] =	vst.idx.msk $0xffff, v16  }
0xcc: {  	[tilespmem:v8+s0+$0x0] =	vst.idx.msk $0xffff, v5  }
0xcd: {  	[tilespmem:v2+s0+$0x0] =	vst.idx.msk $0xffff, v7  }
0xce: {  	[tilespmem:v10+s0+$0x0] =	vst.idx.msk $0xffff, v9  }
0xcf: {  	[tilespmem:v0+s0+$0x0] =	vst.idx.msk $0xffff, v6  }
0xd0: {  	[tilespmem:v1+s0+$0x0] =	vst.idx.msk $0xffff, v11  }
0xd1: {  	[tilespmem:v3+s0+$0x0] =	vst.idx.msk $0xffff, v4  }
0xd2: {  	v0 =	vld [tilespmem:s4+$0xF210]  }
0xd3: {  	v7 =	vld [tilespmem:s4+$0xF080];
	_ =	sdelay $0x3  }
0xd4: {  	v0 =	vshll.u32 v0, $0x7  }
0xd5: {  	v1 =	vadd.s32 $0x8, v7;
	v2 =	vadd.s32 $0x10, v7;
	v10 =	vadd.s32 $0x18, v7  }
0xd6: {  	v3 =	vand.u32 $0xFFFFFF80, v1;
	v4 =	vand.u32 $0xFFFFFF80, v2;
	v5 =	vand.u32 $0x7F, v2  }
0xd7: {  	v6 =	vand.u32 $0x7F, v1;
	v8 =	vadd.s32 v3, v0;
	v4 =	vadd.s32 v4, v0  }
0xd8: {  	v3 =	vld [tilespmem:s4+$0xF3A0];
	v11 =	vor.u32 v6, v8;
	v5 =	vor.u32 v5, v4;
	v4 =	vand.u32 $0xFFFFFF80, v10  }
.Ltmp2:
0xd9: {  	v6 =	vand.u32 $0xFFFFFF80, v7;
	v8 =	vand.u32 $0x7F, v10;
	v4 =	vadd.s32 v4, v0;
	(pc) =	sbr.rel @p0 .LBB2_4-.Ltmp2, $4  }
0xda: {  	v9 =	vand.u32 $0x7F, v7;
	v0 =	vadd.s32 v6, v0;
	v6 =	vor.u32 v8, v4  }
0xdb: {  	v4 =	vor.u32 v9, v0;
	v0 =	vshll.u32 v1, $0x9;
	v8 =	vshll.u32 v2, $0x9  }
0xdc: {  	v9 =	vshll.u32 v7, $0x9;
	v2 =	vand.u32 $0xFFFFF000, v0;
	v0 =	vshll.u32 v10, $0x9  }
0xdd: {  	v10 =	vshll.u32 v7, $0x7;
	v0 =	vand.u32 $0xFFFFF000, v0;
	v1 =	vadd.s32 $0x64, v3;
	v7 =	vld.idx.msk [tilespmem:v11+s21+$0x0], $0xffff  }
.LBB2_5:
0xde: {  	_ =	sdelay $0x3  }
0xdf: {  	v5 =	vld.idx.msk [tilespmem:v5+s21+$0x0], $0xffff  }
0xe0: {  	v9 =	vand.u32 $0xFFFFF000, v9;
	v6 =	vld.idx.msk [tilespmem:v6+s21+$0x0], $0xffff  }
0xe1: {  	v10 =	vand.u32 $0x380, v10;
	v3 =	vadd.s32 $0x65, v3;
	v11 =	vshll.u32 v1, $0x3;
	v4 =	vld.idx.msk [tilespmem:v4+s21+$0x0], $0xffff  }
0xe2: {  	v8 =	vand.u32 $0xFFFFF000, v8;
	v61 =	vand.u32 $0x7F, v1;
	v12 =	vshll.u32 v3, $0x3  }
0xe3: {  	v11 =	vand.u32 $0xFFFFFC00, v11;
	v3 =	vand.u32 $0x7F, v3;
	v7 =	vtrunc.f32 v7  }
0xe4: {  	v12 =	vand.u32 $0xFFFFFC00, v12;
	v7 =	vcvt.f32.s32 v7;
	v5 =	vtrunc.f32 v5  }
0xe5: {  	v13 =	vadd.s32 v2, v11;
	v14 =	vadd.s32 v8, v11;
	v5 =	vcvt.f32.s32 v5  }
0xe6: {  	v6 =	vtrunc.f32 v6;
	v4 =	vtrunc.f32 v4;
	v7 =	vshll.u32 v7, $0x1  }
0xe7: {  	v6 =	vcvt.f32.s32 v6;
	v15 =	vadd.s32 $0x16, v7;
	v5 =	vshll.u32 v5, $0x1  }
0xe8: {  	v19 =	vadd.s32 v0, v11;
	v4 =	vcvt.f32.s32 v4;
	v16 =	vadd.s32 $0x16, v5  }
0xe9: {  	v11 =	vadd.s32 v9, v11;
	v6 =	vshll.u32 v6, $0x1;
	v7 =	vadd.s32 $0x17, v7  }
0xea: {  	v8 =	vadd.s32 v8, v12;
	v4 =	vshll.u32 v4, $0x1;
	v17 =	vadd.s32 $0x16, v6  }
0xeb: {  	v13 =	vor.u32 v10, v13;
	v14 =	vor.u32 v10, v14;
	v18 =	vadd.s32 $0x16, v4  }
0xec: {  	v60 =	vadd.s32 v2, v12;
	v13 =	vor.u32 v61, v13;
	v5 =	vadd.s32 $0x17, v5;
	v15 =	vld.idx.msk [tilespmem:v15+s28+$0x0], $0xffff  }
0xed: {  	v2 =	vor.u32 v10, v60;
	v14 =	vor.u32 v61, v14;
	v6 =	vadd.s32 $0x17, v6;
	v16 =	vld.idx.msk [tilespmem:v16+s28+$0x0], $0xffff  }
0xee: {  	v19 =	vor.u32 v10, v19;
	v2 =	vor.u32 v3, v2;
	v4 =	vadd.s32 $0x17, v4;
	v7 =	vld.idx.msk [tilespmem:v7+s28+$0x0], $0xffff  }
0xef: {  	v62 =	vadd.s32 v0, v12;
	v11 =	vor.u32 v10, v11;
	v19 =	vor.u32 v61, v19;
	v17 =	vld.idx.msk [tilespmem:v17+s28+$0x0], $0xffff  }
0xf0: {  	v9 =	vadd.s32 v9, v12;
	v8 =	vor.u32 v10, v8;
	v1 =	vor.u32 v61, v11;
	v63 =	vld.idx.msk [tilespmem:v18+s28+$0x0], $0xffff  }
0xf1: {  	v0 =	vor.u32 v10, v62;
	v8 =	vor.u32 v3, v8;
	v5 =	vld.idx.msk [tilespmem:v5+s28+$0x0], $0xffff;
	[tilespmem:v13+s0+$0x0] =	vst.idx.msk $0xffff, v15  }
0xf2: {  	v9 =	vor.u32 v10, v9;
	v0 =	vor.u32 v3, v0;
	v6 =	vld.idx.msk [tilespmem:v6+s28+$0x0], $0xffff;
	[tilespmem:v14+s0+$0x0] =	vst.idx.msk $0xffff, v16  }
0xf3: {  	v3 =	vor.u32 v3, v9;
	v4 =	vld.idx.msk [tilespmem:v4+s28+$0x0], $0xffff;
	[tilespmem:v2+s0+$0x0] =	vst.idx.msk $0xffff, v7  }
0xf4: {  	[tilespmem:v19+s0+$0x0] =	vst.idx.msk $0xffff, v17  }
0xf5: {  	[tilespmem:v1+s0+$0x0] =	vst.idx.msk $0xffff, v63  }
0xf6: {  	[tilespmem:v8+s0+$0x0] =	vst.idx.msk $0xffff, v5  }
0xf7: {  	[tilespmem:v0+s0+$0x0] =	vst.idx.msk $0xffff, v6  }
0xf8: {  	[tilespmem:v3+s0+$0x0] =	vst.idx.msk $0xffff, v4  }
.LBB2_6:
0xf9: {  	s3 =	sshra.s32 s26, $0x2  }
0xfa: {  	v0 =	vld [tilespmem:s3+$0xF080]  }
0xfb: {  	v1 =	vld [tilespmem:s3+$0xF210];
	_ =	sdelay $0x4  }
0xfc: {  	v2 =	vand.u32 $0xFFFFFF80, v0;
	v1 =	vshll.u32 v1, $0x7  }
0xfd: {  	v3 =	vand.u32 $0x7F, v0;
	v54 =	vadd.s32 $0x8, v0;
	v2 =	vadd.s32 v2, v1  }
0xfe: {  	v6 =	vld [tilespmem:s3+$0xF3A0];
	v55 =	vadd.s32 $0x10, v0;
	v9 =	vadd.s32 $0x18, v0;
	v2 =	vor.u32 v3, v2  }
0xff: {  	v4 =	vand.u32 $0xFFFFFF80, v54;
	v5 =	vand.u32 $0x7F, v54;
	v7 =	vand.u32 $0xFFFFFF80, v55  }
0x100: {  	v56 =	vand.u32 $0xFFFFFF80, v9;
	v10 =	vand.u32 $0x7F, v9;
	v4 =	vadd.s32 v4, v1  }
0x101: {  	v7 =	vadd.s32 v7, v1;
	v1 =	vadd.s32 v56, v1;
	v4 =	vor.u32 v5, v4  }
0x102: {  	v1 =	vor.u32 v10, v1  }
0x103: {  	v57 =	vadd.s32 $0xC8, v6;
	v12 =	vshll.u32 v0, $0x9;
	v8 =	vand.u32 $0x7F, v55;
	v2 =	vld.idx.msk [tilespmem:v2+s23+$0x0], $0xffff  }
0x104: {  	v6 =	vadd.s32 $0xC9, v6;
	v0 =	vshll.u32 v0, $0x7;
	v7 =	vor.u32 v8, v7  }
0x105: {  	v58 =	vand.u32 $0x7F, v57;
	v12 =	vand.u32 $0xFFFFF000, v12;
	v13 =	vshll.u32 v6, $0x3  }
0x106: {  	v0 =	vand.u32 $0x380, v0;
	v6 =	vand.u32 $0x7F, v6;
	v9 =	vshll.u32 v9, $0x9;
	v4 =	vld.idx.msk [tilespmem:v4+s23+$0x0], $0xffff  }
0x107: {  	v13 =	vand.u32 $0xFFFFFC00, v13;
	v3 =	vshll.u32 v54, $0x9;
	v9 =	vand.u32 $0xFFFFF000, v9;
	v1 =	vld.idx.msk [tilespmem:v1+s23+$0x0], $0xffff  }
0x108: {  	v8 =	vshll.u32 v57, $0x3;
	v3 =	vand.u32 $0xFFFFF000, v3;
	v2 =	vtrunc.f32 v2  }
0x109: {  	v5 =	vshll.u32 v55, $0x9;
	v8 =	vand.u32 $0xFFFFFC00, v8;
	v7 =	vld.idx.msk [tilespmem:v7+s23+$0x0], $0xffff;
	v2 =	vcvt.f32.s32 v2  }
0x10a: {  	v5 =	vand.u32 $0xFFFFF000, v5;
	v14 =	vadd.s32 v12, v8;
	v12 =	vadd.s32 v12, v13  }
0x10b: {  	v16 =	vadd.s32 v3, v8;
	v4 =	vtrunc.f32 v4;
	v2 =	vshll.u32 v2, $0x1  }
0x10c: {  	v1 =	vtrunc.f32 v1;
	v4 =	vcvt.f32.s32 v4;
	v11 =	vadd.s32 $0x1A, v2  }
0x10d: {  	v3 =	vadd.s32 v3, v13;
	v60 =	vadd.s32 v5, v8;
	v1 =	vcvt.f32.s32 v1  }
0x10e: {  	v7 =	vtrunc.f32 v7;
	v2 =	vadd.s32 $0x1B, v2;
	v4 =	vshll.u32 v4, $0x1  }
0x10f: {  	v7 =	vcvt.f32.s32 v7;
	v1 =	vshll.u32 v1, $0x1;
	v15 =	vadd.s32 $0x1A, v4  }
0x110: {  	v5 =	vadd.s32 v5, v13;
	v14 =	vor.u32 v0, v14;
	v18 =	vadd.s32 $0x1A, v1  }
0x111: {  	v14 =	vor.u32 v58, v14;
	v7 =	vshll.u32 v7, $0x1;
	v4 =	vadd.s32 $0x1B, v4;
	v11 =	vld.idx.msk [tilespmem:v11+s28+$0x0], $0xffff  }
0x112: {  	v8 =	vadd.s32 v9, v8;
	v12 =	vor.u32 v0, v12;
	v17 =	vadd.s32 $0x1A, v7  }
0x113: {  	v16 =	vor.u32 v0, v16;
	v12 =	vor.u32 v6, v12;
	v1 =	vadd.s32 $0x1B, v1;
	v2 =	vld.idx.msk [tilespmem:v2+s28+$0x0], $0xffff  }
0x114: {  	v8 =	vor.u32 v0, v8;
	v16 =	vor.u32 v58, v16;
	v7 =	vadd.s32 $0x1B, v7;
	v59 =	vld.idx.msk [tilespmem:v15+s28+$0x0], $0xffff  }
0x115: {  	v9 =	vadd.s32 v9, v13;
	v3 =	vor.u32 v0, v3;
	v62 =	vor.u32 v58, v8;
	v63 =	vld.idx.msk [tilespmem:v18+s28+$0x0], $0xffff  }
0x116: {  	v3 =	vor.u32 v6, v3;
	v4 =	vld.idx.msk [tilespmem:v4+s28+$0x0], $0xffff;
	[tilespmem:v14+s0+$0x0] =	vst.idx.msk $0xffff, v11;
	v14 =	vor.u32 v0, v60  }
0x117: {  	v5 =	vor.u32 v0, v5;
	v61 =	vld.idx.msk [tilespmem:v17+s28+$0x0], $0xffff;
	v0 =	vor.u32 v0, v9;
	v14 =	vor.u32 v58, v14  }
0x118: {  	v1 =	vld.idx.msk [tilespmem:v1+s28+$0x0], $0xffff;
	[tilespmem:v12+s0+$0x0] =	vst.idx.msk $0xffff, v2;
	v0 =	vor.u32 v6, v0  }
0x119: {  	p0 =	sne.s32 s26, $0x600;
	v5 =	vor.u32 v6, v5;
	v7 =	vld.idx.msk [tilespmem:v7+s28+$0x0], $0xffff;
	[tilespmem:v16+s0+$0x0] =	vst.idx.msk $0xffff, v59  }
.Ltmp3:
0x11a: {  	[tilespmem:v62+s0+$0x0] =	vst.idx.msk $0xffff, v63;
	(pc) =	sbr.rel @p0 .LBB2_6-.Ltmp3, $4  }
0x11b: {  	[tilespmem:v3+s0+$0x0] =	vst.idx.msk $0xffff, v4  }
0x11c: {  	[tilespmem:v14+s0+$0x0] =	vst.idx.msk $0xffff, v61  }
0x11d: {  	[tilespmem:v0+s0+$0x0] =	vst.idx.msk $0xffff, v1  }
0x11e: {  	s26 =	sadd.s32 $0x40, s26;
	[tilespmem:v5+s0+$0x0] =	vst.idx.msk $0xffff, v7  }
0x11f: {  	s3 =	simm.s32 $0x0  }
0x120: {  	v1 =	vld [tilespmem:s3+$0xF080]  }
0x121: {  	v0 =	vld [tilespmem:s3+$0xF210];
	_ =	sdelay $0x3  }
0x122: {  	v2 =	vadd.s32 $0x8, v1  }
0x123: {  	v0 =	vshll.u32 v0, $0x7;
	v3 =	vadd.s32 $0x10, v1;
	v5 =	vand.u32 $0xFFFFFF80, v2  }
0x124: {  	v6 =	vand.u32 $0x7F, v2;
	v59 =	vand.u32 $0xFFFFFF80, v3;
	v5 =	vadd.s32 v5, v0  }
0x125: {  	v60 =	vand.u32 $0x7F, v3;
	v5 =	vor.u32 v6, v5;
	v6 =	vadd.s32 v59, v0  }
0x126: {  	v61 =	vld [tilespmem:s3+$0xF3A0];
	v6 =	vor.u32 v60, v6  }
0x127: {  	v4 =	vadd.s32 $0x18, v1  }
0x128: {  	v7 =	vand.u32 $0xFFFFFF80, v4  }
0x129: {  	v9 =	vand.u32 $0xFFFFFF80, v1;
	v8 =	vand.u32 $0x7F, v4;
	v7 =	vadd.s32 v7, v0  }
0x12a: {  	v10 =	vand.u32 $0x7F, v1;
	v62 =	vshll.u32 v1, $0x7;
	v7 =	vor.u32 v8, v7;
	v5 =	vld.idx.msk [tilespmem:v5+s25+$0x0], $0xffff  }
0x12b: {  	v63 =	vadd.s32 $0x12C, v61;
	v2 =	vshll.u32 v2, $0x9;
	v0 =	vadd.s32 v9, v0;
	v6 =	vld.idx.msk [tilespmem:v6+s25+$0x0], $0xffff  }
0x12c: {  	v3 =	vshll.u32 v3, $0x9;
	v4 =	vshll.u32 v4, $0x9;
	v0 =	vor.u32 v10, v0  }
0x12d: {  	v11 =	vand.u32 $0x7F, v63;
	v4 =	vand.u32 $0xFFFFF000, v4;
	v3 =	vand.u32 $0xFFFFF000, v3  }
0x12e: {  	v2 =	vand.u32 $0xFFFFF000, v2;
	v9 =	vand.u32 $0x380, v62;
	v8 =	vadd.s32 $0x12D, v61  }
0x12f: {  	v10 =	vshll.u32 v63, $0x3;
	v12 =	vand.u32 $0x7F, v8;
	v7 =	vld.idx.msk [tilespmem:v7+s25+$0x0], $0xffff;
	v5 =	vmul.f32 $1.000000000e+01, v5  }
0x130: {  	v8 =	vshll.u32 v8, $0x3;
	v10 =	vand.u32 $0xFFFFFC00, v10;
	v6 =	vmul.f32 $1.000000000e+01, v6  }
0x131: {  	v8 =	vand.u32 $0xFFFFFC00, v8;
	v13 =	vadd.s32 v2, v10;
	v0 =	vld.idx.msk [tilespmem:v0+s25+$0x0], $0xffff;
	v5 =	vtrunc.f32 v5  }
0x132: {  	v17 =	vadd.s32 v3, v10;
	v5 =	vcvt.f32.s32 v5;
	v6 =	vtrunc.f32 v6  }
0x133: {  	v18 =	vadd.s32 v4, v10;
	v3 =	vadd.s32 v3, v8;
	v6 =	vcvt.f32.s32 v6  }
0x134: {  	v2 =	vadd.s32 v2, v8;
	v7 =	vmul.f32 $1.000000000e+01, v7;
	v5 =	vshll.u32 v5, $0x1  }
0x135: {  	v4 =	vadd.s32 v4, v8;
	v14 =	vadd.s32 $0x1E, v5;
	v6 =	vshll.u32 v6, $0x1  }
0x136: {  	v0 =	vmul.f32 $1.000000000e+01, v0;
	v7 =	vtrunc.f32 v7;
	v16 =	vadd.s32 $0x1E, v6  }
0x137: {  	v13 =	vor.u32 v9, v13;
	v7 =	vcvt.f32.s32 v7;
	v6 =	vadd.s32 $0x1F, v6  }
0x138: {  	v17 =	vor.u32 v9, v17;
	v0 =	vtrunc.f32 v0;
	v5 =	vadd.s32 $0x1F, v5  }
0x139: {  	v18 =	vor.u32 v9, v18;
	v0 =	vcvt.f32.s32 v0;
	v7 =	vshll.u32 v7, $0x1  }
0x13a: {  	v3 =	vor.u32 v9, v3;
	v13 =	vor.u32 v11, v13;
	v15 =	vadd.s32 $0x1E, v7;
	v14 =	vld.idx.msk [tilespmem:v14+s28+$0x0], $0xffff  }
0x13b: {  	v17 =	vor.u32 v11, v17;
	v7 =	vadd.s32 $0x1F, v7;
	v0 =	vshll.u32 v0, $0x1;
	v16 =	vld.idx.msk [tilespmem:v16+s28+$0x0], $0xffff  }
0x13c: {  	v2 =	vor.u32 v9, v2;
	v3 =	vor.u32 v12, v3;
	v19 =	vadd.s32 $0x1E, v0;
	v6 =	vld.idx.msk [tilespmem:v6+s28+$0x0], $0xffff  }
0x13d: {  	v2 =	vor.u32 v12, v2;
	v20 =	vadd.s32 $0x1F, v0;
	v0 =	vshll.u32 v1, $0x9;
	v5 =	vld.idx.msk [tilespmem:v5+s28+$0x0], $0xffff  }
0x13e: {  	v4 =	vor.u32 v9, v4;
	v18 =	vor.u32 v11, v18;
	v0 =	vand.u32 $0xFFFFF000, v0  }
0x13f: {  	v4 =	vor.u32 v12, v4;
	v1 =	vadd.s32 v0, v10;
	v15 =	vld.idx.msk [tilespmem:v15+s28+$0x0], $0xffff;
	[tilespmem:v13+s0+$0x0] =	vst.idx.msk $0xffff, v14  }
0x140: {  	v8 =	vadd.s32 v0, v8;
	v1 =	vor.u32 v9, v1;
	v7 =	vld.idx.msk [tilespmem:v7+s28+$0x0], $0xffff;
	[tilespmem:v17+s0+$0x0] =	vst.idx.msk $0xffff, v16  }
0x141: {  	v1 =	vor.u32 v11, v1;
	v0 =	vld.idx.msk [tilespmem:v19+s28+$0x0], $0xffff;
	[tilespmem:v3+s0+$0x0] =	vst.idx.msk $0xffff, v6;
	v3 =	vor.u32 v9, v8  }
0x142: {  	[tilespmem:v2+s0+$0x0] =	vst.idx.msk $0xffff, v5;
	v2 =	vld.idx.msk [tilespmem:v20+s28+$0x0], $0xffff;
	v3 =	vor.u32 v12, v3;
	_ =	sdelay $0x1  }
0x143: {  	[tilespmem:v18+s0+$0x0] =	vst.idx.msk $0xffff, v15  }
0x144: {  	s26 =	simm.s32 $0x80;
	s3 =	simm.s32 $0x10;
	[tilespmem:v4+s0+$0x0] =	vst.idx.msk $0xffff, v7  }
.LBB2_8:
0x145: {  	p0 =	sne.s32 s26, $0x600;
	[tilespmem:v1+s0+$0x0] =	vst.idx.msk $0xffff, v0;
	s4 =	smov.u32 s26;
	s26 =	sadd.s32 $0x40, s26  }
0x146: {  	[tilespmem:v3+s0+$0x0] =	vst.idx.msk $0xffff, v2  }
0x147: {  	v0 =	vld [tilespmem:s3+$0xF210]  }
0x148: {  	v1 =	vld [tilespmem:s3+$0xF080];
	_ =	sdelay $0x3  }
0x149: {  	s4 =	sshra.s32 s4, $0x2;
	v0 =	vshll.u32 v0, $0x7  }
0x14a: {  	v2 =	vadd.s32 $0x8, v1;
	v3 =	vadd.s32 $0x10, v1;
	v4 =	vadd.s32 $0x18, v1  }
0x14b: {  	v5 =	vand.u32 $0xFFFFFF80, v2;
	v6 =	vand.u32 $0x7F, v2;
	v7 =	vand.u32 $0xFFFFFF80, v4  }
0x14c: {  	v8 =	vand.u32 $0x7F, v4;
	v5 =	vadd.s32 v5, v0;
	v7 =	vadd.s32 v7, v0  }
0x14d: {  	v5 =	vor.u32 v6, v5;
	v6 =	vand.u32 $0xFFFFFF80, v3;
	v7 =	vor.u32 v8, v7  }
0x14e: {  	v9 =	vand.u32 $0x7F, v3;
	v8 =	vand.u32 $0xFFFFFF80, v1;
	v6 =	vadd.s32 v6, v0  }
0x14f: {  	v11 =	vand.u32 $0x7F, v1;
	v0 =	vadd.s32 v8, v0;
	v10 =	vld [tilespmem:s3+$0xF3A0];
	v6 =	vor.u32 v9, v6;
	s3 =	smov.u32 s4  }
0x150: {  	v2 =	vshll.u32 v2, $0x9;
	v8 =	vshll.u32 v1, $0x7;
	v0 =	vor.u32 v11, v0  }
0x151: {  	v4 =	vshll.u32 v4, $0x9;
	v3 =	vshll.u32 v3, $0x9;
	v1 =	vshll.u32 v1, $0x9  }
0x152: {  	v5 =	vld.idx.msk [tilespmem:v5+s25+$0x0], $0xffff  }
0x153: {  	v7 =	vld.idx.msk [tilespmem:v7+s25+$0x0], $0xffff  }
0x154: {  	v9 =	vadd.s32 $0x12C, v10;
	v6 =	vld.idx.msk [tilespmem:v6+s25+$0x0], $0xffff  }
0x155: {  	v11 =	vand.u32 $0xFFFFF000, v1;
	v1 =	vand.u32 $0xFFFFF000, v4;
	v0 =	vld.idx.msk [tilespmem:v0+s25+$0x0], $0xffff  }
0x156: {  	v3 =	vand.u32 $0xFFFFF000, v3;
	v8 =	vand.u32 $0x380, v8;
	v4 =	vand.u32 $0x7F, v9  }
0x157: {  	v2 =	vand.u32 $0xFFFFF000, v2;
	v10 =	vadd.s32 $0x12D, v10;
	v9 =	vshll.u32 v9, $0x3  }
0x158: {  	v12 =	vand.u32 $0x7F, v10;
	v10 =	vshll.u32 v10, $0x3;
	v5 =	vmul.f32 $1.000000000e+01, v5  }
0x159: {  	v9 =	vand.u32 $0xFFFFFC00, v9;
	v10 =	vand.u32 $0xFFFFFC00, v10;
	v7 =	vmul.f32 $1.000000000e+01, v7  }
0x15a: {  	v13 =	vadd.s32 v2, v9;
	v5 =	vtrunc.f32 v5;
	v6 =	vmul.f32 $1.000000000e+01, v6  }
0x15b: {  	v13 =	vor.u32 v8, v13;
	v5 =	vcvt.f32.s32 v5;
	v7 =	vtrunc.f32 v7  }
0x15c: {  	v13 =	vor.u32 v4, v13;
	v6 =	vtrunc.f32 v6;
	v7 =	vcvt.f32.s32 v7  }
0x15d: {  	v0 =	vmul.f32 $1.000000000e+01, v0;
	v5 =	vshll.u32 v5, $0x1;
	v6 =	vcvt.f32.s32 v6  }
0x15e: {  	v14 =	vadd.s32 $0x1E, v5;
	v5 =	vadd.s32 $0x1F, v5;
	v7 =	vshll.u32 v7, $0x1  }
0x15f: {  	v6 =	vshll.u32 v6, $0x1;
	v15 =	vadd.s32 $0x1E, v7;
	v7 =	vadd.s32 $0x1F, v7  }
0x160: {  	v0 =	vtrunc.f32 v0;
	v16 =	vadd.s32 $0x1E, v6;
	v6 =	vadd.s32 $0x1F, v6  }
0x161: {  	v17 =	vadd.s32 v3, v9;
	v18 =	vadd.s32 v1, v9;
	v0 =	vcvt.f32.s32 v0  }
0x162: {  	v3 =	vadd.s32 v3, v10;
	v17 =	vor.u32 v8, v17;
	v18 =	vor.u32 v8, v18  }
0x163: {  	v17 =	vor.u32 v4, v17;
	v18 =	vor.u32 v4, v18;
	v0 =	vshll.u32 v0, $0x1;
	v14 =	vld.idx.msk [tilespmem:v14+s28+$0x0], $0xffff  }
0x164: {  	v19 =	vadd.s32 $0x1E, v0;
	v20 =	vadd.s32 $0x1F, v0;
	v0 =	vor.u32 v8, v3;
	v15 =	vld.idx.msk [tilespmem:v15+s28+$0x0], $0xffff  }
0x165: {  	v2 =	vadd.s32 v2, v10;
	v21 =	vor.u32 v12, v0;
	v0 =	vadd.s32 v1, v10;
	v16 =	vld.idx.msk [tilespmem:v16+s28+$0x0], $0xffff  }
0x166: {  	v2 =	vor.u32 v8, v2;
	v1 =	vadd.s32 v11, v9;
	v0 =	vor.u32 v8, v0;
	v6 =	vld.idx.msk [tilespmem:v6+s28+$0x0], $0xffff  }
0x167: {  	v9 =	vor.u32 v12, v2;
	v1 =	vor.u32 v8, v1;
	v22 =	vor.u32 v12, v0;
	v5 =	vld.idx.msk [tilespmem:v5+s28+$0x0], $0xffff  }
0x168: {  	v2 =	vadd.s32 v11, v10;
	v1 =	vor.u32 v4, v1;
	v4 =	vld.idx.msk [tilespmem:v7+s28+$0x0], $0xffff  }
0x169: {  	v3 =	vor.u32 v8, v2;
	v0 =	vld.idx.msk [tilespmem:v19+s28+$0x0], $0xffff;
	[tilespmem:v13+s0+$0x0] =	vst.idx.msk $0xffff, v14  }
.Ltmp4:
0x16a: {  	v3 =	vor.u32 v12, v3;
	v2 =	vld.idx.msk [tilespmem:v20+s28+$0x0], $0xffff;
	[tilespmem:v18+s0+$0x0] =	vst.idx.msk $0xffff, v15;
	(pc) =	sbr.rel @p0 .LBB2_8-.Ltmp4, $4  }
0x16b: {  	[tilespmem:v17+s0+$0x0] =	vst.idx.msk $0xffff, v16  }
0x16c: {  	[tilespmem:v21+s0+$0x0] =	vst.idx.msk $0xffff, v6  }
0x16d: {  	[tilespmem:v9+s0+$0x0] =	vst.idx.msk $0xffff, v5  }
0x16e: {  	[tilespmem:v22+s0+$0x0] =	vst.idx.msk $0xffff, v4  }
0x16f: {  	_ =	sdelay $0x3  }
0x170: {  	[tilespmem:v1+s0+$0x0] =	vst.idx.msk $0xffff, v0  }
0x171: {  	[tilespmem:v3+s0+$0x0] =	vst.idx.msk $0xffff, v2  }
0x172: {  	v0 =	vld [tilespmem:s3+$0xF210]  }
0x173: {  	v1 =	vld [tilespmem:s3+$0xF080];
	_ =	sdelay $0x4  }
0x174: {  	v0 =	vshll.u32 v0, $0x7;
	v55 =	vadd.s32 $0x8, v1;
	v56 =	vadd.s32 $0x10, v1  }
0x175: {  	v4 =	vadd.s32 $0x18, v1;
	v5 =	vand.u32 $0xFFFFFF80, v55;
	v6 =	vand.u32 $0x7F, v55  }
0x176: {  	v7 =	vand.u32 $0xFFFFFF80, v4;
	v8 =	vand.u32 $0x7F, v4;
	v5 =	vadd.s32 v5, v0  }
0x177: {  	v57 =	vand.u32 $0xFFFFFF80, v56;
	v7 =	vadd.s32 v7, v0;
	v5 =	vor.u32 v6, v5  }
0x178: {  	v9 =	vld [tilespmem:s3+$0xF3A0];
	v58 =	vand.u32 $0x7F, v56;
	v7 =	vor.u32 v8, v7;
	v6 =	vadd.s32 v57, v0  }
0x179: {  	v6 =	vor.u32 v58, v6  }
0x17a: {  	v59 =	vand.u32 $0xFFFFFF80, v1  }
0x17b: {  	v10 =	vand.u32 $0x7F, v1;
	v0 =	vadd.s32 v59, v0  }
0x17c: {  	v60 =	vshll.u32 v1, $0x7;
	v0 =	vor.u32 v10, v0;
	v5 =	vld.idx.msk [tilespmem:v5+s25+$0x0], $0xffff  }
0x17d: {  	v1 =	vshll.u32 v1, $0x9;
	v61 =	vadd.s32 $0x12C, v9;
	v9 =	vadd.s32 $0x12D, v9;
	v7 =	vld.idx.msk [tilespmem:v7+s25+$0x0], $0xffff  }
0x17e: {  	v2 =	vshll.u32 v55, $0x9;
	v3 =	vshll.u32 v56, $0x9;
	v4 =	vshll.u32 v4, $0x9;
	v6 =	vld.idx.msk [tilespmem:v6+s25+$0x0], $0xffff  }
0x17f: {  	v1 =	vand.u32 $0xFFFFF000, v1;
	v11 =	vand.u32 $0x7F, v61;
	v12 =	vand.u32 $0x7F, v9  }
0x180: {  	v9 =	vshll.u32 v9, $0x3;
	v4 =	vand.u32 $0xFFFFF000, v4;
	v3 =	vand.u32 $0xFFFFF000, v3  }
0x181: {  	v2 =	vand.u32 $0xFFFFF000, v2;
	v9 =	vand.u32 $0xFFFFFC00, v9;
	v0 =	vld.idx.msk [tilespmem:v0+s25+$0x0], $0xffff;
	v5 =	vmul.f32 $1.000000000e+01, v5  }
0x182: {  	v8 =	vand.u32 $0x380, v60;
	v10 =	vshll.u32 v61, $0x3;
	v7 =	vmul.f32 $1.000000000e+01, v7  }
0x183: {  	v10 =	vand.u32 $0xFFFFFC00, v10;
	v6 =	vmul.f32 $1.000000000e+01, v6;
	v5 =	vtrunc.f32 v5  }
0x184: {  	v13 =	vadd.s32 v2, v10;
	v7 =	vtrunc.f32 v7;
	v5 =	vcvt.f32.s32 v5  }
0x185: {  	v17 =	vadd.s32 v3, v10;
	v6 =	vtrunc.f32 v6;
	v7 =	vcvt.f32.s32 v7  }
0x186: {  	v0 =	vmul.f32 $1.000000000e+01, v0;
	v6 =	vcvt.f32.s32 v6;
	v5 =	vshll.u32 v5, $0x1  }
0x187: {  	v18 =	vadd.s32 v4, v10;
	v7 =	vshll.u32 v7, $0x1;
	v14 =	vadd.s32 $0x1E, v5  }
0x188: {  	v0 =	vtrunc.f32 v0;
	v6 =	vshll.u32 v6, $0x1;
	v15 =	vadd.s32 $0x1E, v7  }
0x189: {  	v3 =	vadd.s32 v3, v9;
	v0 =	vcvt.f32.s32 v0;
	v16 =	vadd.s32 $0x1E, v6  }
0x18a: {  	v2 =	vadd.s32 v2, v9;
	v4 =	vadd.s32 v4, v9;
	v5 =	vadd.s32 $0x1F, v5  }
0x18b: {  	v13 =	vor.u32 v8, v13;
	v7 =	vadd.s32 $0x1F, v7;
	v0 =	vshll.u32 v0, $0x1  }
0x18c: {  	v18 =	vor.u32 v8, v18;
	v13 =	vor.u32 v11, v13;
	v19 =	vadd.s32 $0x1E, v0;
	v14 =	vld.idx.msk [tilespmem:v14+s28+$0x0], $0xffff  }
0x18d: {  	v17 =	vor.u32 v8, v17;
	v18 =	vor.u32 v11, v18;
	v6 =	vadd.s32 $0x1F, v6;
	v15 =	vld.idx.msk [tilespmem:v15+s28+$0x0], $0xffff  }
0x18e: {  	v2 =	vor.u32 v8, v2;
	v17 =	vor.u32 v11, v17;
	v0 =	vadd.s32 $0x1F, v0;
	v16 =	vld.idx.msk [tilespmem:v16+s28+$0x0], $0xffff  }
0x18f: {  	v10 =	vadd.s32 v1, v10;
	v4 =	vor.u32 v8, v4;
	v2 =	vor.u32 v12, v2;
	v5 =	vld.idx.msk [tilespmem:v5+s28+$0x0], $0xffff  }
0x190: {  	v1 =	vadd.s32 v1, v9;
	v10 =	vor.u32 v8, v10;
	v4 =	vor.u32 v12, v4;
	v7 =	vld.idx.msk [tilespmem:v7+s28+$0x0], $0xffff  }
0x191: {  	v3 =	vor.u32 v8, v3;
	v62 =	vor.u32 v11, v10;
	v63 =	vld.idx.msk [tilespmem:v19+s28+$0x0], $0xffff;
	[tilespmem:v13+s0+$0x0] =	vst.idx.msk $0xffff, v14  }
0x192: {  	v1 =	vor.u32 v8, v1;
	v3 =	vor.u32 v12, v3;
	v6 =	vld.idx.msk [tilespmem:v6+s28+$0x0], $0xffff;
	[tilespmem:v18+s0+$0x0] =	vst.idx.msk $0xffff, v15  }
0x193: {  	v1 =	vor.u32 v12, v1;
	v0 =	vld.idx.msk [tilespmem:v0+s28+$0x0], $0xffff;
	[tilespmem:v17+s0+$0x0] =	vst.idx.msk $0xffff, v16  }
0x194: {  	[tilespmem:v2+s0+$0x0] =	vst.idx.msk $0xffff, v5  }
0x195: {  	[tilespmem:v4+s0+$0x0] =	vst.idx.msk $0xffff, v7  }
0x196: {  	[tilespmem:v62+s0+$0x0] =	vst.idx.msk $0xffff, v63  }
0x197: {  	[tilespmem:v3+s0+$0x0] =	vst.idx.msk $0xffff, v6  }
0x198: {  	s26 =	simm.s32 $0x0;
	s3 =	simm.s32 $0x0;
	[tilespmem:v1+s0+$0x0] =	vst.idx.msk $0xffff, v0  }
0x199: {  	[hbm4b:s13+s26] =	stream.linear.scatter [tilespmem:s0], [sflag:$0x2], $0x4000, $0x38;
	[tilespmem:$0xF580] =	vst v63  }
.LBB2_10:
0x19a: {  	s4 =	sshra.s32 s3, $0x2  }
0x19b: {  	v0 =	vld [tilespmem:s4+$0xF080]  }
0x19c: {  	v1 =	vld [tilespmem:s4+$0xF210];
	_ =	sdelay $0x3  }
0x19d: {  	v2 =	vadd.s32 $0x20, v0  }
0x19e: {  	v1 =	vshll.u32 v1, $0x7;
	v3 =	vand.u32 $0xFFFFFF80, v2  }
0x19f: {  	v2 =	vand.u32 $0x7F, v2;
	v3 =	vadd.s32 v3, v1  }
0x1a0: {  	v54 =	vadd.s32 $0x28, v0;
	v5 =	vadd.s32 $0x30, v0;
	v2 =	vor.u32 v2, v3  }
0x1a1: {  	v6 =	vadd.s32 $0x38, v0;
	v4 =	vand.u32 $0xFFFFFF80, v54;
	v55 =	vand.u32 $0xFFFFFF80, v5  }
0x1a2: {  	v5 =	vand.u32 $0x7F, v5;
	v4 =	vadd.s32 v4, v1;
	v3 =	vand.u32 $0x7F, v54  }
0x1a3: {  	v7 =	vld [tilespmem:s4+$0xF3A0];
	v56 =	vand.u32 $0xFFFFFF80, v6;
	v3 =	vor.u32 v3, v4;
	v4 =	vadd.s32 v55, v1  }
0x1a4: {  	v6 =	vand.u32 $0x7F, v6;
	v1 =	vadd.s32 v56, v1;
	v4 =	vor.u32 v5, v4  }
0x1a5: {  	v1 =	vor.u32 v6, v1;
	v2 =	vld.idx.msk [tilespmem:v2+s26+$0x0], $0xffff;
	_ =	sdelay $0x2  }
0x1a6: {  	v57 =	vand.u32 $0x7F, v7;
	v58 =	vshll.u32 v0, $0x9;
	v8 =	vshll.u32 v7, $0x3;
	v3 =	vld.idx.msk [tilespmem:v3+s26+$0x0], $0xffff  }
0x1a7: {  	v0 =	vshll.u32 v0, $0x7;
	v7 =	vadd.s32 $0x1, v7;
	v8 =	vand.u32 $0xFFFFFC00, v8;
	v4 =	vld.idx.msk [tilespmem:v4+s26+$0x0], $0xffff  }
0x1a8: {  	v0 =	vand.u32 $0x380, v0;
	v10 =	vshll.u32 v7, $0x3;
	v1 =	vld.idx.msk [tilespmem:v1+s26+$0x0], $0xffff;
	v2 =	vmul.f32 $1.000000000e+01, v2  }
0x1a9: {  	v7 =	vand.u32 $0x7F, v7;
	v10 =	vand.u32 $0xFFFFFC00, v10;
	v6 =	vand.u32 $0xFFFFF000, v58  }
0x1aa: {  	v9 =	vadd.s32 v6, v8;
	v12 =	vadd.s32 v6, v10;
	v2 =	vtrunc.f32 v2  }
0x1ab: {  	v13 =	vadd.s32 $0x1000, v6;
	v3 =	vmul.f32 $1.000000000e+01, v3;
	v2 =	vcvt.f32.s32 v2  }
0x1ac: {  	v60 =	vadd.s32 $0x2000, v6;
	v6 =	vadd.s32 $0x3000, v6;
	v4 =	vmul.f32 $1.000000000e+01, v4  }
0x1ad: {  	v1 =	vmul.f32 $1.000000000e+01, v1;
	v3 =	vtrunc.f32 v3;
	v2 =	vshll.u32 v2, $0x1  }
0x1ae: {  	v9 =	vor.u32 v0, v9;
	v3 =	vcvt.f32.s32 v3;
	v4 =	vtrunc.f32 v4  }
0x1af: {  	v1 =	vtrunc.f32 v1;
	v4 =	vcvt.f32.s32 v4;
	v11 =	vor.u32 $0x1, v2  }
0x1b0: {  	v12 =	vor.u32 v0, v12;
	v1 =	vcvt.f32.s32 v1;
	v3 =	vshll.u32 v3, $0x1  }
0x1b1: {  	v15 =	vadd.s32 v13, v8;
	v13 =	vadd.s32 v13, v10;
	v4 =	vshll.u32 v4, $0x1  }
0x1b2: {  	v61 =	vadd.s32 v60, v8;
	v9 =	vor.u32 v57, v9;
	v1 =	vshll.u32 v1, $0x1;
	v2 =	vld.idx.msk [tilespmem:v2+s28+$0x0], $0xffff  }
0x1b3: {  	v8 =	vadd.s32 v6, v8;
	v12 =	vor.u32 v7, v12;
	v14 =	vor.u32 $0x1, v3  }
0x1b4: {  	v15 =	vor.u32 v0, v15;
	v59 =	vor.u32 v0, v13;
	v16 =	vor.u32 $0x1, v4;
	v11 =	vld.idx.msk [tilespmem:v11+s28+$0x0], $0xffff  }
0x1b5: {  	v13 =	vor.u32 v0, v61;
	v15 =	vor.u32 v57, v15;
	v17 =	vor.u32 $0x1, v1;
	v3 =	vld.idx.msk [tilespmem:v3+s28+$0x0], $0xffff  }
0x1b6: {  	v8 =	vor.u32 v0, v8;
	v13 =	vor.u32 v57, v13;
	v4 =	vld.idx.msk [tilespmem:v4+s28+$0x0], $0xffff  }
0x1b7: {  	v5 =	vor.u32 v57, v8;
	v1 =	vld.idx.msk [tilespmem:v1+s28+$0x0], $0xffff;
	[tilespmem:v9+s1+$0x0] =	vst.idx.msk $0xffff, v2;
	v9 =	vadd.s32 v60, v10  }
0x1b8: {  	v6 =	vadd.s32 v6, v10;
	v14 =	vld.idx.msk [tilespmem:v14+s28+$0x0], $0xffff;
	v2 =	vor.u32 v7, v59;
	v9 =	vor.u32 v0, v9  }
0x1b9: {  	v62 =	vld.idx.msk [tilespmem:v16+s28+$0x0], $0xffff;
	[tilespmem:v12+s1+$0x0] =	vst.idx.msk $0xffff, v11;
	v0 =	vor.u32 v0, v6;
	v9 =	vor.u32 v7, v9  }
0x1ba: {  	p0 =	sne.s32 s3, $0x600;
	v63 =	vld.idx.msk [tilespmem:v17+s28+$0x0], $0xffff;
	[tilespmem:v15+s1+$0x0] =	vst.idx.msk $0xffff, v3;
	v0 =	vor.u32 v7, v0  }
.Ltmp5:
0x1bb: {  	[tilespmem:v13+s1+$0x0] =	vst.idx.msk $0xffff, v4;
	(pc) =	sbr.rel @p0 .LBB2_10-.Ltmp5, $4  }
0x1bc: {  	[tilespmem:v5+s1+$0x0] =	vst.idx.msk $0xffff, v1  }
0x1bd: {  	[tilespmem:v2+s1+$0x0] =	vst.idx.msk $0xffff, v14  }
0x1be: {  	[tilespmem:v9+s1+$0x0] =	vst.idx.msk $0xffff, v62  }
0x1bf: {  	s3 =	sadd.s32 $0x40, s3;
	[tilespmem:v0+s1+$0x0] =	vst.idx.msk $0xffff, v63  }
.LBB2_11:
0x1c0: {  	s3 =	sshra.s32 s26, $0x2  }
0x1c1: {  	v0 =	vld [tilespmem:s3+$0xF080]  }
0x1c2: {  	v1 =	vld [tilespmem:s3+$0xF210];
	_ =	sdelay $0x3  }
0x1c3: {  	v2 =	vadd.s32 $0x20, v0  }
0x1c4: {  	v1 =	vshll.u32 v1, $0x7;
	v54 =	vadd.s32 $0x28, v0;
	v55 =	vadd.s32 $0x30, v0  }
0x1c5: {  	v7 =	vadd.s32 $0x38, v0;
	v3 =	vand.u32 $0xFFFFFF80, v2;
	v2 =	vand.u32 $0x7F, v2  }
0x1c6: {  	v4 =	vand.u32 $0xFFFFFF80, v54;
	v6 =	vand.u32 $0xFFFFFF80, v55;
	v3 =	vadd.s32 v3, v1  }
0x1c7: {  	v56 =	vand.u32 $0xFFFFFF80, v7;
	v7 =	vand.u32 $0x7F, v7;
	v2 =	vor.u32 v2, v3  }
0x1c8: {  	v4 =	vadd.s32 v4, v1;
	v6 =	vadd.s32 v6, v1;
	v1 =	vadd.s32 v56, v1  }
0x1c9: {  	v5 =	vld [tilespmem:s3+$0xF3A0];
	v3 =	vand.u32 $0x7F, v54;
	v1 =	vor.u32 v7, v1  }
0x1ca: {  	v3 =	vor.u32 v3, v4  }
0x1cb: {  	v4 =	vand.u32 $0x7F, v55  }
0x1cc: {  	v4 =	vor.u32 v4, v6;
	v2 =	vld.idx.msk [tilespmem:v2+s21+$0x0], $0xffff;
	_ =	sdelay $0x1  }
0x1cd: {  	v57 =	vadd.s32 $0x64, v5;
	v8 =	vshll.u32 v0, $0x9;
	v0 =	vshll.u32 v0, $0x7;
	v1 =	vld.idx.msk [tilespmem:v1+s21+$0x0], $0xffff  }
0x1ce: {  	v5 =	vadd.s32 $0x65, v5;
	v9 =	vshll.u32 v57, $0x3;
	v8 =	vand.u32 $0xFFFFF000, v8;
	v3 =	vld.idx.msk [tilespmem:v3+s21+$0x0], $0xffff  }
0x1cf: {  	v0 =	vand.u32 $0x380, v0;
	v11 =	vshll.u32 v5, $0x3;
	v9 =	vand.u32 $0xFFFFFC00, v9  }
0x1d0: {  	v11 =	vand.u32 $0xFFFFFC00, v11;
	v14 =	vadd.s32 $0x1000, v8;
	v4 =	vld.idx.msk [tilespmem:v4+s21+$0x0], $0xffff;
	v2 =	vtrunc.f32 v2  }
0x1d1: {  	v60 =	vadd.s32 $0x2000, v8;
	v10 =	vadd.s32 v8, v9;
	v2 =	vcvt.f32.s32 v2  }
0x1d2: {  	v12 =	vadd.s32 v8, v11;
	v15 =	vadd.s32 v14, v9;
	v1 =	vtrunc.f32 v1  }
0x1d3: {  	v3 =	vtrunc.f32 v3;
	v1 =	vcvt.f32.s32 v1;
	v2 =	vshll.u32 v2, $0x1  }
0x1d4: {  	v17 =	vadd.s32 v60, v9;
	v3 =	vcvt.f32.s32 v3;
	v58 =	vadd.s32 $0x16, v2  }
0x1d5: {  	v4 =	vtrunc.f32 v4;
	v1 =	vshll.u32 v1, $0x1;
	v2 =	vadd.s32 $0x17, v2  }
0x1d6: {  	v8 =	vadd.s32 $0x3000, v8;
	v4 =	vcvt.f32.s32 v4;
	v61 =	vadd.s32 $0x16, v1  }
0x1d7: {  	v10 =	vor.u32 v0, v10;
	v3 =	vshll.u32 v3, $0x1;
	v1 =	vadd.s32 $0x17, v1  }
0x1d8: {  	v6 =	vand.u32 $0x7F, v57;
	v13 =	vadd.s32 $0x16, v3;
	v4 =	vshll.u32 v4, $0x1  }
0x1d9: {  	v9 =	vadd.s32 v8, v9;
	v10 =	vor.u32 v6, v10;
	v16 =	vadd.s32 $0x16, v4;
	v7 =	vld.idx.msk [tilespmem:v58+s28+$0x0], $0xffff  }
0x1da: {  	v5 =	vand.u32 $0x7F, v5;
	v9 =	vor.u32 v0, v9;
	v3 =	vadd.s32 $0x17, v3;
	v2 =	vld.idx.msk [tilespmem:v2+s28+$0x0], $0xffff  }
0x1db: {  	v12 =	vor.u32 v0, v12;
	v62 =	vor.u32 v6, v9;
	v4 =	vadd.s32 $0x17, v4;
	v63 =	vld.idx.msk [tilespmem:v61+s28+$0x0], $0xffff  }
0x1dc: {  	v14 =	vadd.s32 v14, v11;
	v15 =	vor.u32 v0, v15;
	v12 =	vor.u32 v5, v12;
	v1 =	vld.idx.msk [tilespmem:v1+s28+$0x0], $0xffff  }
0x1dd: {  	v59 =	vor.u32 v0, v14;
	v17 =	vor.u32 v0, v17;
	v15 =	vor.u32 v6, v15;
	v13 =	vld.idx.msk [tilespmem:v13+s28+$0x0], $0xffff  }
0x1de: {  	v17 =	vor.u32 v6, v17;
	v16 =	vld.idx.msk [tilespmem:v16+s28+$0x0], $0xffff;
	[tilespmem:v10+s1+$0x0] =	vst.idx.msk $0xffff, v7;
	v10 =	vadd.s32 v60, v11  }
0x1df: {  	v8 =	vadd.s32 v8, v11;
	v3 =	vld.idx.msk [tilespmem:v3+s28+$0x0], $0xffff;
	v7 =	vor.u32 v5, v59;
	v10 =	vor.u32 v0, v10  }
0x1e0: {  	v4 =	vld.idx.msk [tilespmem:v4+s28+$0x0], $0xffff;
	[tilespmem:v62+s1+$0x0] =	vst.idx.msk $0xffff, v63;
	v0 =	vor.u32 v0, v8;
	v10 =	vor.u32 v5, v10  }
0x1e1: {  	p0 =	sne.s32 s26, $0x600;
	[tilespmem:v12+s1+$0x0] =	vst.idx.msk $0xffff, v2;
	v0 =	vor.u32 v5, v0  }
.Ltmp6:
0x1e2: {  	[tilespmem:v15+s1+$0x0] =	vst.idx.msk $0xffff, v13;
	(pc) =	sbr.rel @p0 .LBB2_11-.Ltmp6, $4  }
0x1e3: {  	[tilespmem:v17+s1+$0x0] =	vst.idx.msk $0xffff, v16  }
0x1e4: {  	[tilespmem:v7+s1+$0x0] =	vst.idx.msk $0xffff, v3  }
0x1e5: {  	[tilespmem:v10+s1+$0x0] =	vst.idx.msk $0xffff, v4  }
0x1e6: {  	s26 =	sadd.s32 $0x40, s26;
	[tilespmem:v0+s1+$0x0] =	vst.idx.msk $0xffff, v1  }
0x1e7: {  	s30 =	simm.s32 $0x0  }
0x1e8: {  	v0 =	vld [tilespmem:s30+$0xF210]  }
0x1e9: {  	v3 =	vld [tilespmem:s30+$0xF080];
	_ =	sdelay $0x4  }
0x1ea: {  	v0 =	vshll.u32 v0, $0x7;
	v1 =	vadd.s32 $0x20, v3  }
0x1eb: {  	v5 =	vld [tilespmem:s30+$0xF3A0];
	v2 =	vadd.s32 $0x30, v3;
	v4 =	vadd.s32 $0x38, v3;
	v6 =	vand.u32 $0xFFFFFF80, v1  }
0x1ec: {  	v7 =	vand.u32 $0xFFFFFF80, v4;
	v1 =	vand.u32 $0x7F, v1;
	v8 =	vand.u32 $0x7F, v2  }
0x1ed: {  	v2 =	vand.u32 $0xFFFFFF80, v2;
	v4 =	vand.u32 $0x7F, v4;
	v6 =	vadd.s32 v6, v0  }
0x1ee: {  	v7 =	vadd.s32 v7, v0;
	v2 =	vadd.s32 v2, v0;
	v1 =	vor.u32 v1, v6  }
0x1ef: {  	v6 =	vadd.s32 $0x28, v3;
	v4 =	vor.u32 v4, v7;
	v7 =	vshll.u32 v3, $0x9  }
0x1f0: {  	v8 =	vor.u32 v8, v2;
	v2 =	vadd.s32 $0xC9, v5;
	v9 =	vand.u32 $0xFFFFFF80, v6  }
0x1f1: {  	v3 =	vshll.u32 v3, $0x7;
	v6 =	vand.u32 $0x7F, v6;
	v9 =	vadd.s32 v9, v0  }
0x1f2: {  	v0 =	vand.u32 $0x7F, v2;
	v9 =	vor.u32 v6, v9;
	v6 =	vadd.s32 $0xC8, v5  }
0x1f3: {  	v5 =	vshll.u32 v2, $0x3;
	v2 =	vand.u32 $0xFFFFF000, v7;
	v7 =	vshll.u32 v6, $0x3;
	v11 =	vld.idx.msk [tilespmem:v1+s23+$0x0], $0xffff  }
0x1f4: {  	v1 =	vand.u32 $0xFFFFFC00, v5;
	v12 =	vld.idx.msk [tilespmem:v4+s23+$0x0], $0xffff;
	v5 =	vand.u32 $0xFFFFFC00, v7;
	v7 =	vadd.s32 $0x3000, v2  }
0x1f5: {  	v6 =	vand.u32 $0x7F, v6;
	v8 =	vld.idx.msk [tilespmem:v8+s23+$0x0], $0xffff;
	v4 =	vand.u32 $0x380, v3;
	v3 =	vadd.s32 v7, v5  }
0x1f6: {  	v7 =	vadd.s32 v7, v1;
	v10 =	vadd.s32 v2, v5;
	v3 =	vor.u32 v4, v3  }
0x1f7: {  	v13 =	vor.u32 v4, v7;
	v14 =	vld.idx.msk [tilespmem:v9+s23+$0x0], $0xffff;
	v9 =	vadd.s32 v2, v1;
	v7 =	vor.u32 v6, v3  }
0x1f8: {  	v3 =	vor.u32 v0, v13;
	v15 =	vtrunc.f32 v11;
	v11 =	vadd.s32 $0x2000, v2  }
0x1f9: {  	v12 =	vtrunc.f32 v12;
	v13 =	vcvt.f32.s32 v15;
	v15 =	vadd.s32 v11, v5  }
0x1fa: {  	v8 =	vtrunc.f32 v8;
	v12 =	vcvt.f32.s32 v12;
	v15 =	vor.u32 v4, v15  }
0x1fb: {  	v18 =	vshll.u32 v13, $0x1;
	v13 =	vcvt.f32.s32 v8;
	v8 =	vor.u32 v6, v15  }
0x1fc: {  	v14 =	vtrunc.f32 v14;
	v12 =	vshll.u32 v12, $0x1;
	v15 =	vadd.s32 $0x1A, v18  }
0x1fd: {  	v17 =	vcvt.f32.s32 v14;
	v16 =	vadd.s32 $0x1A, v12;
	v13 =	vshll.u32 v13, $0x1  }
0x1fe: {  	s26 =	simm.s32 $0x40;
	s4 =	simm.s32 $0x80;
	s3 =	simm.s32 $0x10;
	v12 =	vadd.s32 $0x1B, v12;
	v14 =	vadd.s32 $0x1A, v13;
	v13 =	vadd.s32 $0x1B, v13  }
.LBB2_13:
0x1ff: {  	p0 =	sne.s32 s4, $0x600;
	v18 =	vadd.s32 $0x1B, v18;
	v9 =	vor.u32 v4, v9;
	v11 =	vadd.s32 v11, v1;
	s6 =	smov.u32 s4;
	s4 =	sadd.s32 $0x40, s4  }
0x200: {  	v10 =	vor.u32 v4, v10;
	v9 =	vor.u32 v0, v9;
	v11 =	vor.u32 v4, v11  }
0x201: {  	v17 =	vshll.u32 v17, $0x1;
	v10 =	vor.u32 v6, v10;
	v15 =	vld.idx.msk [tilespmem:v15+s28+$0x0], $0xffff;
	v11 =	vor.u32 v0, v11  }
0x202: {  	v2 =	vadd.s32 $0x1000, v2;
	v19 =	vadd.s32 $0x1A, v17;
	v17 =	vadd.s32 $0x1B, v17;
	v16 =	vld.idx.msk [tilespmem:v16+s28+$0x0], $0xffff  }
0x203: {  	v5 =	vadd.s32 v2, v5;
	v1 =	vadd.s32 v2, v1;
	v2 =	vld.idx.msk [tilespmem:v14+s28+$0x0], $0xffff  }
0x204: {  	v5 =	vor.u32 v4, v5;
	v1 =	vor.u32 v4, v1;
	v4 =	vld.idx.msk [tilespmem:v13+s28+$0x0], $0xffff  }
0x205: {  	v5 =	vor.u32 v6, v5;
	v0 =	vor.u32 v0, v1;
	v1 =	vld.idx.msk [tilespmem:v12+s28+$0x0], $0xffff  }
0x206: {  	s6 =	sshra.s32 s6, $0x2;
	v6 =	vld.idx.msk [tilespmem:v18+s28+$0x0], $0xffff  }
0x207: {  	[tilespmem:v10+s1+$0x0] =	vst.idx.msk $0xffff, v15;
	v10 =	vld.idx.msk [tilespmem:v19+s28+$0x0], $0xffff  }
0x208: {  	v12 =	vld.idx.msk [tilespmem:v17+s28+$0x0], $0xffff;
	[tilespmem:v7+s1+$0x0] =	vst.idx.msk $0xffff, v16  }
0x209: {  	[tilespmem:v8+s1+$0x0] =	vst.idx.msk $0xffff, v2  }
0x20a: {  	[tilespmem:v11+s1+$0x0] =	vst.idx.msk $0xffff, v4  }
0x20b: {  	[tilespmem:v3+s1+$0x0] =	vst.idx.msk $0xffff, v1  }
0x20c: {  	[tilespmem:v9+s1+$0x0] =	vst.idx.msk $0xffff, v6  }
0x20d: {  	[tilespmem:v5+s1+$0x0] =	vst.idx.msk $0xffff, v10  }
0x20e: {  	[tilespmem:v0+s1+$0x0] =	vst.idx.msk $0xffff, v12  }
0x20f: {  	v0 =	vld [tilespmem:s3+$0xF210]  }
0x210: {  	v3 =	vld [tilespmem:s3+$0xF080];
	_ =	sdelay $0x3  }
0x211: {  	v0 =	vshll.u32 v0, $0x7  }
0x212: {  	v1 =	vadd.s32 $0x20, v3;
	v2 =	vadd.s32 $0x30, v3;
	v4 =	vadd.s32 $0x38, v3  }
0x213: {  	v5 =	vld [tilespmem:s3+$0xF3A0];
	v6 =	vand.u32 $0xFFFFFF80, v1;
	v7 =	vand.u32 $0x7F, v2;
	v8 =	vand.u32 $0xFFFFFF80, v4;
	s3 =	smov.u32 s6  }
0x214: {  	v1 =	vand.u32 $0x7F, v1;
	v6 =	vadd.s32 v6, v0;
	v8 =	vadd.s32 v8, v0  }
0x215: {  	v2 =	vand.u32 $0xFFFFFF80, v2;
	v4 =	vand.u32 $0x7F, v4;
	v1 =	vor.u32 v1, v6  }
0x216: {  	v2 =	vadd.s32 v2, v0;
	v6 =	vadd.s32 $0x28, v3;
	v4 =	vor.u32 v4, v8  }
0x217: {  	v8 =	vshll.u32 v3, $0x9;
	v7 =	vor.u32 v7, v2;
	v9 =	vand.u32 $0xFFFFFF80, v6  }
0x218: {  	v6 =	vand.u32 $0x7F, v6;
	v9 =	vadd.s32 v9, v0;
	v2 =	vadd.s32 $0xC9, v5  }
0x219: {  	v9 =	vor.u32 v6, v9;
	v0 =	vand.u32 $0x7F, v2  }
0x21a: {  	v6 =	vadd.s32 $0xC8, v5;
	v11 =	vld.idx.msk [tilespmem:v1+s23+$0x0], $0xffff;
	v1 =	vshll.u32 v2, $0x3  }
0x21b: {  	v5 =	vshll.u32 v6, $0x3;
	v2 =	vand.u32 $0xFFFFF000, v8;
	v1 =	vand.u32 $0xFFFFFC00, v1;
	v8 =	vld.idx.msk [tilespmem:v4+s23+$0x0], $0xffff  }
0x21c: {  	v3 =	vshll.u32 v3, $0x7;
	v5 =	vand.u32 $0xFFFFFC00, v5;
	v12 =	vld.idx.msk [tilespmem:v7+s23+$0x0], $0xffff;
	v7 =	vadd.s32 $0x3000, v2  }
0x21d: {  	v4 =	vand.u32 $0x380, v3;
	v3 =	vadd.s32 v7, v5;
	v7 =	vadd.s32 v7, v1  }
0x21e: {  	v6 =	vand.u32 $0x7F, v6;
	v13 =	vld.idx.msk [tilespmem:v9+s23+$0x0], $0xffff;
	v3 =	vor.u32 v4, v3;
	v14 =	vor.u32 v4, v7  }
0x21f: {  	v10 =	vadd.s32 v2, v5;
	v9 =	vadd.s32 v2, v1;
	v7 =	vor.u32 v6, v3  }
0x220: {  	v15 =	vtrunc.f32 v11;
	v11 =	vadd.s32 $0x2000, v2;
	v3 =	vor.u32 v0, v14  }
0x221: {  	v14 =	vcvt.f32.s32 v15;
	v15 =	vadd.s32 v11, v5;
	v8 =	vtrunc.f32 v8  }
.Ltmp7:
0x222: {  	v12 =	vtrunc.f32 v12;
	v15 =	vor.u32 v4, v15;
	v16 =	vcvt.f32.s32 v8;
	(pc) =	sbr.rel @p0 .LBB2_13-.Ltmp7, $4  }
0x223: {  	v18 =	vshll.u32 v14, $0x1;
	v12 =	vcvt.f32.s32 v12;
	v8 =	vor.u32 v6, v15  }
0x224: {  	v15 =	vadd.s32 $0x1A, v18;
	v13 =	vtrunc.f32 v13;
	v19 =	vshll.u32 v16, $0x1  }
0x225: {  	v17 =	vcvt.f32.s32 v13;
	v12 =	vshll.u32 v12, $0x1;
	v16 =	vadd.s32 $0x1A, v19  }
0x226: {  	v14 =	vadd.s32 $0x1A, v12;
	v13 =	vadd.s32 $0x1B, v12;
	v12 =	vadd.s32 $0x1B, v19  }
0x227: {  	_ =	sdelay $0x3  }
0x228: {  	v18 =	vadd.s32 $0x1B, v18;
	v17 =	vshll.u32 v17, $0x1;
	v16 =	vld.idx.msk [tilespmem:v16+s28+$0x0], $0xffff  }
0x229: {  	v10 =	vor.u32 v4, v10;
	v14 =	vld.idx.msk [tilespmem:v14+s28+$0x0], $0xffff;
	v19 =	vadd.s32 $0x1A, v17  }
0x22a: {  	v15 =	vld.idx.msk [tilespmem:v15+s28+$0x0], $0xffff;
	v11 =	vadd.s32 v11, v1;
	v10 =	vor.u32 v6, v10;
	v17 =	vadd.s32 $0x1B, v17  }
0x22b: {  	v9 =	vor.u32 v4, v9;
	v2 =	vadd.s32 $0x1000, v2;
	v12 =	vld.idx.msk [tilespmem:v12+s28+$0x0], $0xffff;
	v11 =	vor.u32 v4, v11  }
0x22c: {  	v13 =	vld.idx.msk [tilespmem:v13+s28+$0x0], $0xffff;
	v9 =	vor.u32 v0, v9;
	v5 =	vadd.s32 v2, v5;
	v11 =	vor.u32 v0, v11  }
0x22d: {  	v1 =	vadd.s32 v2, v1;
	v2 =	vor.u32 v4, v5;
	v18 =	vld.idx.msk [tilespmem:v18+s28+$0x0], $0xffff;
	[tilespmem:v7+s1+$0x0] =	vst.idx.msk $0xffff, v16  }
0x22e: {  	v1 =	vor.u32 v4, v1;
	v2 =	vor.u32 v6, v2;
	[tilespmem:v8+s1+$0x0] =	vst.idx.msk $0xffff, v14;
	v4 =	vld.idx.msk [tilespmem:v19+s28+$0x0], $0xffff  }
0x22f: {  	v0 =	vor.u32 v0, v1;
	[tilespmem:v10+s1+$0x0] =	vst.idx.msk $0xffff, v15;
	v1 =	vld.idx.msk [tilespmem:v17+s28+$0x0], $0xffff  }
0x230: {  	[tilespmem:v3+s1+$0x0] =	vst.idx.msk $0xffff, v12  }
0x231: {  	[tilespmem:v11+s1+$0x0] =	vst.idx.msk $0xffff, v13  }
0x232: {  	[tilespmem:v9+s1+$0x0] =	vst.idx.msk $0xffff, v18  }
0x233: {  	[tilespmem:v2+s1+$0x0] =	vst.idx.msk $0xffff, v4  }
0x234: {  	[tilespmem:v0+s1+$0x0] =	vst.idx.msk $0xffff, v1  }
0x235: {  	v0 =	vld [tilespmem:s3+$0xF210]  }
0x236: {  	v1 =	vld [tilespmem:s3+$0xF080];
	_ =	sdelay $0x4  }
0x237: {  	v0 =	vshll.u32 v0, $0x7;
	v2 =	vadd.s32 $0x20, v1  }
0x238: {  	v3 =	vadd.s32 $0x38, v1;
	v4 =	vadd.s32 $0x30, v1;
	v5 =	vand.u32 $0xFFFFFF80, v2  }
0x239: {  	v6 =	vand.u32 $0xFFFFFF80, v3;
	v2 =	vand.u32 $0x7F, v2;
	v5 =	vadd.s32 v5, v0  }
0x23a: {  	v3 =	vand.u32 $0x7F, v3;
	v6 =	vadd.s32 v6, v0;
	v2 =	vor.u32 v2, v5  }
0x23b: {  	v5 =	vand.u32 $0xFFFFFF80, v4;
	v3 =	vor.u32 v3, v6  }
0x23c: {  	v4 =	vand.u32 $0x7F, v4;
	v6 =	vld [tilespmem:s3+$0xF3A0];
	v5 =	vadd.s32 v5, v0  }
0x23d: {  	v4 =	vor.u32 v4, v5;
	v5 =	vadd.s32 $0x28, v1  }
0x23e: {  	v8 =	vshll.u32 v1, $0x9;
	v7 =	vand.u32 $0xFFFFFF80, v5  }
0x23f: {  	v8 =	vand.u32 $0xFFFFF000, v8;
	v5 =	vand.u32 $0x7F, v5;
	v0 =	vadd.s32 v7, v0;
	v2 =	vld.idx.msk [tilespmem:v2+s23+$0x0], $0xffff  }
0x240: {  	v10 =	vadd.s32 $0x3000, v8;
	v3 =	vld.idx.msk [tilespmem:v3+s23+$0x0], $0xffff;
	v0 =	vor.u32 v5, v0  }
0x241: {  	v61 =	vadd.s32 $0x2000, v8;
	v1 =	vshll.u32 v1, $0x7;
	v7 =	vadd.s32 $0xC9, v6  }
0x242: {  	v1 =	vand.u32 $0x380, v1;
	v5 =	vadd.s32 $0xC8, v6;
	v6 =	vand.u32 $0x7F, v7  }
0x243: {  	v7 =	vshll.u32 v7, $0x3;
	v9 =	vshll.u32 v5, $0x3;
	v5 =	vand.u32 $0x7F, v5;
	v4 =	vld.idx.msk [tilespmem:v4+s23+$0x0], $0xffff  }
0x244: {  	v7 =	vand.u32 $0xFFFFFC00, v7;
	v9 =	vand.u32 $0xFFFFFC00, v9;
	v2 =	vtrunc.f32 v2  }
0x245: {  	v11 =	vadd.s32 v10, v9;
	v3 =	vtrunc.f32 v3;
	v0 =	vld.idx.msk [tilespmem:v0+s23+$0x0], $0xffff;
	v2 =	vcvt.f32.s32 v2  }
0x246: {  	v10 =	vadd.s32 v10, v7;
	v58 =	vadd.s32 v8, v9;
	v3 =	vcvt.f32.s32 v3  }
0x247: {  	v60 =	vadd.s32 v8, v7;
	v62 =	vadd.s32 v61, v9;
	v2 =	vshll.u32 v2, $0x1  }
0x248: {  	v4 =	vtrunc.f32 v4;
	v3 =	vshll.u32 v3, $0x1;
	v56 =	vadd.s32 $0x1A, v2  }
0x249: {  	v17 =	vadd.s32 v61, v7;
	v4 =	vcvt.f32.s32 v4;
	v57 =	vadd.s32 $0x1A, v3  }
0x24a: {  	v8 =	vadd.s32 $0x1000, v8;
	v3 =	vadd.s32 $0x1B, v3;
	v0 =	vtrunc.f32 v0  }
0x24b: {  	v2 =	vadd.s32 $0x1B, v2;
	v4 =	vshll.u32 v4, $0x1;
	v0 =	vcvt.f32.s32 v0  }
0x24c: {  	v11 =	vor.u32 v1, v11;
	v14 =	vor.u32 v1, v58;
	v59 =	vadd.s32 $0x1A, v4  }
0x24d: {  	v14 =	vor.u32 v5, v14;
	v4 =	vadd.s32 $0x1B, v4;
	v0 =	vshll.u32 v0, $0x1;
	v12 =	vld.idx.msk [tilespmem:v56+s28+$0x0], $0xffff  }
0x24e: {  	v10 =	vor.u32 v1, v10;
	v11 =	vor.u32 v5, v11;
	v13 =	vld.idx.msk [tilespmem:v57+s28+$0x0], $0xffff;
	v63 =	vadd.s32 $0x1A, v0  }
0x24f: {  	v16 =	vor.u32 v1, v60;
	v10 =	vor.u32 v6, v10;
	v0 =	vadd.s32 $0x1B, v0;
	v3 =	vld.idx.msk [tilespmem:v3+s28+$0x0], $0xffff  }
0x250: {  	v18 =	vor.u32 v1, v62;
	v17 =	vor.u32 v1, v17;
	v16 =	vor.u32 v6, v16;
	v2 =	vld.idx.msk [tilespmem:v2+s28+$0x0], $0xffff  }
0x251: {  	v9 =	vadd.s32 v8, v9;
	v7 =	vadd.s32 v8, v7;
	v18 =	vor.u32 v5, v18;
	v15 =	vld.idx.msk [tilespmem:v59+s28+$0x0], $0xffff  }
0x252: {  	v17 =	vor.u32 v6, v17;
	v8 =	vor.u32 v1, v9;
	v4 =	vld.idx.msk [tilespmem:v4+s28+$0x0], $0xffff;
	[tilespmem:v14+s1+$0x0] =	vst.idx.msk $0xffff, v12  }
0x253: {  	v1 =	vor.u32 v1, v7;
	v5 =	vor.u32 v5, v8;
	v7 =	vld.idx.msk [tilespmem:v63+s28+$0x0], $0xffff;
	[tilespmem:v11+s1+$0x0] =	vst.idx.msk $0xffff, v13  }
0x254: {  	v1 =	vor.u32 v6, v1;
	v0 =	vld.idx.msk [tilespmem:v0+s28+$0x0], $0xffff;
	[tilespmem:v10+s1+$0x0] =	vst.idx.msk $0xffff, v3  }
0x255: {  	[tilespmem:v16+s1+$0x0] =	vst.idx.msk $0xffff, v2  }
0x256: {  	[tilespmem:v18+s1+$0x0] =	vst.idx.msk $0xffff, v15  }
0x257: {  	[tilespmem:v17+s1+$0x0] =	vst.idx.msk $0xffff, v4  }
0x258: {  	[tilespmem:v5+s1+$0x0] =	vst.idx.msk $0xffff, v7  }
0x259: {  	[tilespmem:v1+s1+$0x0] =	vst.idx.msk $0xffff, v0  }
0x25a: {  	v5 =	vld [tilespmem:s30+$0xF080]  }
0x25b: {  	v0 =	vld [tilespmem:s30+$0xF210];
	_ =	sdelay $0x3  }
0x25c: {  	v1 =	vadd.s32 $0x20, v5;
	v2 =	vadd.s32 $0x30, v5;
	v3 =	vadd.s32 $0x38, v5  }
0x25d: {  	v0 =	vshll.u32 v0, $0x7;
	v4 =	vand.u32 $0xFFFFFF80, v3;
	v3 =	vand.u32 $0x7F, v3  }
0x25e: {  	v7 =	vld [tilespmem:s30+$0xF3A0];
	v6 =	vand.u32 $0xFFFFFF80, v2;
	v9 =	vand.u32 $0x7F, v2;
	v2 =	vadd.s32 v4, v0  }
0x25f: {  	v8 =	vshll.u32 v5, $0x9;
	v4 =	vadd.s32 $0x28, v5;
	v11 =	vor.u32 v3, v2  }
0x260: {  	v10 =	vadd.s32 v6, v0;
	v2 =	vand.u32 $0xFFFFFF80, v1;
	v1 =	vand.u32 $0x7F, v1  }
0x261: {  	v3 =	vand.u32 $0xFFFFFF80, v4;
	v4 =	vand.u32 $0x7F, v4;
	v2 =	vadd.s32 v2, v0  }
0x262: {  	v0 =	vadd.s32 v3, v0;
	v3 =	vor.u32 v9, v10;
	v6 =	vor.u32 v1, v2  }
0x263: {  	v2 =	vadd.s32 $0x12D, v7;
	v4 =	vor.u32 v4, v0;
	v1 =	vadd.s32 $0x12C, v7  }
0x264: {  	v7 =	vshll.u32 v5, $0x7;
	v0 =	vand.u32 $0x7F, v1;
	v1 =	vshll.u32 v1, $0x3;
	v5 =	vld.idx.msk [tilespmem:v11+s25+$0x0], $0xffff  }
.LBB2_15:
0x265: {  	p0 =	sne.s32 s26, $0x600;
	s3 =	smov.u32 s26;
	s26 =	sadd.s32 $0x40, s26  }
0x266: {  	v8 =	vand.u32 $0xFFFFF000, v8;
	v9 =	vshll.u32 v2, $0x3  }
0x267: {  	v9 =	vand.u32 $0xFFFFFC00, v9;
	v10 =	vadd.s32 $0x1000, v8;
	v11 =	vadd.s32 $0x3000, v8;
	v6 =	vld.idx.msk [tilespmem:v6+s25+$0x0], $0xffff  }
0x268: {  	v7 =	vand.u32 $0x380, v7;
	v12 =	vadd.s32 v10, v9;
	v13 =	vadd.s32 v11, v9;
	v4 =	vld.idx.msk [tilespmem:v4+s25+$0x0], $0xffff  }
0x269: {  	v14 =	vadd.s32 v8, v9;
	v12 =	vor.u32 v7, v12;
	v13 =	vor.u32 v7, v13;
	v3 =	vld.idx.msk [tilespmem:v3+s25+$0x0], $0xffff  }
0x26a: {  	v14 =	vor.u32 v7, v14;
	v5 =	vmul.f32 $1.000000000e+01, v5;
	_ =	sdelay $0x1  }
0x26b: {  	s3 =	sshra.s32 s3, $0x2;
	v5 =	vtrunc.f32 v5  }
0x26c: {  	v2 =	vand.u32 $0x7F, v2;
	v6 =	vmul.f32 $1.000000000e+01, v6;
	v5 =	vcvt.f32.s32 v5  }
0x26d: {  	v15 =	vadd.s32 $0x2000, v8;
	v13 =	vor.u32 v2, v13;
	v4 =	vmul.f32 $1.000000000e+01, v4  }
0x26e: {  	v6 =	vtrunc.f32 v6;
	v3 =	vmul.f32 $1.000000000e+01, v3;
	v5 =	vshll.u32 v5, $0x1  }
0x26f: {  	v6 =	vcvt.f32.s32 v6;
	v4 =	vtrunc.f32 v4;
	v16 =	vadd.s32 $0x1E, v5  }
0x270: {  	v5 =	vadd.s32 $0x1F, v5;
	v4 =	vcvt.f32.s32 v4;
	v3 =	vtrunc.f32 v3  }
0x271: {  	v1 =	vand.u32 $0xFFFFFC00, v1;
	v6 =	vshll.u32 v6, $0x1;
	v3 =	vcvt.f32.s32 v3  }
0x272: {  	v11 =	vadd.s32 v11, v1;
	v17 =	vadd.s32 $0x1E, v6;
	v4 =	vshll.u32 v4, $0x1  }
0x273: {  	v18 =	vadd.s32 $0x1E, v4;
	v4 =	vadd.s32 $0x1F, v4;
	v3 =	vshll.u32 v3, $0x1  }
0x274: {  	v11 =	vor.u32 v7, v11;
	v19 =	vadd.s32 $0x1E, v3;
	v3 =	vadd.s32 $0x1F, v3;
	v16 =	vld.idx.msk [tilespmem:v16+s28+$0x0], $0xffff  }
0x275: {  	v8 =	vadd.s32 v8, v1;
	v11 =	vor.u32 v0, v11;
	v6 =	vadd.s32 $0x1F, v6;
	v5 =	vld.idx.msk [tilespmem:v5+s28+$0x0], $0xffff  }
0x276: {  	v10 =	vadd.s32 v10, v1;
	v1 =	vadd.s32 v15, v1;
	v8 =	vor.u32 v7, v8  }
0x277: {  	v10 =	vor.u32 v7, v10;
	v1 =	vor.u32 v7, v1;
	v8 =	vor.u32 v0, v8;
	v17 =	vld.idx.msk [tilespmem:v17+s28+$0x0], $0xffff  }
0x278: {  	v10 =	vor.u32 v0, v10;
	v0 =	vor.u32 v0, v1;
	v1 =	vadd.s32 v15, v9;
	v18 =	vld.idx.msk [tilespmem:v18+s28+$0x0], $0xffff  }
0x279: {  	v9 =	vor.u32 v2, v12;
	v1 =	vor.u32 v7, v1;
	v4 =	vld.idx.msk [tilespmem:v4+s28+$0x0], $0xffff  }
0x27a: {  	v6 =	vld.idx.msk [tilespmem:v6+s28+$0x0], $0xffff;
	[tilespmem:v11+s1+$0x0] =	vst.idx.msk $0xffff, v16  }
0x27b: {  	v7 =	vor.u32 v2, v14;
	v11 =	vld.idx.msk [tilespmem:v19+s28+$0x0], $0xffff;
	[tilespmem:v13+s1+$0x0] =	vst.idx.msk $0xffff, v5  }
0x27c: {  	v3 =	vld.idx.msk [tilespmem:v3+s28+$0x0], $0xffff  }
0x27d: {  	v1 =	vor.u32 v2, v1;
	[tilespmem:v8+s1+$0x0] =	vst.idx.msk $0xffff, v17  }
0x27e: {  	[tilespmem:v10+s1+$0x0] =	vst.idx.msk $0xffff, v18  }
0x27f: {  	[tilespmem:v9+s1+$0x0] =	vst.idx.msk $0xffff, v4  }
0x280: {  	[tilespmem:v7+s1+$0x0] =	vst.idx.msk $0xffff, v6  }
0x281: {  	[tilespmem:v0+s1+$0x0] =	vst.idx.msk $0xffff, v11  }
0x282: {  	[tilespmem:v1+s1+$0x0] =	vst.idx.msk $0xffff, v3  }
0x283: {  	v5 =	vld [tilespmem:s3+$0xF080]  }
0x284: {  	v0 =	vld [tilespmem:s3+$0xF210];
	_ =	sdelay $0x3  }
0x285: {  	v1 =	vadd.s32 $0x20, v5;
	v2 =	vadd.s32 $0x30, v5;
	v3 =	vadd.s32 $0x38, v5  }
0x286: {  	v7 =	vld [tilespmem:s3+$0xF3A0];
	v0 =	vshll.u32 v0, $0x7;
	v4 =	vand.u32 $0xFFFFFF80, v3;
	v3 =	vand.u32 $0x7F, v3  }
0x287: {  	v6 =	vand.u32 $0xFFFFFF80, v2;
	v9 =	vand.u32 $0x7F, v2;
	v2 =	vadd.s32 v4, v0  }
0x288: {  	v4 =	vadd.s32 $0x28, v5;
	v10 =	vadd.s32 v6, v0;
	v11 =	vor.u32 v3, v2  }
.Ltmp8:
0x289: {  	v2 =	vand.u32 $0xFFFFFF80, v1;
	v1 =	vand.u32 $0x7F, v1;
	v3 =	vand.u32 $0xFFFFFF80, v4;
	(pc) =	sbr.rel @p0 .LBB2_15-.Ltmp8, $4  }
0x28a: {  	v4 =	vand.u32 $0x7F, v4;
	v2 =	vadd.s32 v2, v0;
	v0 =	vadd.s32 v3, v0  }
0x28b: {  	v6 =	vor.u32 v1, v2;
	v4 =	vor.u32 v4, v0;
	v2 =	vadd.s32 $0x12D, v7  }
0x28c: {  	v8 =	vshll.u32 v5, $0x9;
	v3 =	vor.u32 v9, v10;
	v1 =	vadd.s32 $0x12C, v7  }
0x28d: {  	v7 =	vshll.u32 v5, $0x7;
	v0 =	vand.u32 $0x7F, v1;
	v1 =	vshll.u32 v1, $0x3;
	v5 =	vld.idx.msk [tilespmem:v11+s25+$0x0], $0xffff  }
0x28e: {  	_ =	sdelay $0x3  }
0x28f: {  	v6 =	vld.idx.msk [tilespmem:v6+s25+$0x0], $0xffff  }
0x290: {  	v8 =	vand.u32 $0xFFFFF000, v8;
	v9 =	vshll.u32 v2, $0x3;
	v4 =	vld.idx.msk [tilespmem:v4+s25+$0x0], $0xffff  }
0x291: {  	v3 =	vld.idx.msk [tilespmem:v3+s25+$0x0], $0xffff;
	v7 =	vand.u32 $0x380, v7;
	v59 =	vand.u32 $0x7F, v2;
	v1 =	vand.u32 $0xFFFFFC00, v1  }
0x292: {  	v9 =	vand.u32 $0xFFFFFC00, v9;
	v10 =	vadd.s32 $0x1000, v8;
	v5 =	vmul.f32 $1.000000000e+01, v5  }
0x293: {  	v11 =	vadd.s32 $0x3000, v8;
	v15 =	vadd.s32 $0x2000, v8;
	v12 =	vadd.s32 v10, v9  }
0x294: {  	v13 =	vadd.s32 v11, v9;
	v6 =	vmul.f32 $1.000000000e+01, v6;
	v5 =	vtrunc.f32 v5  }
0x295: {  	v14 =	vadd.s32 v8, v9;
	v4 =	vmul.f32 $1.000000000e+01, v4;
	v5 =	vcvt.f32.s32 v5  }
0x296: {  	v11 =	vadd.s32 v11, v1;
	v3 =	vmul.f32 $1.000000000e+01, v3;
	v6 =	vtrunc.f32 v6  }
0x297: {  	v4 =	vtrunc.f32 v4;
	v6 =	vcvt.f32.s32 v6;
	v5 =	vshll.u32 v5, $0x1  }
0x298: {  	v3 =	vtrunc.f32 v3;
	v4 =	vcvt.f32.s32 v4;
	v16 =	vadd.s32 $0x1E, v5  }
0x299: {  	v3 =	vcvt.f32.s32 v3;
	v5 =	vadd.s32 $0x1F, v5;
	v6 =	vshll.u32 v6, $0x1  }
0x29a: {  	v8 =	vadd.s32 v8, v1;
	v4 =	vshll.u32 v4, $0x1;
	v17 =	vadd.s32 $0x1E, v6  }
0x29b: {  	v10 =	vadd.s32 v10, v1;
	v3 =	vshll.u32 v3, $0x1;
	v18 =	vadd.s32 $0x1E, v4  }
0x29c: {  	v1 =	vadd.s32 v15, v1;
	v11 =	vor.u32 v7, v11;
	v19 =	vadd.s32 $0x1E, v3  }
0x29d: {  	v13 =	vor.u32 v7, v13;
	v11 =	vor.u32 v0, v11;
	v4 =	vadd.s32 $0x1F, v4;
	v16 =	vld.idx.msk [tilespmem:v16+s28+$0x0], $0xffff  }
0x29e: {  	v8 =	vor.u32 v7, v8;
	v13 =	vor.u32 v59, v13;
	v6 =	vadd.s32 $0x1F, v6;
	v5 =	vld.idx.msk [tilespmem:v5+s28+$0x0], $0xffff  }
0x29f: {  	v10 =	vor.u32 v7, v10;
	v8 =	vor.u32 v0, v8;
	v3 =	vadd.s32 $0x1F, v3;
	v17 =	vld.idx.msk [tilespmem:v17+s28+$0x0], $0xffff  }
0x2a0: {  	v1 =	vor.u32 v7, v1;
	v10 =	vor.u32 v0, v10;
	v18 =	vld.idx.msk [tilespmem:v18+s28+$0x0], $0xffff  }
0x2a1: {  	v9 =	vadd.s32 v15, v9;
	v12 =	vor.u32 v7, v12;
	v61 =	vor.u32 v0, v1;
	v63 =	vld.idx.msk [tilespmem:v19+s28+$0x0], $0xffff  }
0x2a2: {  	v14 =	vor.u32 v7, v14;
	v12 =	vor.u32 v59, v12;
	v4 =	vld.idx.msk [tilespmem:v4+s28+$0x0], $0xffff;
	[tilespmem:v11+s1+$0x0] =	vst.idx.msk $0xffff, v16  }
0x2a3: {  	v62 =	vor.u32 v7, v9;
	v60 =	vor.u32 v59, v14;
	v6 =	vld.idx.msk [tilespmem:v6+s28+$0x0], $0xffff;
	[tilespmem:v13+s1+$0x0] =	vst.idx.msk $0xffff, v5  }
0x2a4: {  	v1 =	vor.u32 v59, v62;
	v3 =	vld.idx.msk [tilespmem:v3+s28+$0x0], $0xffff;
	[tilespmem:v8+s1+$0x0] =	vst.idx.msk $0xffff, v17  }
0x2a5: {  	[tilespmem:v10+s1+$0x0] =	vst.idx.msk $0xffff, v18  }
0x2a6: {  	[tilespmem:v61+s1+$0x0] =	vst.idx.msk $0xffff, v63  }
0x2a7: {  	[tilespmem:v12+s1+$0x0] =	vst.idx.msk $0xffff, v4  }
0x2a8: {  	[tilespmem:v60+s1+$0x0] =	vst.idx.msk $0xffff, v6  }
0x2a9: {  	s26 =	simm.s32 $0x0;
	[tilespmem:v1+s1+$0x0] =	vst.idx.msk $0xffff, v3  }
0x2aa: {  	[hbm4b:s14+s26] =	stream.linear.scatter [tilespmem:s1], [sflag:$0x3], $0x4000, $0x38;
	[tilespmem:$0xF580] =	vst v63  }
0x2ab: {  	_ =	swait.ge [sflag:s20], $0x4000  }
0x2ac: {  	[sflag:s20] =	ssyncset.done $0x0  }
0x2ad: {  	s3 =	simm.s32 $0x0;
	[sflag:s20] =	ssyncadd.s32 $0xFFFFC000  }
.LBB2_17:
0x2ae: {  	s4 =	sshra.s32 s3, $0x2  }
0x2af: {  	v0 =	vld [tilespmem:s4+$0xF080]  }
0x2b0: {  	v1 =	vld [tilespmem:s4+$0xF210];
	_ =	sdelay $0x3  }
0x2b1: {  	v2 =	vadd.s32 $0x40, v0  }
0x2b2: {  	v1 =	vshll.u32 v1, $0x7;
	v3 =	vand.u32 $0xFFFFFF80, v2  }
0x2b3: {  	v2 =	vand.u32 $0x7F, v2;
	v3 =	vadd.s32 v3, v1  }
0x2b4: {  	v54 =	vadd.s32 $0x48, v0;
	v5 =	vadd.s32 $0x50, v0;
	v2 =	vor.u32 v2, v3  }
0x2b5: {  	v6 =	vadd.s32 $0x58, v0;
	v4 =	vand.u32 $0xFFFFFF80, v54;
	v55 =	vand.u32 $0xFFFFFF80, v5  }
0x2b6: {  	v5 =	vand.u32 $0x7F, v5;
	v4 =	vadd.s32 v4, v1;
	v3 =	vand.u32 $0x7F, v54  }
0x2b7: {  	v7 =	vld [tilespmem:s4+$0xF3A0];
	v56 =	vand.u32 $0xFFFFFF80, v6;
	v3 =	vor.u32 v3, v4;
	v4 =	vadd.s32 v55, v1  }
0x2b8: {  	v6 =	vand.u32 $0x7F, v6;
	v1 =	vadd.s32 v56, v1;
	v4 =	vor.u32 v5, v4  }
0x2b9: {  	v1 =	vor.u32 v6, v1;
	v2 =	vld.idx.msk [tilespmem:v2+s26+$0x0], $0xffff;
	_ =	sdelay $0x2  }
0x2ba: {  	v57 =	vand.u32 $0x7F, v7;
	v58 =	vshll.u32 v0, $0x9;
	v8 =	vshll.u32 v7, $0x3;
	v3 =	vld.idx.msk [tilespmem:v3+s26+$0x0], $0xffff  }
0x2bb: {  	v0 =	vshll.u32 v0, $0x7;
	v7 =	vadd.s32 $0x1, v7;
	v8 =	vand.u32 $0xFFFFFC00, v8;
	v4 =	vld.idx.msk [tilespmem:v4+s26+$0x0], $0xffff  }
0x2bc: {  	v0 =	vand.u32 $0x380, v0;
	v10 =	vshll.u32 v7, $0x3;
	v1 =	vld.idx.msk [tilespmem:v1+s26+$0x0], $0xffff;
	v2 =	vmul.f32 $1.000000000e+01, v2  }
0x2bd: {  	v7 =	vand.u32 $0x7F, v7;
	v10 =	vand.u32 $0xFFFFFC00, v10;
	v6 =	vand.u32 $0xFFFFF000, v58  }
0x2be: {  	v9 =	vadd.s32 v6, v8;
	v12 =	vadd.s32 v6, v10;
	v2 =	vtrunc.f32 v2  }
0x2bf: {  	v13 =	vadd.s32 $0x1000, v6;
	v3 =	vmul.f32 $1.000000000e+01, v3;
	v2 =	vcvt.f32.s32 v2  }
0x2c0: {  	v60 =	vadd.s32 $0x2000, v6;
	v6 =	vadd.s32 $0x3000, v6;
	v4 =	vmul.f32 $1.000000000e+01, v4  }
0x2c1: {  	v1 =	vmul.f32 $1.000000000e+01, v1;
	v3 =	vtrunc.f32 v3;
	v2 =	vshll.u32 v2, $0x1  }
0x2c2: {  	v9 =	vor.u32 v0, v9;
	v3 =	vcvt.f32.s32 v3;
	v4 =	vtrunc.f32 v4  }
0x2c3: {  	v1 =	vtrunc.f32 v1;
	v4 =	vcvt.f32.s32 v4;
	v11 =	vor.u32 $0x1, v2  }
0x2c4: {  	v12 =	vor.u32 v0, v12;
	v1 =	vcvt.f32.s32 v1;
	v3 =	vshll.u32 v3, $0x1  }
0x2c5: {  	v15 =	vadd.s32 v13, v8;
	v13 =	vadd.s32 v13, v10;
	v4 =	vshll.u32 v4, $0x1  }
0x2c6: {  	v61 =	vadd.s32 v60, v8;
	v9 =	vor.u32 v57, v9;
	v1 =	vshll.u32 v1, $0x1;
	v2 =	vld.idx.msk [tilespmem:v2+s28+$0x0], $0xffff  }
0x2c7: {  	v8 =	vadd.s32 v6, v8;
	v12 =	vor.u32 v7, v12;
	v14 =	vor.u32 $0x1, v3  }
0x2c8: {  	v15 =	vor.u32 v0, v15;
	v59 =	vor.u32 v0, v13;
	v16 =	vor.u32 $0x1, v4;
	v11 =	vld.idx.msk [tilespmem:v11+s28+$0x0], $0xffff  }
0x2c9: {  	v13 =	vor.u32 v0, v61;
	v15 =	vor.u32 v57, v15;
	v17 =	vor.u32 $0x1, v1;
	v3 =	vld.idx.msk [tilespmem:v3+s28+$0x0], $0xffff  }
0x2ca: {  	v8 =	vor.u32 v0, v8;
	v13 =	vor.u32 v57, v13;
	v4 =	vld.idx.msk [tilespmem:v4+s28+$0x0], $0xffff  }
0x2cb: {  	v5 =	vor.u32 v57, v8;
	v1 =	vld.idx.msk [tilespmem:v1+s28+$0x0], $0xffff;
	[tilespmem:v9+s0+$0x0] =	vst.idx.msk $0xffff, v2;
	v9 =	vadd.s32 v60, v10  }
0x2cc: {  	v6 =	vadd.s32 v6, v10;
	v14 =	vld.idx.msk [tilespmem:v14+s28+$0x0], $0xffff;
	v2 =	vor.u32 v7, v59;
	v9 =	vor.u32 v0, v9  }
0x2cd: {  	v62 =	vld.idx.msk [tilespmem:v16+s28+$0x0], $0xffff;
	[tilespmem:v12+s0+$0x0] =	vst.idx.msk $0xffff, v11;
	v0 =	vor.u32 v0, v6;
	v9 =	vor.u32 v7, v9  }
0x2ce: {  	p0 =	sne.s32 s3, $0x600;
	v63 =	vld.idx.msk [tilespmem:v17+s28+$0x0], $0xffff;
	[tilespmem:v15+s0+$0x0] =	vst.idx.msk $0xffff, v3;
	v0 =	vor.u32 v7, v0  }
.Ltmp9:
0x2cf: {  	[tilespmem:v13+s0+$0x0] =	vst.idx.msk $0xffff, v4;
	(pc) =	sbr.rel @p0 .LBB2_17-.Ltmp9, $4  }
0x2d0: {  	[tilespmem:v5+s0+$0x0] =	vst.idx.msk $0xffff, v1  }
0x2d1: {  	[tilespmem:v2+s0+$0x0] =	vst.idx.msk $0xffff, v14  }
0x2d2: {  	[tilespmem:v9+s0+$0x0] =	vst.idx.msk $0xffff, v62  }
0x2d3: {  	s3 =	sadd.s32 $0x40, s3;
	[tilespmem:v0+s0+$0x0] =	vst.idx.msk $0xffff, v63  }
.LBB2_18:
0x2d4: {  	s3 =	sshra.s32 s26, $0x2  }
0x2d5: {  	v0 =	vld [tilespmem:s3+$0xF080]  }
0x2d6: {  	v1 =	vld [tilespmem:s3+$0xF210];
	_ =	sdelay $0x3  }
0x2d7: {  	v2 =	vadd.s32 $0x40, v0  }
0x2d8: {  	v1 =	vshll.u32 v1, $0x7;
	v54 =	vadd.s32 $0x48, v0;
	v55 =	vadd.s32 $0x50, v0  }
0x2d9: {  	v7 =	vadd.s32 $0x58, v0;
	v3 =	vand.u32 $0xFFFFFF80, v2;
	v2 =	vand.u32 $0x7F, v2  }
0x2da: {  	v4 =	vand.u32 $0xFFFFFF80, v54;
	v6 =	vand.u32 $0xFFFFFF80, v55;
	v3 =	vadd.s32 v3, v1  }
0x2db: {  	v56 =	vand.u32 $0xFFFFFF80, v7;
	v7 =	vand.u32 $0x7F, v7;
	v2 =	vor.u32 v2, v3  }
0x2dc: {  	v4 =	vadd.s32 v4, v1;
	v6 =	vadd.s32 v6, v1;
	v1 =	vadd.s32 v56, v1  }
0x2dd: {  	v5 =	vld [tilespmem:s3+$0xF3A0];
	v3 =	vand.u32 $0x7F, v54;
	v1 =	vor.u32 v7, v1  }
0x2de: {  	v3 =	vor.u32 v3, v4  }
0x2df: {  	v4 =	vand.u32 $0x7F, v55  }
0x2e0: {  	v4 =	vor.u32 v4, v6;
	v2 =	vld.idx.msk [tilespmem:v2+s21+$0x0], $0xffff;
	_ =	sdelay $0x1  }
0x2e1: {  	v57 =	vadd.s32 $0x64, v5;
	v8 =	vshll.u32 v0, $0x9;
	v0 =	vshll.u32 v0, $0x7;
	v1 =	vld.idx.msk [tilespmem:v1+s21+$0x0], $0xffff  }
0x2e2: {  	v5 =	vadd.s32 $0x65, v5;
	v9 =	vshll.u32 v57, $0x3;
	v8 =	vand.u32 $0xFFFFF000, v8;
	v3 =	vld.idx.msk [tilespmem:v3+s21+$0x0], $0xffff  }
0x2e3: {  	v0 =	vand.u32 $0x380, v0;
	v11 =	vshll.u32 v5, $0x3;
	v9 =	vand.u32 $0xFFFFFC00, v9  }
0x2e4: {  	v11 =	vand.u32 $0xFFFFFC00, v11;
	v14 =	vadd.s32 $0x1000, v8;
	v4 =	vld.idx.msk [tilespmem:v4+s21+$0x0], $0xffff;
	v2 =	vtrunc.f32 v2  }
0x2e5: {  	v60 =	vadd.s32 $0x2000, v8;
	v10 =	vadd.s32 v8, v9;
	v2 =	vcvt.f32.s32 v2  }
0x2e6: {  	v12 =	vadd.s32 v8, v11;
	v15 =	vadd.s32 v14, v9;
	v1 =	vtrunc.f32 v1  }
0x2e7: {  	v3 =	vtrunc.f32 v3;
	v1 =	vcvt.f32.s32 v1;
	v2 =	vshll.u32 v2, $0x1  }
0x2e8: {  	v17 =	vadd.s32 v60, v9;
	v3 =	vcvt.f32.s32 v3;
	v58 =	vadd.s32 $0x16, v2  }
0x2e9: {  	v4 =	vtrunc.f32 v4;
	v1 =	vshll.u32 v1, $0x1;
	v2 =	vadd.s32 $0x17, v2  }
0x2ea: {  	v8 =	vadd.s32 $0x3000, v8;
	v4 =	vcvt.f32.s32 v4;
	v61 =	vadd.s32 $0x16, v1  }
0x2eb: {  	v10 =	vor.u32 v0, v10;
	v3 =	vshll.u32 v3, $0x1;
	v1 =	vadd.s32 $0x17, v1  }
0x2ec: {  	v6 =	vand.u32 $0x7F, v57;
	v13 =	vadd.s32 $0x16, v3;
	v4 =	vshll.u32 v4, $0x1  }
0x2ed: {  	v9 =	vadd.s32 v8, v9;
	v10 =	vor.u32 v6, v10;
	v16 =	vadd.s32 $0x16, v4;
	v7 =	vld.idx.msk [tilespmem:v58+s28+$0x0], $0xffff  }
0x2ee: {  	v5 =	vand.u32 $0x7F, v5;
	v9 =	vor.u32 v0, v9;
	v3 =	vadd.s32 $0x17, v3;
	v2 =	vld.idx.msk [tilespmem:v2+s28+$0x0], $0xffff  }
0x2ef: {  	v12 =	vor.u32 v0, v12;
	v62 =	vor.u32 v6, v9;
	v4 =	vadd.s32 $0x17, v4;
	v63 =	vld.idx.msk [tilespmem:v61+s28+$0x0], $0xffff  }
0x2f0: {  	v14 =	vadd.s32 v14, v11;
	v15 =	vor.u32 v0, v15;
	v12 =	vor.u32 v5, v12;
	v1 =	vld.idx.msk [tilespmem:v1+s28+$0x0], $0xffff  }
0x2f1: {  	v59 =	vor.u32 v0, v14;
	v17 =	vor.u32 v0, v17;
	v15 =	vor.u32 v6, v15;
	v13 =	vld.idx.msk [tilespmem:v13+s28+$0x0], $0xffff  }
0x2f2: {  	v17 =	vor.u32 v6, v17;
	v16 =	vld.idx.msk [tilespmem:v16+s28+$0x0], $0xffff;
	[tilespmem:v10+s0+$0x0] =	vst.idx.msk $0xffff, v7;
	v10 =	vadd.s32 v60, v11  }
0x2f3: {  	v8 =	vadd.s32 v8, v11;
	v3 =	vld.idx.msk [tilespmem:v3+s28+$0x0], $0xffff;
	v7 =	vor.u32 v5, v59;
	v10 =	vor.u32 v0, v10  }
0x2f4: {  	v4 =	vld.idx.msk [tilespmem:v4+s28+$0x0], $0xffff;
	[tilespmem:v62+s0+$0x0] =	vst.idx.msk $0xffff, v63;
	v0 =	vor.u32 v0, v8;
	v10 =	vor.u32 v5, v10  }
0x2f5: {  	p0 =	sne.s32 s26, $0x600;
	[tilespmem:v12+s0+$0x0] =	vst.idx.msk $0xffff, v2;
	v0 =	vor.u32 v5, v0  }
.Ltmp10:
0x2f6: {  	[tilespmem:v15+s0+$0x0] =	vst.idx.msk $0xffff, v13;
	(pc) =	sbr.rel @p0 .LBB2_18-.Ltmp10, $4  }
0x2f7: {  	[tilespmem:v17+s0+$0x0] =	vst.idx.msk $0xffff, v16  }
0x2f8: {  	[tilespmem:v7+s0+$0x0] =	vst.idx.msk $0xffff, v3  }
0x2f9: {  	[tilespmem:v10+s0+$0x0] =	vst.idx.msk $0xffff, v4  }
0x2fa: {  	s26 =	sadd.s32 $0x40, s26;
	[tilespmem:v0+s0+$0x0] =	vst.idx.msk $0xffff, v1  }
0x2fb: {  	s30 =	simm.s32 $0x0  }
0x2fc: {  	v0 =	vld [tilespmem:s30+$0xF210]  }
0x2fd: {  	v3 =	vld [tilespmem:s30+$0xF080];
	_ =	sdelay $0x4  }
0x2fe: {  	v0 =	vshll.u32 v0, $0x7;
	v1 =	vadd.s32 $0x40, v3  }
0x2ff: {  	v5 =	vld [tilespmem:s30+$0xF3A0];
	v2 =	vadd.s32 $0x50, v3;
	v4 =	vadd.s32 $0x58, v3;
	v6 =	vand.u32 $0xFFFFFF80, v1  }
0x300: {  	v7 =	vand.u32 $0xFFFFFF80, v4;
	v1 =	vand.u32 $0x7F, v1;
	v8 =	vand.u32 $0x7F, v2  }
0x301: {  	v2 =	vand.u32 $0xFFFFFF80, v2;
	v4 =	vand.u32 $0x7F, v4;
	v6 =	vadd.s32 v6, v0  }
0x302: {  	v7 =	vadd.s32 v7, v0;
	v2 =	vadd.s32 v2, v0;
	v1 =	vor.u32 v1, v6  }
0x303: {  	v6 =	vadd.s32 $0x48, v3;
	v4 =	vor.u32 v4, v7;
	v7 =	vshll.u32 v3, $0x9  }
0x304: {  	v8 =	vor.u32 v8, v2;
	v2 =	vadd.s32 $0xC9, v5;
	v9 =	vand.u32 $0xFFFFFF80, v6  }
0x305: {  	v3 =	vshll.u32 v3, $0x7;
	v6 =	vand.u32 $0x7F, v6;
	v9 =	vadd.s32 v9, v0  }
0x306: {  	v0 =	vand.u32 $0x7F, v2;
	v9 =	vor.u32 v6, v9;
	v6 =	vadd.s32 $0xC8, v5  }
0x307: {  	v5 =	vshll.u32 v2, $0x3;
	v2 =	vand.u32 $0xFFFFF000, v7;
	v7 =	vshll.u32 v6, $0x3;
	v11 =	vld.idx.msk [tilespmem:v1+s23+$0x0], $0xffff  }
0x308: {  	v1 =	vand.u32 $0xFFFFFC00, v5;
	v12 =	vld.idx.msk [tilespmem:v4+s23+$0x0], $0xffff;
	v5 =	vand.u32 $0xFFFFFC00, v7;
	v7 =	vadd.s32 $0x3000, v2  }
0x309: {  	v6 =	vand.u32 $0x7F, v6;
	v8 =	vld.idx.msk [tilespmem:v8+s23+$0x0], $0xffff;
	v4 =	vand.u32 $0x380, v3;
	v3 =	vadd.s32 v7, v5  }
0x30a: {  	v7 =	vadd.s32 v7, v1;
	v10 =	vadd.s32 v2, v5;
	v3 =	vor.u32 v4, v3  }
0x30b: {  	v13 =	vor.u32 v4, v7;
	v14 =	vld.idx.msk [tilespmem:v9+s23+$0x0], $0xffff;
	v9 =	vadd.s32 v2, v1;
	v7 =	vor.u32 v6, v3  }
0x30c: {  	v3 =	vor.u32 v0, v13;
	v15 =	vtrunc.f32 v11;
	v11 =	vadd.s32 $0x2000, v2  }
0x30d: {  	v12 =	vtrunc.f32 v12;
	v13 =	vcvt.f32.s32 v15;
	v15 =	vadd.s32 v11, v5  }
0x30e: {  	v8 =	vtrunc.f32 v8;
	v12 =	vcvt.f32.s32 v12;
	v15 =	vor.u32 v4, v15  }
0x30f: {  	v18 =	vshll.u32 v13, $0x1;
	v13 =	vcvt.f32.s32 v8;
	v8 =	vor.u32 v6, v15  }
0x310: {  	v14 =	vtrunc.f32 v14;
	v12 =	vshll.u32 v12, $0x1;
	v15 =	vadd.s32 $0x1A, v18  }
0x311: {  	v17 =	vcvt.f32.s32 v14;
	v16 =	vadd.s32 $0x1A, v12;
	v13 =	vshll.u32 v13, $0x1  }
0x312: {  	s26 =	simm.s32 $0x40;
	s4 =	simm.s32 $0x80;
	s3 =	simm.s32 $0x10;
	v12 =	vadd.s32 $0x1B, v12;
	v14 =	vadd.s32 $0x1A, v13;
	v13 =	vadd.s32 $0x1B, v13  }
.LBB2_20:
0x313: {  	p0 =	sne.s32 s4, $0x600;
	v18 =	vadd.s32 $0x1B, v18;
	v9 =	vor.u32 v4, v9;
	v11 =	vadd.s32 v11, v1;
	s6 =	smov.u32 s4;
	s4 =	sadd.s32 $0x40, s4  }
0x314: {  	v10 =	vor.u32 v4, v10;
	v9 =	vor.u32 v0, v9;
	v11 =	vor.u32 v4, v11  }
0x315: {  	v17 =	vshll.u32 v17, $0x1;
	v10 =	vor.u32 v6, v10;
	v15 =	vld.idx.msk [tilespmem:v15+s28+$0x0], $0xffff;
	v11 =	vor.u32 v0, v11  }
0x316: {  	v2 =	vadd.s32 $0x1000, v2;
	v19 =	vadd.s32 $0x1A, v17;
	v17 =	vadd.s32 $0x1B, v17;
	v16 =	vld.idx.msk [tilespmem:v16+s28+$0x0], $0xffff  }
0x317: {  	v5 =	vadd.s32 v2, v5;
	v1 =	vadd.s32 v2, v1;
	v2 =	vld.idx.msk [tilespmem:v14+s28+$0x0], $0xffff  }
0x318: {  	v5 =	vor.u32 v4, v5;
	v1 =	vor.u32 v4, v1;
	v4 =	vld.idx.msk [tilespmem:v13+s28+$0x0], $0xffff  }
0x319: {  	v5 =	vor.u32 v6, v5;
	v0 =	vor.u32 v0, v1;
	v1 =	vld.idx.msk [tilespmem:v12+s28+$0x0], $0xffff  }
0x31a: {  	s6 =	sshra.s32 s6, $0x2;
	v6 =	vld.idx.msk [tilespmem:v18+s28+$0x0], $0xffff  }
0x31b: {  	[tilespmem:v10+s0+$0x0] =	vst.idx.msk $0xffff, v15;
	v10 =	vld.idx.msk [tilespmem:v19+s28+$0x0], $0xffff  }
0x31c: {  	v12 =	vld.idx.msk [tilespmem:v17+s28+$0x0], $0xffff;
	[tilespmem:v7+s0+$0x0] =	vst.idx.msk $0xffff, v16  }
0x31d: {  	[tilespmem:v8+s0+$0x0] =	vst.idx.msk $0xffff, v2  }
0x31e: {  	[tilespmem:v11+s0+$0x0] =	vst.idx.msk $0xffff, v4  }
0x31f: {  	[tilespmem:v3+s0+$0x0] =	vst.idx.msk $0xffff, v1  }
0x320: {  	[tilespmem:v9+s0+$0x0] =	vst.idx.msk $0xffff, v6  }
0x321: {  	[tilespmem:v5+s0+$0x0] =	vst.idx.msk $0xffff, v10  }
0x322: {  	[tilespmem:v0+s0+$0x0] =	vst.idx.msk $0xffff, v12  }
0x323: {  	v0 =	vld [tilespmem:s3+$0xF210]  }
0x324: {  	v3 =	vld [tilespmem:s3+$0xF080];
	_ =	sdelay $0x3  }
0x325: {  	v0 =	vshll.u32 v0, $0x7  }
0x326: {  	v1 =	vadd.s32 $0x40, v3;
	v2 =	vadd.s32 $0x50, v3;
	v4 =	vadd.s32 $0x58, v3  }
0x327: {  	v5 =	vld [tilespmem:s3+$0xF3A0];
	v6 =	vand.u32 $0xFFFFFF80, v1;
	v7 =	vand.u32 $0x7F, v2;
	v8 =	vand.u32 $0xFFFFFF80, v4;
	s3 =	smov.u32 s6  }
0x328: {  	v1 =	vand.u32 $0x7F, v1;
	v6 =	vadd.s32 v6, v0;
	v8 =	vadd.s32 v8, v0  }
0x329: {  	v2 =	vand.u32 $0xFFFFFF80, v2;
	v4 =	vand.u32 $0x7F, v4;
	v1 =	vor.u32 v1, v6  }
0x32a: {  	v2 =	vadd.s32 v2, v0;
	v6 =	vadd.s32 $0x48, v3;
	v4 =	vor.u32 v4, v8  }
0x32b: {  	v8 =	vshll.u32 v3, $0x9;
	v7 =	vor.u32 v7, v2;
	v9 =	vand.u32 $0xFFFFFF80, v6  }
0x32c: {  	v6 =	vand.u32 $0x7F, v6;
	v9 =	vadd.s32 v9, v0;
	v2 =	vadd.s32 $0xC9, v5  }
0x32d: {  	v9 =	vor.u32 v6, v9;
	v0 =	vand.u32 $0x7F, v2  }
0x32e: {  	v6 =	vadd.s32 $0xC8, v5;
	v11 =	vld.idx.msk [tilespmem:v1+s23+$0x0], $0xffff;
	v1 =	vshll.u32 v2, $0x3  }
0x32f: {  	v5 =	vshll.u32 v6, $0x3;
	v2 =	vand.u32 $0xFFFFF000, v8;
	v1 =	vand.u32 $0xFFFFFC00, v1;
	v8 =	vld.idx.msk [tilespmem:v4+s23+$0x0], $0xffff  }
0x330: {  	v3 =	vshll.u32 v3, $0x7;
	v5 =	vand.u32 $0xFFFFFC00, v5;
	v12 =	vld.idx.msk [tilespmem:v7+s23+$0x0], $0xffff;
	v7 =	vadd.s32 $0x3000, v2  }
0x331: {  	v4 =	vand.u32 $0x380, v3;
	v3 =	vadd.s32 v7, v5;
	v7 =	vadd.s32 v7, v1  }
0x332: {  	v6 =	vand.u32 $0x7F, v6;
	v13 =	vld.idx.msk [tilespmem:v9+s23+$0x0], $0xffff;
	v3 =	vor.u32 v4, v3;
	v14 =	vor.u32 v4, v7  }
0x333: {  	v10 =	vadd.s32 v2, v5;
	v9 =	vadd.s32 v2, v1;
	v7 =	vor.u32 v6, v3  }
0x334: {  	v15 =	vtrunc.f32 v11;
	v11 =	vadd.s32 $0x2000, v2;
	v3 =	vor.u32 v0, v14  }
0x335: {  	v14 =	vcvt.f32.s32 v15;
	v15 =	vadd.s32 v11, v5;
	v8 =	vtrunc.f32 v8  }
.Ltmp11:
0x336: {  	v12 =	vtrunc.f32 v12;
	v15 =	vor.u32 v4, v15;
	v16 =	vcvt.f32.s32 v8;
	(pc) =	sbr.rel @p0 .LBB2_20-.Ltmp11, $4  }
0x337: {  	v18 =	vshll.u32 v14, $0x1;
	v12 =	vcvt.f32.s32 v12;
	v8 =	vor.u32 v6, v15  }
0x338: {  	v15 =	vadd.s32 $0x1A, v18;
	v13 =	vtrunc.f32 v13;
	v19 =	vshll.u32 v16, $0x1  }
0x339: {  	v17 =	vcvt.f32.s32 v13;
	v12 =	vshll.u32 v12, $0x1;
	v16 =	vadd.s32 $0x1A, v19  }
0x33a: {  	v14 =	vadd.s32 $0x1A, v12;
	v13 =	vadd.s32 $0x1B, v12;
	v12 =	vadd.s32 $0x1B, v19  }
0x33b: {  	_ =	sdelay $0x3  }
0x33c: {  	v18 =	vadd.s32 $0x1B, v18;
	v17 =	vshll.u32 v17, $0x1;
	v16 =	vld.idx.msk [tilespmem:v16+s28+$0x0], $0xffff  }
0x33d: {  	v10 =	vor.u32 v4, v10;
	v14 =	vld.idx.msk [tilespmem:v14+s28+$0x0], $0xffff;
	v19 =	vadd.s32 $0x1A, v17  }
0x33e: {  	v15 =	vld.idx.msk [tilespmem:v15+s28+$0x0], $0xffff;
	v11 =	vadd.s32 v11, v1;
	v10 =	vor.u32 v6, v10;
	v17 =	vadd.s32 $0x1B, v17  }
0x33f: {  	v9 =	vor.u32 v4, v9;
	v2 =	vadd.s32 $0x1000, v2;
	v12 =	vld.idx.msk [tilespmem:v12+s28+$0x0], $0xffff;
	v11 =	vor.u32 v4, v11  }
0x340: {  	v13 =	vld.idx.msk [tilespmem:v13+s28+$0x0], $0xffff;
	v9 =	vor.u32 v0, v9;
	v5 =	vadd.s32 v2, v5;
	v11 =	vor.u32 v0, v11  }
0x341: {  	v1 =	vadd.s32 v2, v1;
	v2 =	vor.u32 v4, v5;
	v18 =	vld.idx.msk [tilespmem:v18+s28+$0x0], $0xffff;
	[tilespmem:v7+s0+$0x0] =	vst.idx.msk $0xffff, v16  }
0x342: {  	v1 =	vor.u32 v4, v1;
	v2 =	vor.u32 v6, v2;
	[tilespmem:v8+s0+$0x0] =	vst.idx.msk $0xffff, v14;
	v4 =	vld.idx.msk [tilespmem:v19+s28+$0x0], $0xffff  }
0x343: {  	v0 =	vor.u32 v0, v1;
	[tilespmem:v10+s0+$0x0] =	vst.idx.msk $0xffff, v15;
	v1 =	vld.idx.msk [tilespmem:v17+s28+$0x0], $0xffff  }
0x344: {  	[tilespmem:v3+s0+$0x0] =	vst.idx.msk $0xffff, v12  }
0x345: {  	[tilespmem:v11+s0+$0x0] =	vst.idx.msk $0xffff, v13  }
0x346: {  	[tilespmem:v9+s0+$0x0] =	vst.idx.msk $0xffff, v18  }
0x347: {  	[tilespmem:v2+s0+$0x0] =	vst.idx.msk $0xffff, v4  }
0x348: {  	[tilespmem:v0+s0+$0x0] =	vst.idx.msk $0xffff, v1  }
0x349: {  	v0 =	vld [tilespmem:s3+$0xF210]  }
0x34a: {  	v1 =	vld [tilespmem:s3+$0xF080];
	_ =	sdelay $0x4  }
0x34b: {  	v0 =	vshll.u32 v0, $0x7;
	v2 =	vadd.s32 $0x40, v1  }
0x34c: {  	v3 =	vadd.s32 $0x58, v1;
	v4 =	vadd.s32 $0x50, v1;
	v5 =	vand.u32 $0xFFFFFF80, v2  }
0x34d: {  	v6 =	vand.u32 $0xFFFFFF80, v3;
	v2 =	vand.u32 $0x7F, v2;
	v5 =	vadd.s32 v5, v0  }
0x34e: {  	v3 =	vand.u32 $0x7F, v3;
	v6 =	vadd.s32 v6, v0;
	v2 =	vor.u32 v2, v5  }
0x34f: {  	v5 =	vand.u32 $0xFFFFFF80, v4;
	v3 =	vor.u32 v3, v6  }
0x350: {  	v4 =	vand.u32 $0x7F, v4;
	v6 =	vld [tilespmem:s3+$0xF3A0];
	v5 =	vadd.s32 v5, v0  }
0x351: {  	v4 =	vor.u32 v4, v5;
	v5 =	vadd.s32 $0x48, v1  }
0x352: {  	v8 =	vshll.u32 v1, $0x9;
	v7 =	vand.u32 $0xFFFFFF80, v5  }
0x353: {  	v8 =	vand.u32 $0xFFFFF000, v8;
	v5 =	vand.u32 $0x7F, v5;
	v0 =	vadd.s32 v7, v0;
	v2 =	vld.idx.msk [tilespmem:v2+s23+$0x0], $0xffff  }
0x354: {  	v10 =	vadd.s32 $0x3000, v8;
	v3 =	vld.idx.msk [tilespmem:v3+s23+$0x0], $0xffff;
	v0 =	vor.u32 v5, v0  }
0x355: {  	v61 =	vadd.s32 $0x2000, v8;
	v1 =	vshll.u32 v1, $0x7;
	v7 =	vadd.s32 $0xC9, v6  }
0x356: {  	v1 =	vand.u32 $0x380, v1;
	v5 =	vadd.s32 $0xC8, v6;
	v6 =	vand.u32 $0x7F, v7  }
0x357: {  	v7 =	vshll.u32 v7, $0x3;
	v9 =	vshll.u32 v5, $0x3;
	v5 =	vand.u32 $0x7F, v5;
	v4 =	vld.idx.msk [tilespmem:v4+s23+$0x0], $0xffff  }
0x358: {  	v7 =	vand.u32 $0xFFFFFC00, v7;
	v9 =	vand.u32 $0xFFFFFC00, v9;
	v2 =	vtrunc.f32 v2  }
0x359: {  	v11 =	vadd.s32 v10, v9;
	v3 =	vtrunc.f32 v3;
	v0 =	vld.idx.msk [tilespmem:v0+s23+$0x0], $0xffff;
	v2 =	vcvt.f32.s32 v2  }
0x35a: {  	v10 =	vadd.s32 v10, v7;
	v58 =	vadd.s32 v8, v9;
	v3 =	vcvt.f32.s32 v3  }
0x35b: {  	v60 =	vadd.s32 v8, v7;
	v62 =	vadd.s32 v61, v9;
	v2 =	vshll.u32 v2, $0x1  }
0x35c: {  	v4 =	vtrunc.f32 v4;
	v3 =	vshll.u32 v3, $0x1;
	v56 =	vadd.s32 $0x1A, v2  }
0x35d: {  	v17 =	vadd.s32 v61, v7;
	v4 =	vcvt.f32.s32 v4;
	v57 =	vadd.s32 $0x1A, v3  }
0x35e: {  	v8 =	vadd.s32 $0x1000, v8;
	v3 =	vadd.s32 $0x1B, v3;
	v0 =	vtrunc.f32 v0  }
0x35f: {  	v2 =	vadd.s32 $0x1B, v2;
	v4 =	vshll.u32 v4, $0x1;
	v0 =	vcvt.f32.s32 v0  }
0x360: {  	v11 =	vor.u32 v1, v11;
	v14 =	vor.u32 v1, v58;
	v59 =	vadd.s32 $0x1A, v4  }
0x361: {  	v14 =	vor.u32 v5, v14;
	v4 =	vadd.s32 $0x1B, v4;
	v0 =	vshll.u32 v0, $0x1;
	v12 =	vld.idx.msk [tilespmem:v56+s28+$0x0], $0xffff  }
0x362: {  	v10 =	vor.u32 v1, v10;
	v11 =	vor.u32 v5, v11;
	v13 =	vld.idx.msk [tilespmem:v57+s28+$0x0], $0xffff;
	v63 =	vadd.s32 $0x1A, v0  }
0x363: {  	v16 =	vor.u32 v1, v60;
	v10 =	vor.u32 v6, v10;
	v0 =	vadd.s32 $0x1B, v0;
	v3 =	vld.idx.msk [tilespmem:v3+s28+$0x0], $0xffff  }
0x364: {  	v18 =	vor.u32 v1, v62;
	v17 =	vor.u32 v1, v17;
	v16 =	vor.u32 v6, v16;
	v2 =	vld.idx.msk [tilespmem:v2+s28+$0x0], $0xffff  }
0x365: {  	v9 =	vadd.s32 v8, v9;
	v7 =	vadd.s32 v8, v7;
	v18 =	vor.u32 v5, v18;
	v15 =	vld.idx.msk [tilespmem:v59+s28+$0x0], $0xffff  }
0x366: {  	v17 =	vor.u32 v6, v17;
	v8 =	vor.u32 v1, v9;
	v4 =	vld.idx.msk [tilespmem:v4+s28+$0x0], $0xffff;
	[tilespmem:v14+s0+$0x0] =	vst.idx.msk $0xffff, v12  }
0x367: {  	v1 =	vor.u32 v1, v7;
	v5 =	vor.u32 v5, v8;
	v7 =	vld.idx.msk [tilespmem:v63+s28+$0x0], $0xffff;
	[tilespmem:v11+s0+$0x0] =	vst.idx.msk $0xffff, v13  }
0x368: {  	v1 =	vor.u32 v6, v1;
	v0 =	vld.idx.msk [tilespmem:v0+s28+$0x0], $0xffff;
	[tilespmem:v10+s0+$0x0] =	vst.idx.msk $0xffff, v3  }
0x369: {  	[tilespmem:v16+s0+$0x0] =	vst.idx.msk $0xffff, v2  }
0x36a: {  	[tilespmem:v18+s0+$0x0] =	vst.idx.msk $0xffff, v15  }
0x36b: {  	[tilespmem:v17+s0+$0x0] =	vst.idx.msk $0xffff, v4  }
0x36c: {  	[tilespmem:v5+s0+$0x0] =	vst.idx.msk $0xffff, v7  }
0x36d: {  	[tilespmem:v1+s0+$0x0] =	vst.idx.msk $0xffff, v0  }
0x36e: {  	v5 =	vld [tilespmem:s30+$0xF080]  }
0x36f: {  	v0 =	vld [tilespmem:s30+$0xF210];
	_ =	sdelay $0x3  }
0x370: {  	v1 =	vadd.s32 $0x40, v5;
	v2 =	vadd.s32 $0x50, v5;
	v3 =	vadd.s32 $0x58, v5  }
0x371: {  	v0 =	vshll.u32 v0, $0x7;
	v4 =	vand.u32 $0xFFFFFF80, v3;
	v3 =	vand.u32 $0x7F, v3  }
0x372: {  	v7 =	vld [tilespmem:s30+$0xF3A0];
	v6 =	vand.u32 $0xFFFFFF80, v2;
	v9 =	vand.u32 $0x7F, v2;
	v2 =	vadd.s32 v4, v0  }
0x373: {  	v8 =	vshll.u32 v5, $0x9;
	v4 =	vadd.s32 $0x48, v5;
	v11 =	vor.u32 v3, v2  }
0x374: {  	v10 =	vadd.s32 v6, v0;
	v2 =	vand.u32 $0xFFFFFF80, v1;
	v1 =	vand.u32 $0x7F, v1  }
0x375: {  	v3 =	vand.u32 $0xFFFFFF80, v4;
	v4 =	vand.u32 $0x7F, v4;
	v2 =	vadd.s32 v2, v0  }
0x376: {  	v0 =	vadd.s32 v3, v0;
	v3 =	vor.u32 v9, v10;
	v6 =	vor.u32 v1, v2  }
0x377: {  	v2 =	vadd.s32 $0x12D, v7;
	v4 =	vor.u32 v4, v0;
	v1 =	vadd.s32 $0x12C, v7  }
0x378: {  	v7 =	vshll.u32 v5, $0x7;
	v0 =	vand.u32 $0x7F, v1;
	v1 =	vshll.u32 v1, $0x3;
	v5 =	vld.idx.msk [tilespmem:v11+s25+$0x0], $0xffff  }
.LBB2_22:
0x379: {  	p0 =	sne.s32 s26, $0x600;
	s3 =	smov.u32 s26;
	s26 =	sadd.s32 $0x40, s26  }
0x37a: {  	v8 =	vand.u32 $0xFFFFF000, v8;
	v9 =	vshll.u32 v2, $0x3  }
0x37b: {  	v9 =	vand.u32 $0xFFFFFC00, v9;
	v10 =	vadd.s32 $0x1000, v8;
	v11 =	vadd.s32 $0x3000, v8;
	v6 =	vld.idx.msk [tilespmem:v6+s25+$0x0], $0xffff  }
0x37c: {  	v7 =	vand.u32 $0x380, v7;
	v12 =	vadd.s32 v10, v9;
	v13 =	vadd.s32 v11, v9;
	v4 =	vld.idx.msk [tilespmem:v4+s25+$0x0], $0xffff  }
0x37d: {  	v14 =	vadd.s32 v8, v9;
	v12 =	vor.u32 v7, v12;
	v13 =	vor.u32 v7, v13;
	v3 =	vld.idx.msk [tilespmem:v3+s25+$0x0], $0xffff  }
0x37e: {  	v14 =	vor.u32 v7, v14;
	v5 =	vmul.f32 $1.000000000e+01, v5;
	_ =	sdelay $0x1  }
0x37f: {  	s3 =	sshra.s32 s3, $0x2;
	v5 =	vtrunc.f32 v5  }
0x380: {  	v2 =	vand.u32 $0x7F, v2;
	v6 =	vmul.f32 $1.000000000e+01, v6;
	v5 =	vcvt.f32.s32 v5  }
0x381: {  	v15 =	vadd.s32 $0x2000, v8;
	v13 =	vor.u32 v2, v13;
	v4 =	vmul.f32 $1.000000000e+01, v4  }
0x382: {  	v6 =	vtrunc.f32 v6;
	v3 =	vmul.f32 $1.000000000e+01, v3;
	v5 =	vshll.u32 v5, $0x1  }
0x383: {  	v6 =	vcvt.f32.s32 v6;
	v4 =	vtrunc.f32 v4;
	v16 =	vadd.s32 $0x1E, v5  }
0x384: {  	v5 =	vadd.s32 $0x1F, v5;
	v4 =	vcvt.f32.s32 v4;
	v3 =	vtrunc.f32 v3  }
0x385: {  	v1 =	vand.u32 $0xFFFFFC00, v1;
	v6 =	vshll.u32 v6, $0x1;
	v3 =	vcvt.f32.s32 v3  }
0x386: {  	v11 =	vadd.s32 v11, v1;
	v17 =	vadd.s32 $0x1E, v6;
	v4 =	vshll.u32 v4, $0x1  }
0x387: {  	v18 =	vadd.s32 $0x1E, v4;
	v4 =	vadd.s32 $0x1F, v4;
	v3 =	vshll.u32 v3, $0x1  }
0x388: {  	v11 =	vor.u32 v7, v11;
	v19 =	vadd.s32 $0x1E, v3;
	v3 =	vadd.s32 $0x1F, v3;
	v16 =	vld.idx.msk [tilespmem:v16+s28+$0x0], $0xffff  }
0x389: {  	v8 =	vadd.s32 v8, v1;
	v11 =	vor.u32 v0, v11;
	v6 =	vadd.s32 $0x1F, v6;
	v5 =	vld.idx.msk [tilespmem:v5+s28+$0x0], $0xffff  }
0x38a: {  	v10 =	vadd.s32 v10, v1;
	v1 =	vadd.s32 v15, v1;
	v8 =	vor.u32 v7, v8  }
0x38b: {  	v10 =	vor.u32 v7, v10;
	v1 =	vor.u32 v7, v1;
	v8 =	vor.u32 v0, v8;
	v17 =	vld.idx.msk [tilespmem:v17+s28+$0x0], $0xffff  }
0x38c: {  	v10 =	vor.u32 v0, v10;
	v0 =	vor.u32 v0, v1;
	v1 =	vadd.s32 v15, v9;
	v18 =	vld.idx.msk [tilespmem:v18+s28+$0x0], $0xffff  }
0x38d: {  	v9 =	vor.u32 v2, v12;
	v1 =	vor.u32 v7, v1;
	v4 =	vld.idx.msk [tilespmem:v4+s28+$0x0], $0xffff  }
0x38e: {  	v6 =	vld.idx.msk [tilespmem:v6+s28+$0x0], $0xffff;
	[tilespmem:v11+s0+$0x0] =	vst.idx.msk $0xffff, v16  }
0x38f: {  	v7 =	vor.u32 v2, v14;
	v11 =	vld.idx.msk [tilespmem:v19+s28+$0x0], $0xffff;
	[tilespmem:v13+s0+$0x0] =	vst.idx.msk $0xffff, v5  }
0x390: {  	v3 =	vld.idx.msk [tilespmem:v3+s28+$0x0], $0xffff  }
0x391: {  	v1 =	vor.u32 v2, v1;
	[tilespmem:v8+s0+$0x0] =	vst.idx.msk $0xffff, v17  }
0x392: {  	[tilespmem:v10+s0+$0x0] =	vst.idx.msk $0xffff, v18  }
0x393: {  	[tilespmem:v9+s0+$0x0] =	vst.idx.msk $0xffff, v4  }
0x394: {  	[tilespmem:v7+s0+$0x0] =	vst.idx.msk $0xffff, v6  }
0x395: {  	[tilespmem:v0+s0+$0x0] =	vst.idx.msk $0xffff, v11  }
0x396: {  	[tilespmem:v1+s0+$0x0] =	vst.idx.msk $0xffff, v3  }
0x397: {  	v5 =	vld [tilespmem:s3+$0xF080]  }
0x398: {  	v0 =	vld [tilespmem:s3+$0xF210];
	_ =	sdelay $0x3  }
0x399: {  	v1 =	vadd.s32 $0x40, v5;
	v2 =	vadd.s32 $0x50, v5;
	v3 =	vadd.s32 $0x58, v5  }
0x39a: {  	v7 =	vld [tilespmem:s3+$0xF3A0];
	v0 =	vshll.u32 v0, $0x7;
	v4 =	vand.u32 $0xFFFFFF80, v3;
	v3 =	vand.u32 $0x7F, v3  }
0x39b: {  	v6 =	vand.u32 $0xFFFFFF80, v2;
	v9 =	vand.u32 $0x7F, v2;
	v2 =	vadd.s32 v4, v0  }
0x39c: {  	v4 =	vadd.s32 $0x48, v5;
	v10 =	vadd.s32 v6, v0;
	v11 =	vor.u32 v3, v2  }
.Ltmp12:
0x39d: {  	v2 =	vand.u32 $0xFFFFFF80, v1;
	v1 =	vand.u32 $0x7F, v1;
	v3 =	vand.u32 $0xFFFFFF80, v4;
	(pc) =	sbr.rel @p0 .LBB2_22-.Ltmp12, $4  }
0x39e: {  	v4 =	vand.u32 $0x7F, v4;
	v2 =	vadd.s32 v2, v0;
	v0 =	vadd.s32 v3, v0  }
0x39f: {  	v6 =	vor.u32 v1, v2;
	v4 =	vor.u32 v4, v0;
	v2 =	vadd.s32 $0x12D, v7  }
0x3a0: {  	v8 =	vshll.u32 v5, $0x9;
	v3 =	vor.u32 v9, v10;
	v1 =	vadd.s32 $0x12C, v7  }
0x3a1: {  	v7 =	vshll.u32 v5, $0x7;
	v0 =	vand.u32 $0x7F, v1;
	v1 =	vshll.u32 v1, $0x3;
	v5 =	vld.idx.msk [tilespmem:v11+s25+$0x0], $0xffff  }
0x3a2: {  	_ =	sdelay $0x3  }
0x3a3: {  	v6 =	vld.idx.msk [tilespmem:v6+s25+$0x0], $0xffff  }
0x3a4: {  	v8 =	vand.u32 $0xFFFFF000, v8;
	v9 =	vshll.u32 v2, $0x3;
	v4 =	vld.idx.msk [tilespmem:v4+s25+$0x0], $0xffff  }
0x3a5: {  	v3 =	vld.idx.msk [tilespmem:v3+s25+$0x0], $0xffff;
	v7 =	vand.u32 $0x380, v7;
	v59 =	vand.u32 $0x7F, v2;
	v1 =	vand.u32 $0xFFFFFC00, v1  }
0x3a6: {  	v9 =	vand.u32 $0xFFFFFC00, v9;
	v10 =	vadd.s32 $0x1000, v8;
	v5 =	vmul.f32 $1.000000000e+01, v5  }
0x3a7: {  	v11 =	vadd.s32 $0x3000, v8;
	v15 =	vadd.s32 $0x2000, v8;
	v12 =	vadd.s32 v10, v9  }
0x3a8: {  	v13 =	vadd.s32 v11, v9;
	v6 =	vmul.f32 $1.000000000e+01, v6;
	v5 =	vtrunc.f32 v5  }
0x3a9: {  	v14 =	vadd.s32 v8, v9;
	v4 =	vmul.f32 $1.000000000e+01, v4;
	v5 =	vcvt.f32.s32 v5  }
0x3aa: {  	v11 =	vadd.s32 v11, v1;
	v3 =	vmul.f32 $1.000000000e+01, v3;
	v6 =	vtrunc.f32 v6  }
0x3ab: {  	v4 =	vtrunc.f32 v4;
	v6 =	vcvt.f32.s32 v6;
	v5 =	vshll.u32 v5, $0x1  }
0x3ac: {  	v3 =	vtrunc.f32 v3;
	v4 =	vcvt.f32.s32 v4;
	v16 =	vadd.s32 $0x1E, v5  }
0x3ad: {  	v3 =	vcvt.f32.s32 v3;
	v5 =	vadd.s32 $0x1F, v5;
	v6 =	vshll.u32 v6, $0x1  }
0x3ae: {  	v8 =	vadd.s32 v8, v1;
	v4 =	vshll.u32 v4, $0x1;
	v17 =	vadd.s32 $0x1E, v6  }
0x3af: {  	v10 =	vadd.s32 v10, v1;
	v3 =	vshll.u32 v3, $0x1;
	v18 =	vadd.s32 $0x1E, v4  }
0x3b0: {  	v1 =	vadd.s32 v15, v1;
	v11 =	vor.u32 v7, v11;
	v19 =	vadd.s32 $0x1E, v3  }
0x3b1: {  	v13 =	vor.u32 v7, v13;
	v11 =	vor.u32 v0, v11;
	v4 =	vadd.s32 $0x1F, v4;
	v16 =	vld.idx.msk [tilespmem:v16+s28+$0x0], $0xffff  }
0x3b2: {  	v8 =	vor.u32 v7, v8;
	v13 =	vor.u32 v59, v13;
	v6 =	vadd.s32 $0x1F, v6;
	v5 =	vld.idx.msk [tilespmem:v5+s28+$0x0], $0xffff  }
0x3b3: {  	v10 =	vor.u32 v7, v10;
	v8 =	vor.u32 v0, v8;
	v3 =	vadd.s32 $0x1F, v3;
	v17 =	vld.idx.msk [tilespmem:v17+s28+$0x0], $0xffff  }
0x3b4: {  	v1 =	vor.u32 v7, v1;
	v10 =	vor.u32 v0, v10;
	v18 =	vld.idx.msk [tilespmem:v18+s28+$0x0], $0xffff  }
0x3b5: {  	v9 =	vadd.s32 v15, v9;
	v12 =	vor.u32 v7, v12;
	v61 =	vor.u32 v0, v1;
	v63 =	vld.idx.msk [tilespmem:v19+s28+$0x0], $0xffff  }
0x3b6: {  	v14 =	vor.u32 v7, v14;
	v12 =	vor.u32 v59, v12;
	v4 =	vld.idx.msk [tilespmem:v4+s28+$0x0], $0xffff;
	[tilespmem:v11+s0+$0x0] =	vst.idx.msk $0xffff, v16  }
0x3b7: {  	v62 =	vor.u32 v7, v9;
	v60 =	vor.u32 v59, v14;
	v6 =	vld.idx.msk [tilespmem:v6+s28+$0x0], $0xffff;
	[tilespmem:v13+s0+$0x0] =	vst.idx.msk $0xffff, v5  }
0x3b8: {  	v1 =	vor.u32 v59, v62;
	v3 =	vld.idx.msk [tilespmem:v3+s28+$0x0], $0xffff;
	[tilespmem:v8+s0+$0x0] =	vst.idx.msk $0xffff, v17  }
0x3b9: {  	[tilespmem:v10+s0+$0x0] =	vst.idx.msk $0xffff, v18  }
0x3ba: {  	[tilespmem:v61+s0+$0x0] =	vst.idx.msk $0xffff, v63  }
0x3bb: {  	[tilespmem:v12+s0+$0x0] =	vst.idx.msk $0xffff, v4  }
0x3bc: {  	[tilespmem:v60+s0+$0x0] =	vst.idx.msk $0xffff, v6  }
0x3bd: {  	s26 =	simm.s32 $0x0;
	[tilespmem:v1+s0+$0x0] =	vst.idx.msk $0xffff, v3  }
0x3be: {  	[hbm4b:s15+s26] =	stream.linear.scatter [tilespmem:s0], [sflag:$0x2], $0x4000, $0x38;
	[tilespmem:$0xF580] =	vst v63  }
0x3bf: {  	_ =	swait.ge [sflag:s22], $0x4000  }
0x3c0: {  	[sflag:s22] =	ssyncset.done $0x0  }
0x3c1: {  	s3 =	simm.s32 $0x0;
	[sflag:s22] =	ssyncadd.s32 $0xFFFFC000  }
.LBB2_24:
0x3c2: {  	s4 =	sshra.s32 s3, $0x2  }
0x3c3: {  	v0 =	vld [tilespmem:s4+$0xF080]  }
0x3c4: {  	v1 =	vld [tilespmem:s4+$0xF210];
	_ =	sdelay $0x3  }
0x3c5: {  	v2 =	vadd.s32 $0x60, v0  }
0x3c6: {  	v1 =	vshll.u32 v1, $0x7;
	v3 =	vand.u32 $0xFFFFFF80, v2  }
0x3c7: {  	v2 =	vand.u32 $0x7F, v2;
	v3 =	vadd.s32 v3, v1  }
0x3c8: {  	v54 =	vadd.s32 $0x68, v0;
	v5 =	vadd.s32 $0x70, v0;
	v2 =	vor.u32 v2, v3  }
0x3c9: {  	v6 =	vadd.s32 $0x78, v0;
	v4 =	vand.u32 $0xFFFFFF80, v54;
	v55 =	vand.u32 $0xFFFFFF80, v5  }
0x3ca: {  	v5 =	vand.u32 $0x7F, v5;
	v4 =	vadd.s32 v4, v1;
	v3 =	vand.u32 $0x7F, v54  }
0x3cb: {  	v7 =	vld [tilespmem:s4+$0xF3A0];
	v56 =	vand.u32 $0xFFFFFF80, v6;
	v3 =	vor.u32 v3, v4;
	v4 =	vadd.s32 v55, v1  }
0x3cc: {  	v6 =	vand.u32 $0x7F, v6;
	v1 =	vadd.s32 v56, v1;
	v4 =	vor.u32 v5, v4  }
0x3cd: {  	v1 =	vor.u32 v6, v1;
	v2 =	vld.idx.msk [tilespmem:v2+s26+$0x0], $0xffff;
	_ =	sdelay $0x2  }
0x3ce: {  	v57 =	vand.u32 $0x7F, v7;
	v58 =	vshll.u32 v0, $0x9;
	v8 =	vshll.u32 v7, $0x3;
	v3 =	vld.idx.msk [tilespmem:v3+s26+$0x0], $0xffff  }
0x3cf: {  	v0 =	vshll.u32 v0, $0x7;
	v7 =	vadd.s32 $0x1, v7;
	v8 =	vand.u32 $0xFFFFFC00, v8;
	v4 =	vld.idx.msk [tilespmem:v4+s26+$0x0], $0xffff  }
0x3d0: {  	v0 =	vand.u32 $0x380, v0;
	v10 =	vshll.u32 v7, $0x3;
	v1 =	vld.idx.msk [tilespmem:v1+s26+$0x0], $0xffff;
	v2 =	vmul.f32 $1.000000000e+01, v2  }
0x3d1: {  	v7 =	vand.u32 $0x7F, v7;
	v10 =	vand.u32 $0xFFFFFC00, v10;
	v6 =	vand.u32 $0xFFFFF000, v58  }
0x3d2: {  	v9 =	vadd.s32 v6, v8;
	v12 =	vadd.s32 v6, v10;
	v2 =	vtrunc.f32 v2  }
0x3d3: {  	v13 =	vadd.s32 $0x1000, v6;
	v3 =	vmul.f32 $1.000000000e+01, v3;
	v2 =	vcvt.f32.s32 v2  }
0x3d4: {  	v60 =	vadd.s32 $0x2000, v6;
	v6 =	vadd.s32 $0x3000, v6;
	v4 =	vmul.f32 $1.000000000e+01, v4  }
0x3d5: {  	v1 =	vmul.f32 $1.000000000e+01, v1;
	v3 =	vtrunc.f32 v3;
	v2 =	vshll.u32 v2, $0x1  }
0x3d6: {  	v9 =	vor.u32 v0, v9;
	v3 =	vcvt.f32.s32 v3;
	v4 =	vtrunc.f32 v4  }
0x3d7: {  	v1 =	vtrunc.f32 v1;
	v4 =	vcvt.f32.s32 v4;
	v11 =	vor.u32 $0x1, v2  }
0x3d8: {  	v12 =	vor.u32 v0, v12;
	v1 =	vcvt.f32.s32 v1;
	v3 =	vshll.u32 v3, $0x1  }
0x3d9: {  	v15 =	vadd.s32 v13, v8;
	v13 =	vadd.s32 v13, v10;
	v4 =	vshll.u32 v4, $0x1  }
0x3da: {  	v61 =	vadd.s32 v60, v8;
	v9 =	vor.u32 v57, v9;
	v1 =	vshll.u32 v1, $0x1;
	v2 =	vld.idx.msk [tilespmem:v2+s28+$0x0], $0xffff  }
0x3db: {  	v8 =	vadd.s32 v6, v8;
	v12 =	vor.u32 v7, v12;
	v14 =	vor.u32 $0x1, v3  }
0x3dc: {  	v15 =	vor.u32 v0, v15;
	v59 =	vor.u32 v0, v13;
	v16 =	vor.u32 $0x1, v4;
	v11 =	vld.idx.msk [tilespmem:v11+s28+$0x0], $0xffff  }
0x3dd: {  	v13 =	vor.u32 v0, v61;
	v15 =	vor.u32 v57, v15;
	v17 =	vor.u32 $0x1, v1;
	v3 =	vld.idx.msk [tilespmem:v3+s28+$0x0], $0xffff  }
0x3de: {  	v8 =	vor.u32 v0, v8;
	v13 =	vor.u32 v57, v13;
	v4 =	vld.idx.msk [tilespmem:v4+s28+$0x0], $0xffff  }
0x3df: {  	v5 =	vor.u32 v57, v8;
	v1 =	vld.idx.msk [tilespmem:v1+s28+$0x0], $0xffff;
	[tilespmem:v9+s1+$0x0] =	vst.idx.msk $0xffff, v2;
	v9 =	vadd.s32 v60, v10  }
0x3e0: {  	v6 =	vadd.s32 v6, v10;
	v14 =	vld.idx.msk [tilespmem:v14+s28+$0x0], $0xffff;
	v2 =	vor.u32 v7, v59;
	v9 =	vor.u32 v0, v9  }
0x3e1: {  	v62 =	vld.idx.msk [tilespmem:v16+s28+$0x0], $0xffff;
	[tilespmem:v12+s1+$0x0] =	vst.idx.msk $0xffff, v11;
	v0 =	vor.u32 v0, v6;
	v9 =	vor.u32 v7, v9  }
0x3e2: {  	p0 =	sne.s32 s3, $0x600;
	v63 =	vld.idx.msk [tilespmem:v17+s28+$0x0], $0xffff;
	[tilespmem:v15+s1+$0x0] =	vst.idx.msk $0xffff, v3;
	v0 =	vor.u32 v7, v0  }
.Ltmp13:
0x3e3: {  	[tilespmem:v13+s1+$0x0] =	vst.idx.msk $0xffff, v4;
	(pc) =	sbr.rel @p0 .LBB2_24-.Ltmp13, $4  }
0x3e4: {  	[tilespmem:v5+s1+$0x0] =	vst.idx.msk $0xffff, v1  }
0x3e5: {  	[tilespmem:v2+s1+$0x0] =	vst.idx.msk $0xffff, v14  }
0x3e6: {  	[tilespmem:v9+s1+$0x0] =	vst.idx.msk $0xffff, v62  }
0x3e7: {  	s3 =	sadd.s32 $0x40, s3;
	[tilespmem:v0+s1+$0x0] =	vst.idx.msk $0xffff, v63  }
.LBB2_25:
0x3e8: {  	s3 =	sshra.s32 s26, $0x2  }
0x3e9: {  	v0 =	vld [tilespmem:s3+$0xF080]  }
0x3ea: {  	v1 =	vld [tilespmem:s3+$0xF210];
	_ =	sdelay $0x3  }
0x3eb: {  	v2 =	vadd.s32 $0x60, v0  }
0x3ec: {  	v1 =	vshll.u32 v1, $0x7;
	v54 =	vadd.s32 $0x68, v0;
	v55 =	vadd.s32 $0x70, v0  }
0x3ed: {  	v7 =	vadd.s32 $0x78, v0;
	v3 =	vand.u32 $0xFFFFFF80, v2;
	v2 =	vand.u32 $0x7F, v2  }
0x3ee: {  	v4 =	vand.u32 $0xFFFFFF80, v54;
	v6 =	vand.u32 $0xFFFFFF80, v55;
	v3 =	vadd.s32 v3, v1  }
0x3ef: {  	v56 =	vand.u32 $0xFFFFFF80, v7;
	v7 =	vand.u32 $0x7F, v7;
	v2 =	vor.u32 v2, v3  }
0x3f0: {  	v4 =	vadd.s32 v4, v1;
	v6 =	vadd.s32 v6, v1;
	v1 =	vadd.s32 v56, v1  }
0x3f1: {  	v5 =	vld [tilespmem:s3+$0xF3A0];
	v3 =	vand.u32 $0x7F, v54;
	v1 =	vor.u32 v7, v1  }
0x3f2: {  	v3 =	vor.u32 v3, v4  }
0x3f3: {  	v4 =	vand.u32 $0x7F, v55  }
0x3f4: {  	v4 =	vor.u32 v4, v6;
	v2 =	vld.idx.msk [tilespmem:v2+s21+$0x0], $0xffff;
	_ =	sdelay $0x1  }
0x3f5: {  	v57 =	vadd.s32 $0x64, v5;
	v8 =	vshll.u32 v0, $0x9;
	v0 =	vshll.u32 v0, $0x7;
	v1 =	vld.idx.msk [tilespmem:v1+s21+$0x0], $0xffff  }
0x3f6: {  	v5 =	vadd.s32 $0x65, v5;
	v9 =	vshll.u32 v57, $0x3;
	v8 =	vand.u32 $0xFFFFF000, v8;
	v3 =	vld.idx.msk [tilespmem:v3+s21+$0x0], $0xffff  }
0x3f7: {  	v0 =	vand.u32 $0x380, v0;
	v11 =	vshll.u32 v5, $0x3;
	v9 =	vand.u32 $0xFFFFFC00, v9  }
0x3f8: {  	v11 =	vand.u32 $0xFFFFFC00, v11;
	v14 =	vadd.s32 $0x1000, v8;
	v4 =	vld.idx.msk [tilespmem:v4+s21+$0x0], $0xffff;
	v2 =	vtrunc.f32 v2  }
0x3f9: {  	v60 =	vadd.s32 $0x2000, v8;
	v10 =	vadd.s32 v8, v9;
	v2 =	vcvt.f32.s32 v2  }
0x3fa: {  	v12 =	vadd.s32 v8, v11;
	v15 =	vadd.s32 v14, v9;
	v1 =	vtrunc.f32 v1  }
0x3fb: {  	v3 =	vtrunc.f32 v3;
	v1 =	vcvt.f32.s32 v1;
	v2 =	vshll.u32 v2, $0x1  }
0x3fc: {  	v17 =	vadd.s32 v60, v9;
	v3 =	vcvt.f32.s32 v3;
	v58 =	vadd.s32 $0x16, v2  }
0x3fd: {  	v4 =	vtrunc.f32 v4;
	v1 =	vshll.u32 v1, $0x1;
	v2 =	vadd.s32 $0x17, v2  }
0x3fe: {  	v8 =	vadd.s32 $0x3000, v8;
	v4 =	vcvt.f32.s32 v4;
	v61 =	vadd.s32 $0x16, v1  }
0x3ff: {  	v10 =	vor.u32 v0, v10;
	v3 =	vshll.u32 v3, $0x1;
	v1 =	vadd.s32 $0x17, v1  }
0x400: {  	v6 =	vand.u32 $0x7F, v57;
	v13 =	vadd.s32 $0x16, v3;
	v4 =	vshll.u32 v4, $0x1  }
0x401: {  	v9 =	vadd.s32 v8, v9;
	v10 =	vor.u32 v6, v10;
	v16 =	vadd.s32 $0x16, v4;
	v7 =	vld.idx.msk [tilespmem:v58+s28+$0x0], $0xffff  }
0x402: {  	v5 =	vand.u32 $0x7F, v5;
	v9 =	vor.u32 v0, v9;
	v3 =	vadd.s32 $0x17, v3;
	v2 =	vld.idx.msk [tilespmem:v2+s28+$0x0], $0xffff  }
0x403: {  	v12 =	vor.u32 v0, v12;
	v62 =	vor.u32 v6, v9;
	v4 =	vadd.s32 $0x17, v4;
	v63 =	vld.idx.msk [tilespmem:v61+s28+$0x0], $0xffff  }
0x404: {  	v14 =	vadd.s32 v14, v11;
	v15 =	vor.u32 v0, v15;
	v12 =	vor.u32 v5, v12;
	v1 =	vld.idx.msk [tilespmem:v1+s28+$0x0], $0xffff  }
0x405: {  	v59 =	vor.u32 v0, v14;
	v17 =	vor.u32 v0, v17;
	v15 =	vor.u32 v6, v15;
	v13 =	vld.idx.msk [tilespmem:v13+s28+$0x0], $0xffff  }
0x406: {  	v17 =	vor.u32 v6, v17;
	v16 =	vld.idx.msk [tilespmem:v16+s28+$0x0], $0xffff;
	[tilespmem:v10+s1+$0x0] =	vst.idx.msk $0xffff, v7;
	v10 =	vadd.s32 v60, v11  }
0x407: {  	v8 =	vadd.s32 v8, v11;
	v3 =	vld.idx.msk [tilespmem:v3+s28+$0x0], $0xffff;
	v7 =	vor.u32 v5, v59;
	v10 =	vor.u32 v0, v10  }
0x408: {  	v4 =	vld.idx.msk [tilespmem:v4+s28+$0x0], $0xffff;
	[tilespmem:v62+s1+$0x0] =	vst.idx.msk $0xffff, v63;
	v0 =	vor.u32 v0, v8;
	v10 =	vor.u32 v5, v10  }
0x409: {  	p0 =	sne.s32 s26, $0x600;
	[tilespmem:v12+s1+$0x0] =	vst.idx.msk $0xffff, v2;
	v0 =	vor.u32 v5, v0  }
.Ltmp14:
0x40a: {  	[tilespmem:v15+s1+$0x0] =	vst.idx.msk $0xffff, v13;
	(pc) =	sbr.rel @p0 .LBB2_25-.Ltmp14, $4  }
0x40b: {  	[tilespmem:v17+s1+$0x0] =	vst.idx.msk $0xffff, v16  }
0x40c: {  	[tilespmem:v7+s1+$0x0] =	vst.idx.msk $0xffff, v3  }
0x40d: {  	[tilespmem:v10+s1+$0x0] =	vst.idx.msk $0xffff, v4  }
0x40e: {  	s26 =	sadd.s32 $0x40, s26;
	[tilespmem:v0+s1+$0x0] =	vst.idx.msk $0xffff, v1  }
0x40f: {  	s30 =	simm.s32 $0x0  }
0x410: {  	v0 =	vld [tilespmem:s30+$0xF210]  }
0x411: {  	v3 =	vld [tilespmem:s30+$0xF080];
	_ =	sdelay $0x4  }
0x412: {  	v0 =	vshll.u32 v0, $0x7;
	v1 =	vadd.s32 $0x60, v3  }
0x413: {  	v5 =	vld [tilespmem:s30+$0xF3A0];
	v2 =	vadd.s32 $0x70, v3;
	v4 =	vadd.s32 $0x78, v3;
	v6 =	vand.u32 $0xFFFFFF80, v1  }
0x414: {  	v7 =	vand.u32 $0xFFFFFF80, v4;
	v1 =	vand.u32 $0x7F, v1;
	v8 =	vand.u32 $0x7F, v2  }
0x415: {  	v2 =	vand.u32 $0xFFFFFF80, v2;
	v4 =	vand.u32 $0x7F, v4;
	v6 =	vadd.s32 v6, v0  }
0x416: {  	v7 =	vadd.s32 v7, v0;
	v2 =	vadd.s32 v2, v0;
	v1 =	vor.u32 v1, v6  }
0x417: {  	v6 =	vadd.s32 $0x68, v3;
	v4 =	vor.u32 v4, v7;
	v7 =	vshll.u32 v3, $0x9  }
0x418: {  	v8 =	vor.u32 v8, v2;
	v2 =	vadd.s32 $0xC9, v5;
	v9 =	vand.u32 $0xFFFFFF80, v6  }
0x419: {  	v3 =	vshll.u32 v3, $0x7;
	v6 =	vand.u32 $0x7F, v6;
	v9 =	vadd.s32 v9, v0  }
0x41a: {  	v0 =	vand.u32 $0x7F, v2;
	v9 =	vor.u32 v6, v9;
	v6 =	vadd.s32 $0xC8, v5  }
0x41b: {  	v5 =	vshll.u32 v2, $0x3;
	v2 =	vand.u32 $0xFFFFF000, v7;
	v7 =	vshll.u32 v6, $0x3;
	v11 =	vld.idx.msk [tilespmem:v1+s23+$0x0], $0xffff  }
0x41c: {  	v1 =	vand.u32 $0xFFFFFC00, v5;
	v12 =	vld.idx.msk [tilespmem:v4+s23+$0x0], $0xffff;
	v5 =	vand.u32 $0xFFFFFC00, v7;
	v7 =	vadd.s32 $0x3000, v2  }
0x41d: {  	v6 =	vand.u32 $0x7F, v6;
	v8 =	vld.idx.msk [tilespmem:v8+s23+$0x0], $0xffff;
	v4 =	vand.u32 $0x380, v3;
	v3 =	vadd.s32 v7, v5  }
0x41e: {  	v7 =	vadd.s32 v7, v1;
	v10 =	vadd.s32 v2, v5;
	v3 =	vor.u32 v4, v3  }
0x41f: {  	v13 =	vor.u32 v4, v7;
	v14 =	vld.idx.msk [tilespmem:v9+s23+$0x0], $0xffff;
	v9 =	vadd.s32 v2, v1;
	v7 =	vor.u32 v6, v3  }
0x420: {  	v3 =	vor.u32 v0, v13;
	v15 =	vtrunc.f32 v11;
	v11 =	vadd.s32 $0x2000, v2  }
0x421: {  	v12 =	vtrunc.f32 v12;
	v13 =	vcvt.f32.s32 v15;
	v15 =	vadd.s32 v11, v5  }
0x422: {  	v8 =	vtrunc.f32 v8;
	v12 =	vcvt.f32.s32 v12;
	v15 =	vor.u32 v4, v15  }
0x423: {  	v18 =	vshll.u32 v13, $0x1;
	v13 =	vcvt.f32.s32 v8;
	v8 =	vor.u32 v6, v15  }
0x424: {  	v14 =	vtrunc.f32 v14;
	v12 =	vshll.u32 v12, $0x1;
	v15 =	vadd.s32 $0x1A, v18  }
0x425: {  	v17 =	vcvt.f32.s32 v14;
	v16 =	vadd.s32 $0x1A, v12;
	v13 =	vshll.u32 v13, $0x1  }
0x426: {  	s26 =	simm.s32 $0x40;
	s4 =	simm.s32 $0x80;
	s3 =	simm.s32 $0x10;
	v12 =	vadd.s32 $0x1B, v12;
	v14 =	vadd.s32 $0x1A, v13;
	v13 =	vadd.s32 $0x1B, v13  }
.LBB2_27:
0x427: {  	p0 =	sne.s32 s4, $0x600;
	v18 =	vadd.s32 $0x1B, v18;
	v9 =	vor.u32 v4, v9;
	v11 =	vadd.s32 v11, v1;
	s6 =	smov.u32 s4;
	s4 =	sadd.s32 $0x40, s4  }
0x428: {  	v10 =	vor.u32 v4, v10;
	v9 =	vor.u32 v0, v9;
	v11 =	vor.u32 v4, v11  }
0x429: {  	v17 =	vshll.u32 v17, $0x1;
	v10 =	vor.u32 v6, v10;
	v15 =	vld.idx.msk [tilespmem:v15+s28+$0x0], $0xffff;
	v11 =	vor.u32 v0, v11  }
0x42a: {  	v2 =	vadd.s32 $0x1000, v2;
	v19 =	vadd.s32 $0x1A, v17;
	v17 =	vadd.s32 $0x1B, v17;
	v16 =	vld.idx.msk [tilespmem:v16+s28+$0x0], $0xffff  }
0x42b: {  	v5 =	vadd.s32 v2, v5;
	v1 =	vadd.s32 v2, v1;
	v2 =	vld.idx.msk [tilespmem:v14+s28+$0x0], $0xffff  }
0x42c: {  	v5 =	vor.u32 v4, v5;
	v1 =	vor.u32 v4, v1;
	v4 =	vld.idx.msk [tilespmem:v13+s28+$0x0], $0xffff  }
0x42d: {  	v5 =	vor.u32 v6, v5;
	v0 =	vor.u32 v0, v1;
	v1 =	vld.idx.msk [tilespmem:v12+s28+$0x0], $0xffff  }
0x42e: {  	s6 =	sshra.s32 s6, $0x2;
	v6 =	vld.idx.msk [tilespmem:v18+s28+$0x0], $0xffff  }
0x42f: {  	[tilespmem:v10+s1+$0x0] =	vst.idx.msk $0xffff, v15;
	v10 =	vld.idx.msk [tilespmem:v19+s28+$0x0], $0xffff  }
0x430: {  	v12 =	vld.idx.msk [tilespmem:v17+s28+$0x0], $0xffff;
	[tilespmem:v7+s1+$0x0] =	vst.idx.msk $0xffff, v16  }
0x431: {  	[tilespmem:v8+s1+$0x0] =	vst.idx.msk $0xffff, v2  }
0x432: {  	[tilespmem:v11+s1+$0x0] =	vst.idx.msk $0xffff, v4  }
0x433: {  	[tilespmem:v3+s1+$0x0] =	vst.idx.msk $0xffff, v1  }
0x434: {  	[tilespmem:v9+s1+$0x0] =	vst.idx.msk $0xffff, v6  }
0x435: {  	[tilespmem:v5+s1+$0x0] =	vst.idx.msk $0xffff, v10  }
0x436: {  	[tilespmem:v0+s1+$0x0] =	vst.idx.msk $0xffff, v12  }
0x437: {  	v0 =	vld [tilespmem:s3+$0xF210]  }
0x438: {  	v3 =	vld [tilespmem:s3+$0xF080];
	_ =	sdelay $0x3  }
0x439: {  	v0 =	vshll.u32 v0, $0x7  }
0x43a: {  	v1 =	vadd.s32 $0x60, v3;
	v2 =	vadd.s32 $0x70, v3;
	v4 =	vadd.s32 $0x78, v3  }
0x43b: {  	v5 =	vld [tilespmem:s3+$0xF3A0];
	v6 =	vand.u32 $0xFFFFFF80, v1;
	v7 =	vand.u32 $0x7F, v2;
	v8 =	vand.u32 $0xFFFFFF80, v4;
	s3 =	smov.u32 s6  }
0x43c: {  	v1 =	vand.u32 $0x7F, v1;
	v6 =	vadd.s32 v6, v0;
	v8 =	vadd.s32 v8, v0  }
0x43d: {  	v2 =	vand.u32 $0xFFFFFF80, v2;
	v4 =	vand.u32 $0x7F, v4;
	v1 =	vor.u32 v1, v6  }
0x43e: {  	v2 =	vadd.s32 v2, v0;
	v6 =	vadd.s32 $0x68, v3;
	v4 =	vor.u32 v4, v8  }
0x43f: {  	v8 =	vshll.u32 v3, $0x9;
	v7 =	vor.u32 v7, v2;
	v9 =	vand.u32 $0xFFFFFF80, v6  }
0x440: {  	v6 =	vand.u32 $0x7F, v6;
	v9 =	vadd.s32 v9, v0;
	v2 =	vadd.s32 $0xC9, v5  }
0x441: {  	v9 =	vor.u32 v6, v9;
	v0 =	vand.u32 $0x7F, v2  }
0x442: {  	v6 =	vadd.s32 $0xC8, v5;
	v11 =	vld.idx.msk [tilespmem:v1+s23+$0x0], $0xffff;
	v1 =	vshll.u32 v2, $0x3  }
0x443: {  	v5 =	vshll.u32 v6, $0x3;
	v2 =	vand.u32 $0xFFFFF000, v8;
	v1 =	vand.u32 $0xFFFFFC00, v1;
	v8 =	vld.idx.msk [tilespmem:v4+s23+$0x0], $0xffff  }
0x444: {  	v3 =	vshll.u32 v3, $0x7;
	v5 =	vand.u32 $0xFFFFFC00, v5;
	v12 =	vld.idx.msk [tilespmem:v7+s23+$0x0], $0xffff;
	v7 =	vadd.s32 $0x3000, v2  }
0x445: {  	v4 =	vand.u32 $0x380, v3;
	v3 =	vadd.s32 v7, v5;
	v7 =	vadd.s32 v7, v1  }
0x446: {  	v6 =	vand.u32 $0x7F, v6;
	v13 =	vld.idx.msk [tilespmem:v9+s23+$0x0], $0xffff;
	v3 =	vor.u32 v4, v3;
	v14 =	vor.u32 v4, v7  }
0x447: {  	v10 =	vadd.s32 v2, v5;
	v9 =	vadd.s32 v2, v1;
	v7 =	vor.u32 v6, v3  }
0x448: {  	v15 =	vtrunc.f32 v11;
	v11 =	vadd.s32 $0x2000, v2;
	v3 =	vor.u32 v0, v14  }
0x449: {  	v14 =	vcvt.f32.s32 v15;
	v15 =	vadd.s32 v11, v5;
	v8 =	vtrunc.f32 v8  }
.Ltmp15:
0x44a: {  	v12 =	vtrunc.f32 v12;
	v15 =	vor.u32 v4, v15;
	v16 =	vcvt.f32.s32 v8;
	(pc) =	sbr.rel @p0 .LBB2_27-.Ltmp15, $4  }
0x44b: {  	v18 =	vshll.u32 v14, $0x1;
	v12 =	vcvt.f32.s32 v12;
	v8 =	vor.u32 v6, v15  }
0x44c: {  	v15 =	vadd.s32 $0x1A, v18;
	v13 =	vtrunc.f32 v13;
	v19 =	vshll.u32 v16, $0x1  }
0x44d: {  	v17 =	vcvt.f32.s32 v13;
	v12 =	vshll.u32 v12, $0x1;
	v16 =	vadd.s32 $0x1A, v19  }
0x44e: {  	v14 =	vadd.s32 $0x1A, v12;
	v13 =	vadd.s32 $0x1B, v12;
	v12 =	vadd.s32 $0x1B, v19  }
0x44f: {  	_ =	sdelay $0x3  }
0x450: {  	v18 =	vadd.s32 $0x1B, v18;
	v17 =	vshll.u32 v17, $0x1;
	v16 =	vld.idx.msk [tilespmem:v16+s28+$0x0], $0xffff  }
0x451: {  	v10 =	vor.u32 v4, v10;
	v14 =	vld.idx.msk [tilespmem:v14+s28+$0x0], $0xffff;
	v19 =	vadd.s32 $0x1A, v17  }
0x452: {  	v15 =	vld.idx.msk [tilespmem:v15+s28+$0x0], $0xffff;
	v11 =	vadd.s32 v11, v1;
	v10 =	vor.u32 v6, v10;
	v17 =	vadd.s32 $0x1B, v17  }
0x453: {  	v9 =	vor.u32 v4, v9;
	v2 =	vadd.s32 $0x1000, v2;
	v12 =	vld.idx.msk [tilespmem:v12+s28+$0x0], $0xffff;
	v11 =	vor.u32 v4, v11  }
0x454: {  	v13 =	vld.idx.msk [tilespmem:v13+s28+$0x0], $0xffff;
	v9 =	vor.u32 v0, v9;
	v5 =	vadd.s32 v2, v5;
	v11 =	vor.u32 v0, v11  }
0x455: {  	v1 =	vadd.s32 v2, v1;
	v2 =	vor.u32 v4, v5;
	v18 =	vld.idx.msk [tilespmem:v18+s28+$0x0], $0xffff;
	[tilespmem:v7+s1+$0x0] =	vst.idx.msk $0xffff, v16  }
0x456: {  	v1 =	vor.u32 v4, v1;
	v2 =	vor.u32 v6, v2;
	[tilespmem:v8+s1+$0x0] =	vst.idx.msk $0xffff, v14;
	v4 =	vld.idx.msk [tilespmem:v19+s28+$0x0], $0xffff  }
0x457: {  	v0 =	vor.u32 v0, v1;
	[tilespmem:v10+s1+$0x0] =	vst.idx.msk $0xffff, v15;
	v1 =	vld.idx.msk [tilespmem:v17+s28+$0x0], $0xffff  }
0x458: {  	[tilespmem:v3+s1+$0x0] =	vst.idx.msk $0xffff, v12  }
0x459: {  	[tilespmem:v11+s1+$0x0] =	vst.idx.msk $0xffff, v13  }
0x45a: {  	[tilespmem:v9+s1+$0x0] =	vst.idx.msk $0xffff, v18  }
0x45b: {  	[tilespmem:v2+s1+$0x0] =	vst.idx.msk $0xffff, v4  }
0x45c: {  	[tilespmem:v0+s1+$0x0] =	vst.idx.msk $0xffff, v1  }
0x45d: {  	v0 =	vld [tilespmem:s3+$0xF210]  }
0x45e: {  	v1 =	vld [tilespmem:s3+$0xF080];
	_ =	sdelay $0x4  }
0x45f: {  	v0 =	vshll.u32 v0, $0x7;
	v2 =	vadd.s32 $0x60, v1  }
0x460: {  	v3 =	vadd.s32 $0x78, v1;
	v4 =	vadd.s32 $0x70, v1;
	v5 =	vand.u32 $0xFFFFFF80, v2  }
0x461: {  	v6 =	vand.u32 $0xFFFFFF80, v3;
	v2 =	vand.u32 $0x7F, v2;
	v5 =	vadd.s32 v5, v0  }
0x462: {  	v3 =	vand.u32 $0x7F, v3;
	v6 =	vadd.s32 v6, v0;
	v2 =	vor.u32 v2, v5  }
0x463: {  	v5 =	vand.u32 $0xFFFFFF80, v4;
	v3 =	vor.u32 v3, v6  }
0x464: {  	v4 =	vand.u32 $0x7F, v4;
	v6 =	vld [tilespmem:s3+$0xF3A0];
	v5 =	vadd.s32 v5, v0  }
0x465: {  	v4 =	vor.u32 v4, v5;
	v5 =	vadd.s32 $0x68, v1  }
0x466: {  	v8 =	vshll.u32 v1, $0x9;
	v7 =	vand.u32 $0xFFFFFF80, v5  }
0x467: {  	v8 =	vand.u32 $0xFFFFF000, v8;
	v5 =	vand.u32 $0x7F, v5;
	v0 =	vadd.s32 v7, v0;
	v2 =	vld.idx.msk [tilespmem:v2+s23+$0x0], $0xffff  }
0x468: {  	v10 =	vadd.s32 $0x3000, v8;
	v3 =	vld.idx.msk [tilespmem:v3+s23+$0x0], $0xffff;
	v0 =	vor.u32 v5, v0  }
0x469: {  	v61 =	vadd.s32 $0x2000, v8;
	v1 =	vshll.u32 v1, $0x7;
	v7 =	vadd.s32 $0xC9, v6  }
0x46a: {  	v1 =	vand.u32 $0x380, v1;
	v5 =	vadd.s32 $0xC8, v6;
	v6 =	vand.u32 $0x7F, v7  }
0x46b: {  	v7 =	vshll.u32 v7, $0x3;
	v9 =	vshll.u32 v5, $0x3;
	v5 =	vand.u32 $0x7F, v5;
	v4 =	vld.idx.msk [tilespmem:v4+s23+$0x0], $0xffff  }
0x46c: {  	v7 =	vand.u32 $0xFFFFFC00, v7;
	v9 =	vand.u32 $0xFFFFFC00, v9;
	v2 =	vtrunc.f32 v2  }
0x46d: {  	v11 =	vadd.s32 v10, v9;
	v3 =	vtrunc.f32 v3;
	v0 =	vld.idx.msk [tilespmem:v0+s23+$0x0], $0xffff;
	v2 =	vcvt.f32.s32 v2  }
0x46e: {  	v10 =	vadd.s32 v10, v7;
	v58 =	vadd.s32 v8, v9;
	v3 =	vcvt.f32.s32 v3  }
0x46f: {  	v60 =	vadd.s32 v8, v7;
	v62 =	vadd.s32 v61, v9;
	v2 =	vshll.u32 v2, $0x1  }
0x470: {  	v4 =	vtrunc.f32 v4;
	v3 =	vshll.u32 v3, $0x1;
	v56 =	vadd.s32 $0x1A, v2  }
0x471: {  	v17 =	vadd.s32 v61, v7;
	v4 =	vcvt.f32.s32 v4;
	v57 =	vadd.s32 $0x1A, v3  }
0x472: {  	v8 =	vadd.s32 $0x1000, v8;
	v3 =	vadd.s32 $0x1B, v3;
	v0 =	vtrunc.f32 v0  }
0x473: {  	v2 =	vadd.s32 $0x1B, v2;
	v4 =	vshll.u32 v4, $0x1;
	v0 =	vcvt.f32.s32 v0  }
0x474: {  	v11 =	vor.u32 v1, v11;
	v14 =	vor.u32 v1, v58;
	v59 =	vadd.s32 $0x1A, v4  }
0x475: {  	v14 =	vor.u32 v5, v14;
	v4 =	vadd.s32 $0x1B, v4;
	v0 =	vshll.u32 v0, $0x1;
	v12 =	vld.idx.msk [tilespmem:v56+s28+$0x0], $0xffff  }
0x476: {  	v10 =	vor.u32 v1, v10;
	v11 =	vor.u32 v5, v11;
	v13 =	vld.idx.msk [tilespmem:v57+s28+$0x0], $0xffff;
	v63 =	vadd.s32 $0x1A, v0  }
0x477: {  	v16 =	vor.u32 v1, v60;
	v10 =	vor.u32 v6, v10;
	v0 =	vadd.s32 $0x1B, v0;
	v3 =	vld.idx.msk [tilespmem:v3+s28+$0x0], $0xffff  }
0x478: {  	v18 =	vor.u32 v1, v62;
	v17 =	vor.u32 v1, v17;
	v16 =	vor.u32 v6, v16;
	v2 =	vld.idx.msk [tilespmem:v2+s28+$0x0], $0xffff  }
0x479: {  	v9 =	vadd.s32 v8, v9;
	v7 =	vadd.s32 v8, v7;
	v18 =	vor.u32 v5, v18;
	v15 =	vld.idx.msk [tilespmem:v59+s28+$0x0], $0xffff  }
0x47a: {  	v17 =	vor.u32 v6, v17;
	v8 =	vor.u32 v1, v9;
	v4 =	vld.idx.msk [tilespmem:v4+s28+$0x0], $0xffff;
	[tilespmem:v14+s1+$0x0] =	vst.idx.msk $0xffff, v12  }
0x47b: {  	v1 =	vor.u32 v1, v7;
	v5 =	vor.u32 v5, v8;
	v7 =	vld.idx.msk [tilespmem:v63+s28+$0x0], $0xffff;
	[tilespmem:v11+s1+$0x0] =	vst.idx.msk $0xffff, v13  }
0x47c: {  	v1 =	vor.u32 v6, v1;
	v0 =	vld.idx.msk [tilespmem:v0+s28+$0x0], $0xffff;
	[tilespmem:v10+s1+$0x0] =	vst.idx.msk $0xffff, v3  }
0x47d: {  	[tilespmem:v16+s1+$0x0] =	vst.idx.msk $0xffff, v2  }
0x47e: {  	[tilespmem:v18+s1+$0x0] =	vst.idx.msk $0xffff, v15  }
0x47f: {  	[tilespmem:v17+s1+$0x0] =	vst.idx.msk $0xffff, v4  }
0x480: {  	[tilespmem:v5+s1+$0x0] =	vst.idx.msk $0xffff, v7  }
0x481: {  	[tilespmem:v1+s1+$0x0] =	vst.idx.msk $0xffff, v0  }
0x482: {  	v5 =	vld [tilespmem:s30+$0xF080]  }
0x483: {  	v0 =	vld [tilespmem:s30+$0xF210];
	_ =	sdelay $0x3  }
0x484: {  	v1 =	vadd.s32 $0x60, v5;
	v2 =	vadd.s32 $0x70, v5;
	v3 =	vadd.s32 $0x78, v5  }
0x485: {  	v0 =	vshll.u32 v0, $0x7;
	v4 =	vand.u32 $0xFFFFFF80, v3;
	v3 =	vand.u32 $0x7F, v3  }
0x486: {  	v7 =	vld [tilespmem:s30+$0xF3A0];
	v6 =	vand.u32 $0xFFFFFF80, v2;
	v9 =	vand.u32 $0x7F, v2;
	v2 =	vadd.s32 v4, v0  }
0x487: {  	v8 =	vshll.u32 v5, $0x9;
	v4 =	vadd.s32 $0x68, v5;
	v11 =	vor.u32 v3, v2  }
0x488: {  	v10 =	vadd.s32 v6, v0;
	v2 =	vand.u32 $0xFFFFFF80, v1;
	v1 =	vand.u32 $0x7F, v1  }
0x489: {  	v3 =	vand.u32 $0xFFFFFF80, v4;
	v4 =	vand.u32 $0x7F, v4;
	v2 =	vadd.s32 v2, v0  }
0x48a: {  	v0 =	vadd.s32 v3, v0;
	v3 =	vor.u32 v9, v10;
	v6 =	vor.u32 v1, v2  }
0x48b: {  	v2 =	vadd.s32 $0x12D, v7;
	v4 =	vor.u32 v4, v0;
	v1 =	vadd.s32 $0x12C, v7  }
0x48c: {  	v7 =	vshll.u32 v5, $0x7;
	v0 =	vand.u32 $0x7F, v1;
	v1 =	vshll.u32 v1, $0x3;
	v5 =	vld.idx.msk [tilespmem:v11+s25+$0x0], $0xffff  }
.LBB2_29:
0x48d: {  	p0 =	sne.s32 s26, $0x600;
	s3 =	smov.u32 s26;
	s26 =	sadd.s32 $0x40, s26  }
0x48e: {  	v8 =	vand.u32 $0xFFFFF000, v8;
	v9 =	vshll.u32 v2, $0x3  }
0x48f: {  	v9 =	vand.u32 $0xFFFFFC00, v9;
	v10 =	vadd.s32 $0x1000, v8;
	v11 =	vadd.s32 $0x3000, v8;
	v6 =	vld.idx.msk [tilespmem:v6+s25+$0x0], $0xffff  }
0x490: {  	v7 =	vand.u32 $0x380, v7;
	v12 =	vadd.s32 v10, v9;
	v13 =	vadd.s32 v11, v9;
	v4 =	vld.idx.msk [tilespmem:v4+s25+$0x0], $0xffff  }
0x491: {  	v14 =	vadd.s32 v8, v9;
	v12 =	vor.u32 v7, v12;
	v13 =	vor.u32 v7, v13;
	v3 =	vld.idx.msk [tilespmem:v3+s25+$0x0], $0xffff  }
0x492: {  	v14 =	vor.u32 v7, v14;
	v5 =	vmul.f32 $1.000000000e+01, v5;
	_ =	sdelay $0x1  }
0x493: {  	s3 =	sshra.s32 s3, $0x2;
	v5 =	vtrunc.f32 v5  }
0x494: {  	v2 =	vand.u32 $0x7F, v2;
	v6 =	vmul.f32 $1.000000000e+01, v6;
	v5 =	vcvt.f32.s32 v5  }
0x495: {  	v15 =	vadd.s32 $0x2000, v8;
	v13 =	vor.u32 v2, v13;
	v4 =	vmul.f32 $1.000000000e+01, v4  }
0x496: {  	v6 =	vtrunc.f32 v6;
	v3 =	vmul.f32 $1.000000000e+01, v3;
	v5 =	vshll.u32 v5, $0x1  }
0x497: {  	v6 =	vcvt.f32.s32 v6;
	v4 =	vtrunc.f32 v4;
	v16 =	vadd.s32 $0x1E, v5  }
0x498: {  	v5 =	vadd.s32 $0x1F, v5;
	v4 =	vcvt.f32.s32 v4;
	v3 =	vtrunc.f32 v3  }
0x499: {  	v1 =	vand.u32 $0xFFFFFC00, v1;
	v6 =	vshll.u32 v6, $0x1;
	v3 =	vcvt.f32.s32 v3  }
0x49a: {  	v11 =	vadd.s32 v11, v1;
	v17 =	vadd.s32 $0x1E, v6;
	v4 =	vshll.u32 v4, $0x1  }
0x49b: {  	v18 =	vadd.s32 $0x1E, v4;
	v4 =	vadd.s32 $0x1F, v4;
	v3 =	vshll.u32 v3, $0x1  }
0x49c: {  	v11 =	vor.u32 v7, v11;
	v19 =	vadd.s32 $0x1E, v3;
	v3 =	vadd.s32 $0x1F, v3;
	v16 =	vld.idx.msk [tilespmem:v16+s28+$0x0], $0xffff  }
0x49d: {  	v8 =	vadd.s32 v8, v1;
	v11 =	vor.u32 v0, v11;
	v6 =	vadd.s32 $0x1F, v6;
	v5 =	vld.idx.msk [tilespmem:v5+s28+$0x0], $0xffff  }
0x49e: {  	v10 =	vadd.s32 v10, v1;
	v1 =	vadd.s32 v15, v1;
	v8 =	vor.u32 v7, v8  }
0x49f: {  	v10 =	vor.u32 v7, v10;
	v1 =	vor.u32 v7, v1;
	v8 =	vor.u32 v0, v8;
	v17 =	vld.idx.msk [tilespmem:v17+s28+$0x0], $0xffff  }
0x4a0: {  	v10 =	vor.u32 v0, v10;
	v0 =	vor.u32 v0, v1;
	v1 =	vadd.s32 v15, v9;
	v18 =	vld.idx.msk [tilespmem:v18+s28+$0x0], $0xffff  }
0x4a1: {  	v9 =	vor.u32 v2, v12;
	v1 =	vor.u32 v7, v1;
	v4 =	vld.idx.msk [tilespmem:v4+s28+$0x0], $0xffff  }
0x4a2: {  	v6 =	vld.idx.msk [tilespmem:v6+s28+$0x0], $0xffff;
	[tilespmem:v11+s1+$0x0] =	vst.idx.msk $0xffff, v16  }
0x4a3: {  	v7 =	vor.u32 v2, v14;
	v11 =	vld.idx.msk [tilespmem:v19+s28+$0x0], $0xffff;
	[tilespmem:v13+s1+$0x0] =	vst.idx.msk $0xffff, v5  }
0x4a4: {  	v3 =	vld.idx.msk [tilespmem:v3+s28+$0x0], $0xffff  }
0x4a5: {  	v1 =	vor.u32 v2, v1;
	[tilespmem:v8+s1+$0x0] =	vst.idx.msk $0xffff, v17  }
0x4a6: {  	[tilespmem:v10+s1+$0x0] =	vst.idx.msk $0xffff, v18  }
0x4a7: {  	[tilespmem:v9+s1+$0x0] =	vst.idx.msk $0xffff, v4  }
0x4a8: {  	[tilespmem:v7+s1+$0x0] =	vst.idx.msk $0xffff, v6  }
0x4a9: {  	[tilespmem:v0+s1+$0x0] =	vst.idx.msk $0xffff, v11  }
0x4aa: {  	[tilespmem:v1+s1+$0x0] =	vst.idx.msk $0xffff, v3  }
0x4ab: {  	v5 =	vld [tilespmem:s3+$0xF080]  }
0x4ac: {  	v0 =	vld [tilespmem:s3+$0xF210];
	_ =	sdelay $0x3  }
0x4ad: {  	v1 =	vadd.s32 $0x60, v5;
	v2 =	vadd.s32 $0x70, v5;
	v3 =	vadd.s32 $0x78, v5  }
0x4ae: {  	v7 =	vld [tilespmem:s3+$0xF3A0];
	v0 =	vshll.u32 v0, $0x7;
	v4 =	vand.u32 $0xFFFFFF80, v3;
	v3 =	vand.u32 $0x7F, v3  }
0x4af: {  	v6 =	vand.u32 $0xFFFFFF80, v2;
	v9 =	vand.u32 $0x7F, v2;
	v2 =	vadd.s32 v4, v0  }
0x4b0: {  	v4 =	vadd.s32 $0x68, v5;
	v10 =	vadd.s32 v6, v0;
	v11 =	vor.u32 v3, v2  }
.Ltmp16:
0x4b1: {  	v2 =	vand.u32 $0xFFFFFF80, v1;
	v1 =	vand.u32 $0x7F, v1;
	v3 =	vand.u32 $0xFFFFFF80, v4;
	(pc) =	sbr.rel @p0 .LBB2_29-.Ltmp16, $4  }
0x4b2: {  	v4 =	vand.u32 $0x7F, v4;
	v2 =	vadd.s32 v2, v0;
	v0 =	vadd.s32 v3, v0  }
0x4b3: {  	v6 =	vor.u32 v1, v2;
	v4 =	vor.u32 v4, v0;
	v2 =	vadd.s32 $0x12D, v7  }
0x4b4: {  	v8 =	vshll.u32 v5, $0x9;
	v3 =	vor.u32 v9, v10;
	v1 =	vadd.s32 $0x12C, v7  }
0x4b5: {  	v7 =	vshll.u32 v5, $0x7;
	v0 =	vand.u32 $0x7F, v1;
	v1 =	vshll.u32 v1, $0x3;
	v5 =	vld.idx.msk [tilespmem:v11+s25+$0x0], $0xffff  }
0x4b6: {  	_ =	sdelay $0x3  }
0x4b7: {  	v6 =	vld.idx.msk [tilespmem:v6+s25+$0x0], $0xffff  }
0x4b8: {  	v8 =	vand.u32 $0xFFFFF000, v8;
	v9 =	vshll.u32 v2, $0x3;
	v4 =	vld.idx.msk [tilespmem:v4+s25+$0x0], $0xffff  }
0x4b9: {  	v3 =	vld.idx.msk [tilespmem:v3+s25+$0x0], $0xffff;
	v7 =	vand.u32 $0x380, v7;
	v59 =	vand.u32 $0x7F, v2;
	v1 =	vand.u32 $0xFFFFFC00, v1  }
0x4ba: {  	v9 =	vand.u32 $0xFFFFFC00, v9;
	v10 =	vadd.s32 $0x1000, v8;
	v5 =	vmul.f32 $1.000000000e+01, v5  }
0x4bb: {  	v11 =	vadd.s32 $0x3000, v8;
	v15 =	vadd.s32 $0x2000, v8;
	v12 =	vadd.s32 v10, v9  }
0x4bc: {  	v13 =	vadd.s32 v11, v9;
	v6 =	vmul.f32 $1.000000000e+01, v6;
	v5 =	vtrunc.f32 v5  }
0x4bd: {  	v14 =	vadd.s32 v8, v9;
	v4 =	vmul.f32 $1.000000000e+01, v4;
	v5 =	vcvt.f32.s32 v5  }
0x4be: {  	v11 =	vadd.s32 v11, v1;
	v3 =	vmul.f32 $1.000000000e+01, v3;
	v6 =	vtrunc.f32 v6  }
0x4bf: {  	v4 =	vtrunc.f32 v4;
	v6 =	vcvt.f32.s32 v6;
	v5 =	vshll.u32 v5, $0x1  }
0x4c0: {  	v3 =	vtrunc.f32 v3;
	v4 =	vcvt.f32.s32 v4;
	v16 =	vadd.s32 $0x1E, v5  }
0x4c1: {  	v3 =	vcvt.f32.s32 v3;
	v5 =	vadd.s32 $0x1F, v5;
	v6 =	vshll.u32 v6, $0x1  }
0x4c2: {  	v8 =	vadd.s32 v8, v1;
	v4 =	vshll.u32 v4, $0x1;
	v17 =	vadd.s32 $0x1E, v6  }
0x4c3: {  	v10 =	vadd.s32 v10, v1;
	v3 =	vshll.u32 v3, $0x1;
	v18 =	vadd.s32 $0x1E, v4  }
0x4c4: {  	v1 =	vadd.s32 v15, v1;
	v11 =	vor.u32 v7, v11;
	v19 =	vadd.s32 $0x1E, v3  }
0x4c5: {  	v13 =	vor.u32 v7, v13;
	v11 =	vor.u32 v0, v11;
	v4 =	vadd.s32 $0x1F, v4;
	v16 =	vld.idx.msk [tilespmem:v16+s28+$0x0], $0xffff  }
0x4c6: {  	v8 =	vor.u32 v7, v8;
	v13 =	vor.u32 v59, v13;
	v6 =	vadd.s32 $0x1F, v6;
	v5 =	vld.idx.msk [tilespmem:v5+s28+$0x0], $0xffff  }
0x4c7: {  	v10 =	vor.u32 v7, v10;
	v8 =	vor.u32 v0, v8;
	v3 =	vadd.s32 $0x1F, v3;
	v17 =	vld.idx.msk [tilespmem:v17+s28+$0x0], $0xffff  }
0x4c8: {  	v1 =	vor.u32 v7, v1;
	v10 =	vor.u32 v0, v10;
	v18 =	vld.idx.msk [tilespmem:v18+s28+$0x0], $0xffff  }
0x4c9: {  	v9 =	vadd.s32 v15, v9;
	v12 =	vor.u32 v7, v12;
	v61 =	vor.u32 v0, v1;
	v63 =	vld.idx.msk [tilespmem:v19+s28+$0x0], $0xffff  }
0x4ca: {  	v14 =	vor.u32 v7, v14;
	v12 =	vor.u32 v59, v12;
	v4 =	vld.idx.msk [tilespmem:v4+s28+$0x0], $0xffff;
	[tilespmem:v11+s1+$0x0] =	vst.idx.msk $0xffff, v16  }
0x4cb: {  	v62 =	vor.u32 v7, v9;
	v60 =	vor.u32 v59, v14;
	v6 =	vld.idx.msk [tilespmem:v6+s28+$0x0], $0xffff;
	[tilespmem:v13+s1+$0x0] =	vst.idx.msk $0xffff, v5  }
0x4cc: {  	v1 =	vor.u32 v59, v62;
	v3 =	vld.idx.msk [tilespmem:v3+s28+$0x0], $0xffff;
	[tilespmem:v8+s1+$0x0] =	vst.idx.msk $0xffff, v17  }
0x4cd: {  	[tilespmem:v10+s1+$0x0] =	vst.idx.msk $0xffff, v18  }
0x4ce: {  	[tilespmem:v61+s1+$0x0] =	vst.idx.msk $0xffff, v63  }
0x4cf: {  	[tilespmem:v12+s1+$0x0] =	vst.idx.msk $0xffff, v4  }
0x4d0: {  	[tilespmem:v60+s1+$0x0] =	vst.idx.msk $0xffff, v6  }
0x4d1: {  	s24 =	sadd.s32 $0x1, s24;
	[tilespmem:v1+s1+$0x0] =	vst.idx.msk $0xffff, v3  }
0x4d2: {  	[hbm4b:s16+s2] =	stream.linear.scatter [tilespmem:s1], [sflag:$0x3], $0x4000, $0x38;
	[tilespmem:$0xF580] =	vst v63  }
0x4d3: {  	p0 =	sne.s32 s24, s17;
	_ =	swait.ge [sflag:s20], $0x4000  }
.Ltmp17:
0x4d4: {  	[sflag:s20] =	ssyncset.done $0x0;
	(pc) =	sbr.rel @p0 .LBB2_1-.Ltmp17, $4  }
0x4d5: {  	[sflag:s20] =	ssyncadd.s32 $0xFFFFC000  }
0x4d6: {  	_ =	swait.ge [sflag:s22], $0x4000  }
0x4d7: {  	[sflag:s22] =	ssyncset.done $0x0  }
0x4d8: {  	[sflag:s22] =	ssyncadd.s32 $0xFFFFC000  }
0x4d9: {  	_ =	sfence.sel $0x180000  }
0x4da: {  	[bflag:$0x0] =	sbarrier.arrive $0xFFFF  }
0x4db: {  	_ =	strace $0x90000047  }
0x4dc: {  	s0 =	stileid.u32;
	[bflag:$0x2] =	sbarrier.arrive $0xFFFF  }
0x4dd: {  	p0 =	sne.s32 s0, $0x0;
	s0 =	rddreg [dreg:$0x2]  }
0x4de: {  	s0 =	sadd.s32 @!p0 $0x100000, s0  }
0x4df: {  	[sflag:s0] =	ssyncadd.tile.s32 @!p0 $0x1;
	_ =	shalt  }
.Lfunc_end2:
_tile_overlayer_lowered:
.L_overlay_start_2:
0x4e0: {  	(tag) =	ssettag $0x2  }
0x4e1: {  	s0 =	rddreg [dreg:$0x0];
	s2 =	stileid.u32  }
0x4e2: {  	s1 =	rddreg [dreg:$0x1];
	p0 =	sne.s32 s2, $0x0  }
0x4e3: {  	s3 =	rddreg [dreg:$0x2];
	[bflag:$0x3] =	sbarrier.arrive $0xFFFF;
	s2 =	simm.s32 @!p0 $0x1C04  }
0x4e4: {  	[timem:s3], [sflag:s2] =	dma.local @!p0 [hbm:s0], s1  }
0x4e5: {  	s0 =	simm.s32 @!p0 $0x4  }
0x4e6: {  	_ =	swait.ge @!p0 [sflag:s0], s1  }
0x4e7: {  	s1 =	ssub.s32 @!p0 $0x0, s1;
	[sflag:s0] =	ssyncset.done @!p0 $0x0  }
0x4e8: {  	[sflag:s0] =	ssyncadd.s32 @!p0 s1  }
0x4e9: {  	[bflag:$0x3] =	sbarrier.arrive $0xFFFF  }
0x4ea: {  	_ =	shalt  }

</sc_bundles>
